<compile_context>
chip_gen: v7x
topology: tpu7x:2x2x1
jax: 0.10.2.dev20260603
libtpu: 0.0.44.dev20260713+nightly
codegen_flags: <defaults>
</compile_context>

<pallas_src>
import functools

import jax
import jax.numpy as jnp
import numpy as np
from jax import lax
from jax.experimental import pallas as pl
from jax.experimental.pallas import tpu as pltpu
from jax.experimental.pallas import tpu_sc as plsc

N = 10000
E = 320000
D = 128
DE = 4
EDGE_DIM = 2
INJ_DIM = 2
NMASK = max(1, int(N * 0.15))
EMASK = max(1, int(E * 0.15))

NC = 2
NS = 16
LANES = 128
K1 = 1
CH1 = K1 * LANES
ITERS1 = 160
E_PAD = NS * ITERS1 * CH1
NP = N + 16

K2 = 2
CH2 = K2 * LANES
ITERS2 = 6
PAIR_PAD = NC * NS * ITERS2 * CH2

NODE_PAD = 1536
DEP = 16

_colmask_n = (np.arange(D) < INJ_DIM).astype(np.float32)[None, :]
_wmask_node = np.zeros((NODE_PAD, 1), np.float32)
_wmask_node[:NMASK] = 1.0
_wmask_edge = np.zeros((PAIR_PAD, 1), np.float32)
_wmask_edge[:EMASK] = 1.0


def _tc_h_body(x_ref, nm_ref, tok_ref, cm_ref, w_ref, b_ref, out_ref):
    x = x_ref[...]
    nm = nm_ref[...]
    xm = x * (1.0 - nm * cm_ref[...]) + nm * tok_ref[...]
    w = w_ref[...]
    b = b_ref[...]
    out_ref[0] = jax.nn.relu(jnp.dot(xm, w, preferred_element_type=jnp.float32) + b)
    out_ref[1] = jax.nn.relu(jnp.dot(x, w, preferred_element_type=jnp.float32) + b)


def _make_h(x, nmask_row, tokrow, colmask, W_in, b_in):
    blk = 1000
    return pl.pallas_call(
        _tc_h_body,
        grid=(N // blk,),
        in_specs=[
            pl.BlockSpec((blk, D), lambda i: (i, 0)),
            pl.BlockSpec((blk, 1), lambda i: (i, 0)),
            pl.BlockSpec((1, D), lambda i: (0, 0)),
            pl.BlockSpec((1, D), lambda i: (0, 0)),
            pl.BlockSpec((D, D), lambda i: (0, 0)),
            pl.BlockSpec((1, D), lambda i: (0, 0)),
        ],
        out_specs=pl.BlockSpec((2, blk, D), lambda i: (0, i, 0)),
        out_shape=jax.ShapeDtypeStruct((2, N, D), jnp.float32),
    )(x, nmask_row, tokrow, colmask, W_in, b_in)


def _tc_ea_body(ea_ref, sel_ref, tok_ref, out_ref):
    ea = ea_ref[...]
    sel = sel_ref[...]
    out_ref[0] = ea
    out_ref[1] = ea * (1.0 - sel) + sel * tok_ref[...]


def _make_ea(ea_r, esel_r, etok128):
    rows = E_PAD * DEP // 128
    blk = 2048
    return pl.pallas_call(
        _tc_ea_body,
        grid=(rows // blk,),
        in_specs=[
            pl.BlockSpec((blk, 128), lambda i: (i, 0)),
            pl.BlockSpec((blk, 128), lambda i: (i, 0)),
            pl.BlockSpec((1, 128), lambda i: (0, 0)),
        ],
        out_specs=pl.BlockSpec((2, blk, 128), lambda i: (0, i, 0)),
        out_shape=jax.ShapeDtypeStruct((2, rows, 128), jnp.float32),
    )(ea_r, esel_r, etok128)


_sc_mesh = plsc.VectorSubcoreMesh(
    core_axis_name="c", subcore_axis_name="s", num_cores=NC, num_subcores=NS)


@functools.partial(
    pl.kernel,
    out_type=jax.ShapeDtypeStruct((NC, N, D), jnp.float32),
    mesh=_sc_mesh,
    scratch_types=(
        pltpu.VMEM((K1, LANES), jnp.int32),
        pltpu.VMEM((K1, LANES), jnp.int32),
        pltpu.VMEM((CH1, D), jnp.float32),
        pltpu.VMEM_SHARED((NP, D), jnp.float32),
        pltpu.SemaphoreType.DMA,
    ),
)
def _sc_segsum(hflat, srcall, dst2d, z_big, s_out,
               idx_s, idx_d, rows, s_acc, semg):
    c = lax.axis_index("c")
    s = lax.axis_index("s")

    @pl.when(s == 0)
    def _():
        pltpu.sync_copy(z_big, s_acc)

    plsc.subcore_barrier()

    def body(i, carry):
        r0 = (s * ITERS1 + i) * K1
        pltpu.sync_copy(srcall.at[c, pl.ds(r0, K1)], idx_s)
        pltpu.sync_copy(dst2d.at[pl.ds(r0, K1)], idx_d)
        descs = []
        for j in range(K1):
            descs.append(pltpu.async_copy(
                hflat.at[idx_s.at[j]],
                rows.at[pl.ds(j * LANES, LANES)], semg))
        for d_ in descs:
            d_.wait()
        for j in range(K1):
            pltpu.sync_copy(rows.at[pl.ds(j * LANES, LANES)],
                            s_acc.at[idx_d.at[j]], add=True)
        return carry

    lax.fori_loop(0, ITERS1, body, 0)
    plsc.subcore_barrier()

    @pl.when(s < 10)
    def _():
        pltpu.sync_copy(s_acc.at[pl.ds(s * 1000, 1000)],
                        s_out.at[c, pl.ds(s * 1000, 1000)])


def _tc_emb_body(s_ref, se_ref, h_ref, wm_ref, we_ref, ws_ref, out_ref):
    acc = jnp.dot(s_ref[0], wm_ref[...], preferred_element_type=jnp.float32)
    acc += jnp.dot(se_ref[0], we_ref[...], preferred_element_type=jnp.float32)
    acc += jnp.dot(h_ref[0], ws_ref[...], preferred_element_type=jnp.float32)
    out_ref[0] = jax.nn.relu(acc)


def _make_emb(S, Se, H, W_msg, W_edge, W_self):
    blk = 1000
    return pl.pallas_call(
        _tc_emb_body,
        grid=(NC, N // blk),
        in_specs=[
            pl.BlockSpec((1, blk, D), lambda c, i: (c, i, 0)),
            pl.BlockSpec((1, blk, DEP), lambda c, i: (c, i, 0)),
            pl.BlockSpec((1, blk, D), lambda c, i: (c, i, 0)),
            pl.BlockSpec((D, D), lambda c, i: (0, 0)),
            pl.BlockSpec((DEP, D), lambda c, i: (0, 0)),
            pl.BlockSpec((D, D), lambda c, i: (0, 0)),
        ],
        out_specs=pl.BlockSpec((1, blk, D), lambda c, i: (c, i, 0)),
        out_shape=jax.ShapeDtypeStruct((NC, N, D), jnp.float32),
    )(S, Se, H, W_msg, W_edge, W_self)


@functools.partial(
    pl.kernel,
    out_type=(
        jax.ShapeDtypeStruct((PAIR_PAD, D), jnp.float32),
        jax.ShapeDtypeStruct((PAIR_PAD, D), jnp.float32),
    ),
    mesh=_sc_mesh,
    scratch_types=(
        pltpu.VMEM((K2, LANES), jnp.int32),
        pltpu.VMEM((K2, LANES), jnp.int32),
        pltpu.VMEM((CH2, D), jnp.float32),
        pltpu.VMEM((CH2, D), jnp.float32),
        pltpu.SemaphoreType.DMA,
    ),
)
def _sc_pair_gather(embflat, ms2d, md2d, g1_out, g2_out,
                    idx_a, idx_b, rows1, rows2, semg):
    c = lax.axis_index("c")
    s = lax.axis_index("s")
    wid = c * NS + s

    def body(i, carry):
        r0 = (wid * ITERS2 + i) * K2
        pltpu.sync_copy(ms2d.at[pl.ds(r0, K2)], idx_a)
        pltpu.sync_copy(md2d.at[pl.ds(r0, K2)], idx_b)
        descs = []
        for j in range(K2):
            descs.append(pltpu.async_copy(
                embflat.at[idx_a.at[j]],
                rows1.at[pl.ds(j * LANES, LANES)], semg))
            descs.append(pltpu.async_copy(
                embflat.at[idx_b.at[j]],
                rows2.at[pl.ds(j * LANES, LANES)], semg))
        for d_ in descs:
            d_.wait()
        pltpu.sync_copy(rows1, g1_out.at[pl.ds(r0 * LANES, CH2)])
        pltpu.sync_copy(rows2, g2_out.at[pl.ds(r0 * LANES, CH2)])
        return carry

    lax.fori_loop(0, ITERS2, body, 0)


def _tc_node_body(e_ref, oi_ref, w1_ref, b1_ref, w2_ref, b2_ref, wm_ref, out_ref):
    hn = jax.nn.relu(
        jnp.dot(e_ref[...], w1_ref[...], preferred_element_type=jnp.float32)
        + b1_ref[...])
    pred = jnp.dot(hn, w2_ref[...], preferred_element_type=jnp.float32) + b2_ref[...]
    out_ref[0, 0] = jnp.sum(jnp.abs(pred - oi_ref[...]) * wm_ref[...])


def _make_node_loss(emb_nc, orig_inj, W1, b1, W2, b2, wmask):
    return pl.pallas_call(
        _tc_node_body,
        grid=(1,),
        in_specs=[
            pl.BlockSpec((NODE_PAD, D), lambda i: (0, 0)),
            pl.BlockSpec((NODE_PAD, INJ_DIM), lambda i: (0, 0)),
            pl.BlockSpec((D, D), lambda i: (0, 0)),
            pl.BlockSpec((1, D), lambda i: (0, 0)),
            pl.BlockSpec((D, INJ_DIM), lambda i: (0, 0)),
            pl.BlockSpec((1, INJ_DIM), lambda i: (0, 0)),
            pl.BlockSpec((NODE_PAD, 1), lambda i: (0, 0)),
        ],
        out_specs=pl.BlockSpec(memory_space=pltpu.SMEM),
        out_shape=jax.ShapeDtypeStruct((1, 1), jnp.float32),
    )(emb_nc, orig_inj, W1, b1, W2, b2, wmask)


def _tc_edge_body(g1_ref, g2_ref, oe_ref, w1a_ref, w1b_ref, b1_ref,
                  w2_ref, b2_ref, wm_ref, out_ref):
    he = jnp.dot(g1_ref[...], w1a_ref[...], preferred_element_type=jnp.float32)
    he += jnp.dot(g2_ref[...], w1b_ref[...], preferred_element_type=jnp.float32)
    he = jax.nn.relu(he + b1_ref[...])
    pred = jnp.dot(he, w2_ref[...], preferred_element_type=jnp.float32) + b2_ref[...]
    part = jnp.sum(jnp.abs(pred - oe_ref[...]) * wm_ref[...])

    @pl.when(pl.program_id(0) == 0)
    def _():
        out_ref[0, 0] = part

    @pl.when(pl.program_id(0) != 0)
    def _():
        out_ref[0, 0] += part


def _make_edge_loss(G1, G2, orig_ef, W1a, W1b, b1, W2, b2, wmask):
    blk = 4096
    return pl.pallas_call(
        _tc_edge_body,
        grid=(PAIR_PAD // blk,),
        in_specs=[
            pl.BlockSpec((blk, D), lambda i: (i, 0)),
            pl.BlockSpec((blk, D), lambda i: (i, 0)),
            pl.BlockSpec((blk, EDGE_DIM), lambda i: (i, 0)),
            pl.BlockSpec((D, D), lambda i: (0, 0)),
            pl.BlockSpec((D, D), lambda i: (0, 0)),
            pl.BlockSpec((1, D), lambda i: (0, 0)),
            pl.BlockSpec((D, EDGE_DIM), lambda i: (0, 0)),
            pl.BlockSpec((1, EDGE_DIM), lambda i: (0, 0)),
            pl.BlockSpec((blk, 1), lambda i: (i, 0)),
        ],
        out_specs=pl.BlockSpec(memory_space=pltpu.SMEM),
        out_shape=jax.ShapeDtypeStruct((1, 1), jnp.float32),
    )(G1, G2, orig_ef, W1a, W1b, b1, W2, b2, wmask)


def kernel(x, edge_index, edge_attr, W_in, b_in, W_msg, W_edge, W_self,
           nm_W1, nm_b1, nm_W2, nm_b2, node_mask_token,
           em_W1, em_b1, em_W2, em_b2, edge_mask_token):
    src = edge_index[0]
    dst = edge_index[1]

    nm_idx = jax.random.permutation(jax.random.key(123), N)[:NMASK]
    em_idx = jax.random.permutation(jax.random.key(456), E)[:EMASK]
    nm_idx_pad = jnp.concatenate(
        [nm_idx, jnp.zeros((NODE_PAD - NMASK,), nm_idx.dtype)])
    nmask_row = jnp.zeros((N,), jnp.float32).at[nm_idx].set(1.0)[:, None]
    esel = jnp.zeros((E_PAD, DEP), jnp.float32).at[em_idx, :EDGE_DIM].set(1.0)
    esel_r = esel.reshape(E_PAD * DEP // 128, 128)
    colmask = jnp.asarray(_colmask_n)
    tokrow = jnp.concatenate(
        [node_mask_token, jnp.zeros((D - INJ_DIM,), jnp.float32)])[None, :]
    etok = jnp.concatenate(
        [edge_mask_token, jnp.zeros((DEP - EDGE_DIM,), jnp.float32)])
    etok128 = jnp.tile(etok, 128 // DEP)[None, :]

    ea_pad = jnp.pad(edge_attr, ((0, E_PAD - E), (0, DEP - DE)))
    ea_r = ea_pad.reshape(E_PAD * DEP // 128, 128)
    src2d = jnp.pad(src, (0, E_PAD - E)).reshape(E_PAD // LANES, LANES)
    dst2d = jnp.pad(dst, (0, E_PAD - E),
                    constant_values=N).reshape(E_PAD // LANES, LANES)

    H = _make_h(x, nmask_row, tokrow, colmask, W_in, b_in[None, :])
    EA_r = _make_ea(ea_r, esel_r, etok128)
    EA3 = EA_r.reshape(NC, E_PAD, DEP)

    srcall = jnp.stack([src2d, src2d + N])
    S = _sc_segsum(H.reshape(2 * N, D), srcall, dst2d,
                   jnp.zeros((NP, D), jnp.float32))
    dstp = dst2d.reshape(-1)
    Se = jax.vmap(lambda e: jax.ops.segment_sum(e, dstp, num_segments=N))(EA3)

    EMB = _make_emb(S, Se, H, W_msg,
                    jnp.pad(W_edge, ((0, DEP - DE), (0, 0))), W_self)

    ms2d = jnp.pad(jnp.take(src, em_idx),
                   (0, PAIR_PAD - EMASK)).reshape(PAIR_PAD // LANES, LANES)
    md2d = jnp.pad(jnp.take(dst, em_idx),
                   (0, PAIR_PAD - EMASK)).reshape(PAIR_PAD // LANES, LANES)
    G1, G2 = _sc_pair_gather(EMB.reshape(2 * N, D), ms2d + N, md2d + N)

    emb_nc = jnp.take(EMB[0], nm_idx_pad, axis=0)
    orig_inj = jnp.take(x[:, :INJ_DIM], nm_idx_pad, axis=0)
    node_sum = _make_node_loss(emb_nc, orig_inj, nm_W1, nm_b1[None, :],
                               nm_W2, nm_b2[None, :], jnp.asarray(_wmask_node))

    orig_ef = jnp.pad(jnp.take(edge_attr[:, :EDGE_DIM], em_idx, axis=0),
                      ((0, PAIR_PAD - EMASK), (0, 0)))
    edge_sum = _make_edge_loss(G1, G2, orig_ef, em_W1[:D], em_W1[D:],
                               em_b1[None, :], em_W2, em_b2[None, :],
                               jnp.asarray(_wmask_edge))

    node_loss = node_sum[0, 0] / (NMASK * INJ_DIM)
    edge_loss = edge_sum[0, 0] / (EMASK * EDGE_DIM)
    return 0.5 * node_loss + 0.5 * edge_loss

# --- scband reference (transcript-rebuilt; emitter-appended) ---
"""Pipeline reference for scband-combined-ssl-25967372272022 (READ-ONLY COPY).

The authoritative reference and input builder live on the scoring server;
editing this copy changes nothing except your own understanding.
"""

import jax, jax.numpy as jnp
import numpy as np

N = 10000
E = 320000
D = 128
DE = 4
EDGE_DIM = 2
INJ_DIM = 2
MASK_RATIO = 0.15


def setup_inputs(seed: int = 0) -> dict:
    key = jax.random.key(seed)
    ks = jax.random.split(key, 20)
    s = 0.02
    inp = {}
    inp["x"] = jax.random.normal(ks[0], (N, D), dtype=jnp.float32)
    inp["edge_index"] = jax.random.randint(ks[1], (2, E), 0, N, dtype=jnp.int32)
    inp["edge_attr"] = jax.random.normal(ks[2], (E, DE), dtype=jnp.float32)
    # encoder params (simple 1-layer message passing GNN with edge features)
    inp["W_in"] = jax.random.normal(ks[3], (D, D), dtype=jnp.float32) / np.sqrt(D)
    inp["b_in"] = jnp.zeros((D,), dtype=jnp.float32)
    inp["W_msg"] = jax.random.normal(ks[4], (D, D), dtype=jnp.float32) / np.sqrt(D)
    inp["W_edge"] = jax.random.normal(ks[5], (DE, D), dtype=jnp.float32) / np.sqrt(DE)
    inp["W_self"] = jax.random.normal(ks[6], (D, D), dtype=jnp.float32) / np.sqrt(D)
    # node-injection reconstructor (Linear(D,D) -> ReLU -> Linear(D,INJ_DIM))
    inp["nm_W1"] = jax.random.normal(ks[7], (D, D), dtype=jnp.float32) / np.sqrt(D)
    inp["nm_b1"] = jnp.zeros((D,), dtype=jnp.float32)
    inp["nm_W2"] = jax.random.normal(ks[8], (D, INJ_DIM), dtype=jnp.float32) / np.sqrt(D)
    inp["nm_b2"] = jnp.zeros((INJ_DIM,), dtype=jnp.float32)
    inp["node_mask_token"] = jax.random.normal(ks[9], (INJ_DIM,), dtype=jnp.float32) * s
    # edge reconstructor (Linear(2D,D) -> ReLU -> Linear(D,EDGE_DIM))
    inp["em_W1"] = jax.random.normal(ks[10], (2 * D, D), dtype=jnp.float32) / np.sqrt(2 * D)
    inp["em_b1"] = jnp.zeros((D,), dtype=jnp.float32)
    inp["em_W2"] = jax.random.normal(ks[11], (D, EDGE_DIM), dtype=jnp.float32) / np.sqrt(D)
    inp["em_b2"] = jnp.zeros((EDGE_DIM,), dtype=jnp.float32)
    inp["edge_mask_token"] = jax.random.normal(ks[12], (EDGE_DIM,), dtype=jnp.float32) * s
    return inp


def reference(x, edge_index, edge_attr, W_in, b_in, W_msg, W_edge, W_self,
              nm_W1, nm_b1, nm_W2, nm_b2, node_mask_token,
              em_W1, em_b1, em_W2, em_b2, edge_mask_token):
    src = edge_index[0]
    dst = edge_index[1]
    num_mask_n = max(1, int(N * MASK_RATIO))
    num_mask_e = max(1, int(E * MASK_RATIO))
    # deterministic stand-in for torch.randperm
    node_mask_idx = jax.random.permutation(jax.random.key(123), N)[:num_mask_n]
    edge_mask_idx = jax.random.permutation(jax.random.key(456), E)[:num_mask_e]

    def enc(xx, ea):
        h = jax.nn.relu(xx @ W_in + b_in)
        m = jnp.take(h, src, axis=0) @ W_msg + ea @ W_edge
        agg = jax.ops.segment_sum(m, dst, num_segments=N)
        return jax.nn.relu(agg + h @ W_self)

    # ---- node (injection) SSL ----
    orig_inj = x[node_mask_idx, :INJ_DIM]
    x_m = x.at[node_mask_idx, :INJ_DIM].set(node_mask_token)
    emb_n = enc(x_m, edge_attr)
    hn = jax.nn.relu(jnp.take(emb_n, node_mask_idx, axis=0) @ nm_W1 + nm_b1)
    pred_inj = hn @ nm_W2 + nm_b2
    node_loss = jnp.mean(jnp.abs(pred_inj - orig_inj))

    # ---- edge SSL ----
    orig_ef = edge_attr[edge_mask_idx, :EDGE_DIM]
    ea_m = edge_attr.at[edge_mask_idx, :EDGE_DIM].set(edge_mask_token)
    emb_e = enc(x, ea_m)
    ms = jnp.take(src, edge_mask_idx)
    md = jnp.take(dst, edge_mask_idx)
    ee = jnp.concatenate([jnp.take(emb_e, ms, axis=0), jnp.take(emb_e, md, axis=0)], axis=-1)
    he = jax.nn.relu(ee @ em_W1 + em_b1)
    pred_ef = he @ em_W2 + em_b2
    edge_loss = jnp.mean(jnp.abs(pred_ef - orig_ef))

    total_loss = 0.5 * node_loss + 0.5 * edge_loss
    return total_loss

if __name__ == "__main__":
    import jax
    _d = setup_inputs()
    print(jax.jit(kernel)(*tuple(_d.values())))

</pallas_src>

<mosaic_0001>
#map = affine_map<(d0, d1) -> (0, 0)>
module attributes {stable_mosaic.version = 14 : i64} {
  func.func @_sc_pair_gather(%arg0: i32, %arg1: i32, %arg2: memref<20000x128xf32, #tpu.memory_space<hbm>>, %arg3: memref<384x128xi32, #tpu.memory_space<hbm>>, %arg4: memref<384x128xi32, #tpu.memory_space<hbm>>, %arg5: memref<49152x128xf32, #tpu.memory_space<hbm>>, %arg6: memref<49152x128xf32, #tpu.memory_space<hbm>>, %arg7: memref<2x128xi32, #tpu.memory_space<vmem>>, %arg8: memref<2x128xi32, #tpu.memory_space<vmem>>, %arg9: memref<256x128xf32, #tpu.memory_space<vmem>>, %arg10: memref<256x128xf32, #tpu.memory_space<vmem>>, %arg11: memref<!tpu.dma_semaphore, #tpu.memory_space<semaphore_mem>>) attributes {dimension_semantics = [#tpu.dimension_semantics<core_parallel>, #tpu.dimension_semantics<subcore_parallel>], iteration_bounds = array<i64: 2, 16>, scalar_prefetch = 0 : i64, scratch_operands = 5 : i64, tpu.core_type = #tpu.core_type<sc_vector_subcore>, window_params = [{transform_indices = #map}, {transform_indices = #map}, {transform_indices = #map}, {transform_indices = #map}, {transform_indices = #map}]} {
    %mul3A = arith.constant 16 : i32
    %mul3A_0 = arith.muli %arg0, %mul3A : i32
    %add3A = arith.addi %mul3A_0, %arg1 : i32
    %scan3A = arith.constant 0 : i32
    %scan3A_1 = arith.constant 0 : i32
    %scan3A_2 = arith.constant 6 : i32
    %scan3A_3 = arith.addi %scan3A_1, %scan3A_2 : i32
    %scan3A_4 = arith.constant 1 : i32
    scf.for %scan3A_6 = %scan3A_1 to %scan3A_3 step %scan3A_4  : i32 {
      %mul3A_7 = arith.constant 6 : i32
      %mul3A_8 = arith.muli %add3A, %mul3A_7 : i32
      %add3A_9 = arith.addi %mul3A_8, %scan3A_6 : i32
      %mul3A_10 = arith.constant 2 : i32
      %mul3A_11 = arith.muli %add3A_9, %mul3A_10 : i32
      "tpu.region"() ({
        %run_scoped3A = tpu.sem_alloc : memref<!tpu.dma_semaphore, #tpu.memory_space<semaphore_mem>>
        %dma_start3A_94 = arith.constant 0 : i32
        %dma_start3A_95 = tpu.memref_slice %arg3[%mul3A_11, %dma_start3A_94] : memref<384x128xi32, #tpu.memory_space<hbm>> -> memref<2x128xi32, #tpu.memory_space<hbm>>
        %dma_start3A_96 = arith.constant 0 : i32
        %dma_start3A_97 = tpu.memref_slice %arg3[%mul3A_11, %dma_start3A_96] : memref<384x128xi32, #tpu.memory_space<hbm>> -> memref<2x128xi32, #tpu.memory_space<hbm>>
        tpu.enqueue_dma source(%dma_start3A_97 : memref<2x128xi32, #tpu.memory_space<hbm>>) target(%arg7 : memref<2x128xi32, #tpu.memory_space<vmem>>) target_semaphore(%run_scoped3A : memref<!tpu.dma_semaphore, #tpu.memory_space<semaphore_mem>>)
        %dma_wait3A_98 = arith.constant 0 : i32
        %dma_wait3A_99 = tpu.memref_slice %arg3[%mul3A_11, %dma_wait3A_98] : memref<384x128xi32, #tpu.memory_space<hbm>> -> memref<2x128xi32, #tpu.memory_space<hbm>>
        %dma_wait3A_100 = arith.constant 0 : i32
        %dma_wait3A_101 = tpu.memref_slice %arg3[%mul3A_11, %dma_wait3A_100] : memref<384x128xi32, #tpu.memory_space<hbm>> -> memref<2x128xi32, #tpu.memory_space<hbm>>
        tpu.wait_dma2 semaphore(%run_scoped3A : memref<!tpu.dma_semaphore, #tpu.memory_space<semaphore_mem>>) src(%dma_wait3A_101 : memref<2x128xi32, #tpu.memory_space<hbm>>) dst(%arg7 : memref<2x128xi32, #tpu.memory_space<vmem>>)
        tpu.yield
      }) : () -> ()
      "tpu.region"() ({
        %run_scoped3A = tpu.sem_alloc : memref<!tpu.dma_semaphore, #tpu.memory_space<semaphore_mem>>
        %dma_start3A_94 = arith.constant 0 : i32
        %dma_start3A_95 = tpu.memref_slice %arg4[%mul3A_11, %dma_start3A_94] : memref<384x128xi32, #tpu.memory_space<hbm>> -> memref<2x128xi32, #tpu.memory_space<hbm>>
        %dma_start3A_96 = arith.constant 0 : i32
        %dma_start3A_97 = tpu.memref_slice %arg4[%mul3A_11, %dma_start3A_96] : memref<384x128xi32, #tpu.memory_space<hbm>> -> memref<2x128xi32, #tpu.memory_space<hbm>>
        tpu.enqueue_dma source(%dma_start3A_97 : memref<2x128xi32, #tpu.memory_space<hbm>>) target(%arg8 : memref<2x128xi32, #tpu.memory_space<vmem>>) target_semaphore(%run_scoped3A : memref<!tpu.dma_semaphore, #tpu.memory_space<semaphore_mem>>)
        %dma_wait3A_98 = arith.constant 0 : i32
        %dma_wait3A_99 = tpu.memref_slice %arg4[%mul3A_11, %dma_wait3A_98] : memref<384x128xi32, #tpu.memory_space<hbm>> -> memref<2x128xi32, #tpu.memory_space<hbm>>
        %dma_wait3A_100 = arith.constant 0 : i32
        %dma_wait3A_101 = tpu.memref_slice %arg4[%mul3A_11, %dma_wait3A_100] : memref<384x128xi32, #tpu.memory_space<hbm>> -> memref<2x128xi32, #tpu.memory_space<hbm>>
        tpu.wait_dma2 semaphore(%run_scoped3A : memref<!tpu.dma_semaphore, #tpu.memory_space<semaphore_mem>>) src(%dma_wait3A_101 : memref<2x128xi32, #tpu.memory_space<hbm>>) dst(%arg8 : memref<2x128xi32, #tpu.memory_space<vmem>>)
        tpu.yield
      }) : () -> ()
      %dma_start3A = arith.constant 0 : i32
      %dma_start3A_12 = arith.constant 0 : i32
      %dma_start3A_13 = arith.constant 0 : i32
      %dma_start3A_14 = tpu.memref_slice %arg9[%dma_start3A_12, %dma_start3A_13] : memref<256x128xf32, #tpu.memory_space<vmem>> -> memref<128x128xf32, #tpu.memory_space<vmem>>
      %dma_start3A_15 = arith.constant 0 : i32
      %dma_start3A_16 = tpu.memref_slice %arg7[%dma_start3A, %dma_start3A_15] : memref<2x128xi32, #tpu.memory_space<vmem>> -> memref<1x128xi32, #tpu.memory_space<vmem>>
      %dma_start3A_17 = tpu.memref_squeeze %dma_start3A_16 : memref<1x128xi32, #tpu.memory_space<vmem>> -> memref<128xi32, #tpu.memory_space<vmem>>
      %dma_start3A_18 = arith.constant 0 : i32
      %dma_start3A_19 = arith.constant 0 : i32
      %dma_start3A_20 = tpu.memref_slice %arg2[%dma_start3A_18, %dma_start3A_19] : memref<20000x128xf32, #tpu.memory_space<hbm>> -> memref<20000x128xf32, #tpu.memory_space<hbm>>
      tpu.enqueue_indirect_dma source(%dma_start3A_20 : memref<20000x128xf32, #tpu.memory_space<hbm>>) target(%dma_start3A_14 : memref<128x128xf32, #tpu.memory_space<vmem>>) offsets(%dma_start3A_17 : memref<128xi32, #tpu.memory_space<vmem>>) semaphore(%arg11 : memref<!tpu.dma_semaphore, #tpu.memory_space<semaphore_mem>>)
      %dma_start3A_21 = arith.constant 0 : i32
      %dma_start3A_22 = arith.constant 0 : i32
      %dma_start3A_23 = arith.constant 0 : i32
      %dma_start3A_24 = tpu.memref_slice %arg10[%dma_start3A_22, %dma_start3A_23] : memref<256x128xf32, #tpu.memory_space<vmem>> -> memref<128x128xf32, #tpu.memory_space<vmem>>
      %dma_start3A_25 = arith.constant 0 : i32
      %dma_start3A_26 = tpu.memref_slice %arg8[%dma_start3A_21, %dma_start3A_25] : memref<2x128xi32, #tpu.memory_space<vmem>> -> memref<1x128xi32, #tpu.memory_space<vmem>>
      %dma_start3A_27 = tpu.memref_squeeze %dma_start3A_26 : memref<1x128xi32, #tpu.memory_space<vmem>> -> memref<128xi32, #tpu.memory_space<vmem>>
      %dma_start3A_28 = arith.constant 0 : i32
      %dma_start3A_29 = arith.constant 0 : i32
      %dma_start3A_30 = tpu.memref_slice %arg2[%dma_start3A_28, %dma_start3A_29] : memref<20000x128xf32, #tpu.memory_space<hbm>> -> memref<20000x128xf32, #tpu.memory_space<hbm>>
      tpu.enqueue_indirect_dma source(%dma_start3A_30 : memref<20000x128xf32, #tpu.memory_space<hbm>>) target(%dma_start3A_24 : memref<128x128xf32, #tpu.memory_space<vmem>>) offsets(%dma_start3A_27 : memref<128xi32, #tpu.memory_space<vmem>>) semaphore(%arg11 : memref<!tpu.dma_semaphore, #tpu.memory_space<semaphore_mem>>)
      %dma_start3A_31 = arith.constant 1 : i32
      %dma_start3A_32 = arith.constant 128 : i32
      %dma_start3A_33 = arith.constant 0 : i32
      %dma_start3A_34 = tpu.memref_slice %arg9[%dma_start3A_32, %dma_start3A_33] : memref<256x128xf32, #tpu.memory_space<vmem>> -> memref<128x128xf32, #tpu.memory_space<vmem>>
      %dma_start3A_35 = arith.constant 0 : i32
      %dma_start3A_36 = tpu.memref_slice %arg7[%dma_start3A_31, %dma_start3A_35] : memref<2x128xi32, #tpu.memory_space<vmem>> -> memref<1x128xi32, #tpu.memory_space<vmem>>
      %dma_start3A_37 = tpu.memref_squeeze %dma_start3A_36 : memref<1x128xi32, #tpu.memory_space<vmem>> -> memref<128xi32, #tpu.memory_space<vmem>>
      %dma_start3A_38 = arith.constant 0 : i32
      %dma_start3A_39 = arith.constant 0 : i32
      %dma_start3A_40 = tpu.memref_slice %arg2[%dma_start3A_38, %dma_start3A_39] : memref<20000x128xf32, #tpu.memory_space<hbm>> -> memref<20000x128xf32, #tpu.memory_space<hbm>>
      tpu.enqueue_indirect_dma source(%dma_start3A_40 : memref<20000x128xf32, #tpu.memory_space<hbm>>) target(%dma_start3A_34 : memref<128x128xf32, #tpu.memory_space<vmem>>) offsets(%dma_start3A_37 : memref<128xi32, #tpu.memory_space<vmem>>) semaphore(%arg11 : memref<!tpu.dma_semaphore, #tpu.memory_space<semaphore_mem>>)
      %dma_start3A_41 = arith.constant 1 : i32
      %dma_start3A_42 = arith.constant 128 : i32
      %dma_start3A_43 = arith.constant 0 : i32
      %dma_start3A_44 = tpu.memref_slice %arg10[%dma_start3A_42, %dma_start3A_43] : memref<256x128xf32, #tpu.memory_space<vmem>> -> memref<128x128xf32, #tpu.memory_space<vmem>>
      %dma_start3A_45 = arith.constant 0 : i32
      %dma_start3A_46 = tpu.memref_slice %arg8[%dma_start3A_41, %dma_start3A_45] : memref<2x128xi32, #tpu.memory_space<vmem>> -> memref<1x128xi32, #tpu.memory_space<vmem>>
      %dma_start3A_47 = tpu.memref_squeeze %dma_start3A_46 : memref<1x128xi32, #tpu.memory_space<vmem>> -> memref<128xi32, #tpu.memory_space<vmem>>
      %dma_start3A_48 = arith.constant 0 : i32
      %dma_start3A_49 = arith.constant 0 : i32
      %dma_start3A_50 = tpu.memref_slice %arg2[%dma_start3A_48, %dma_start3A_49] : memref<20000x128xf32, #tpu.memory_space<hbm>> -> memref<20000x128xf32, #tpu.memory_space<hbm>>
      tpu.enqueue_indirect_dma source(%dma_start3A_50 : memref<20000x128xf32, #tpu.memory_space<hbm>>) target(%dma_start3A_44 : memref<128x128xf32, #tpu.memory_space<vmem>>) offsets(%dma_start3A_47 : memref<128xi32, #tpu.memory_space<vmem>>) semaphore(%arg11 : memref<!tpu.dma_semaphore, #tpu.memory_space<semaphore_mem>>)
      %dma_wait3A = arith.constant 0 : i32
      %dma_wait3A_51 = arith.constant 0 : i32
      %dma_wait3A_52 = arith.constant 0 : i32
      %dma_wait3A_53 = tpu.memref_slice %arg9[%dma_wait3A_51, %dma_wait3A_52] : memref<256x128xf32, #tpu.memory_space<vmem>> -> memref<128x128xf32, #tpu.memory_space<vmem>>
      %dma_wait3A_54 = arith.constant 0 : i32
      %dma_wait3A_55 = tpu.memref_slice %arg7[%dma_wait3A, %dma_wait3A_54] : memref<2x128xi32, #tpu.memory_space<vmem>> -> memref<1x128xi32, #tpu.memory_space<vmem>>
      %dma_wait3A_56 = tpu.memref_squeeze %dma_wait3A_55 : memref<1x128xi32, #tpu.memory_space<vmem>> -> memref<128xi32, #tpu.memory_space<vmem>>
      %dma_wait3A_57 = arith.constant 0 : i32
      %dma_wait3A_58 = arith.constant 0 : i32
      %dma_wait3A_59 = tpu.memref_slice %arg2[%dma_wait3A_57, %dma_wait3A_58] : memref<20000x128xf32, #tpu.memory_space<hbm>> -> memref<20000x128xf32, #tpu.memory_space<hbm>>
      tpu.wait_indirect_dma semaphore(%arg11 : memref<!tpu.dma_semaphore, #tpu.memory_space<semaphore_mem>>) src(%dma_wait3A_59 : memref<20000x128xf32, #tpu.memory_space<hbm>>) dst(%dma_wait3A_53 : memref<128x128xf32, #tpu.memory_space<vmem>>)
      %dma_wait3A_60 = arith.constant 0 : i32
      %dma_wait3A_61 = arith.constant 0 : i32
      %dma_wait3A_62 = arith.constant 0 : i32
      %dma_wait3A_63 = tpu.memref_slice %arg10[%dma_wait3A_61, %dma_wait3A_62] : memref<256x128xf32, #tpu.memory_space<vmem>> -> memref<128x128xf32, #tpu.memory_space<vmem>>
      %dma_wait3A_64 = arith.constant 0 : i32
      %dma_wait3A_65 = tpu.memref_slice %arg8[%dma_wait3A_60, %dma_wait3A_64] : memref<2x128xi32, #tpu.memory_space<vmem>> -> memref<1x128xi32, #tpu.memory_space<vmem>>
      %dma_wait3A_66 = tpu.memref_squeeze %dma_wait3A_65 : memref<1x128xi32, #tpu.memory_space<vmem>> -> memref<128xi32, #tpu.memory_space<vmem>>
      %dma_wait3A_67 = arith.constant 0 : i32
      %dma_wait3A_68 = arith.constant 0 : i32
      %dma_wait3A_69 = tpu.memref_slice %arg2[%dma_wait3A_67, %dma_wait3A_68] : memref<20000x128xf32, #tpu.memory_space<hbm>> -> memref<20000x128xf32, #tpu.memory_space<hbm>>
      tpu.wait_indirect_dma semaphore(%arg11 : memref<!tpu.dma_semaphore, #tpu.memory_space<semaphore_mem>>) src(%dma_wait3A_69 : memref<20000x128xf32, #tpu.memory_space<hbm>>) dst(%dma_wait3A_63 : memref<128x128xf32, #tpu.memory_space<vmem>>)
      %dma_wait3A_70 = arith.constant 1 : i32
      %dma_wait3A_71 = arith.constant 128 : i32
      %dma_wait3A_72 = arith.constant 0 : i32
      %dma_wait3A_73 = tpu.memref_slice %arg9[%dma_wait3A_71, %dma_wait3A_72] : memref<256x128xf32, #tpu.memory_space<vmem>> -> memref<128x128xf32, #tpu.memory_space<vmem>>
      %dma_wait3A_74 = arith.constant 0 : i32
      %dma_wait3A_75 = tpu.memref_slice %arg7[%dma_wait3A_70, %dma_wait3A_74] : memref<2x128xi32, #tpu.memory_space<vmem>> -> memref<1x128xi32, #tpu.memory_space<vmem>>
      %dma_wait3A_76 = tpu.memref_squeeze %dma_wait3A_75 : memref<1x128xi32, #tpu.memory_space<vmem>> -> memref<128xi32, #tpu.memory_space<vmem>>
      %dma_wait3A_77 = arith.constant 0 : i32
      %dma_wait3A_78 = arith.constant 0 : i32
      %dma_wait3A_79 = tpu.memref_slice %arg2[%dma_wait3A_77, %dma_wait3A_78] : memref<20000x128xf32, #tpu.memory_space<hbm>> -> memref<20000x128xf32, #tpu.memory_space<hbm>>
      tpu.wait_indirect_dma semaphore(%arg11 : memref<!tpu.dma_semaphore, #tpu.memory_space<semaphore_mem>>) src(%dma_wait3A_79 : memref<20000x128xf32, #tpu.memory_space<hbm>>) dst(%dma_wait3A_73 : memref<128x128xf32, #tpu.memory_space<vmem>>)
      %dma_wait3A_80 = arith.constant 1 : i32
      %dma_wait3A_81 = arith.constant 128 : i32
      %dma_wait3A_82 = arith.constant 0 : i32
      %dma_wait3A_83 = tpu.memref_slice %arg10[%dma_wait3A_81, %dma_wait3A_82] : memref<256x128xf32, #tpu.memory_space<vmem>> -> memref<128x128xf32, #tpu.memory_space<vmem>>
      %dma_wait3A_84 = arith.constant 0 : i32
      %dma_wait3A_85 = tpu.memref_slice %arg8[%dma_wait3A_80, %dma_wait3A_84] : memref<2x128xi32, #tpu.memory_space<vmem>> -> memref<1x128xi32, #tpu.memory_space<vmem>>
      %dma_wait3A_86 = tpu.memref_squeeze %dma_wait3A_85 : memref<1x128xi32, #tpu.memory_space<vmem>> -> memref<128xi32, #tpu.memory_space<vmem>>
      %dma_wait3A_87 = arith.constant 0 : i32
      %dma_wait3A_88 = arith.constant 0 : i32
      %dma_wait3A_89 = tpu.memref_slice %arg2[%dma_wait3A_87, %dma_wait3A_88] : memref<20000x128xf32, #tpu.memory_space<hbm>> -> memref<20000x128xf32, #tpu.memory_space<hbm>>
      tpu.wait_indirect_dma semaphore(%arg11 : memref<!tpu.dma_semaphore, #tpu.memory_space<semaphore_mem>>) src(%dma_wait3A_89 : memref<20000x128xf32, #tpu.memory_space<hbm>>) dst(%dma_wait3A_83 : memref<128x128xf32, #tpu.memory_space<vmem>>)
      %mul3A_90 = arith.constant 128 : i32
      %mul3A_91 = arith.muli %mul3A_11, %mul3A_90 : i32
      "tpu.region"() ({
        %run_scoped3A = tpu.sem_alloc : memref<!tpu.dma_semaphore, #tpu.memory_space<semaphore_mem>>
        %dma_start3A_94 = arith.constant 0 : i32
        %dma_start3A_95 = tpu.memref_slice %arg5[%mul3A_91, %dma_start3A_94] : memref<49152x128xf32, #tpu.memory_space<hbm>> -> memref<256x128xf32, #tpu.memory_space<hbm>>
        %dma_start3A_96 = arith.constant 0 : i32
        %dma_start3A_97 = tpu.memref_slice %arg5[%mul3A_91, %dma_start3A_96] : memref<49152x128xf32, #tpu.memory_space<hbm>> -> memref<256x128xf32, #tpu.memory_space<hbm>>
        tpu.enqueue_dma source(%arg9 : memref<256x128xf32, #tpu.memory_space<vmem>>) target(%dma_start3A_97 : memref<256x128xf32, #tpu.memory_space<hbm>>) target_semaphore(%run_scoped3A : memref<!tpu.dma_semaphore, #tpu.memory_space<semaphore_mem>>)
        %dma_wait3A_98 = arith.constant 0 : i32
        %dma_wait3A_99 = tpu.memref_slice %arg5[%mul3A_91, %dma_wait3A_98] : memref<49152x128xf32, #tpu.memory_space<hbm>> -> memref<256x128xf32, #tpu.memory_space<hbm>>
        %dma_wait3A_100 = arith.constant 0 : i32
        %dma_wait3A_101 = tpu.memref_slice %arg5[%mul3A_91, %dma_wait3A_100] : memref<49152x128xf32, #tpu.memory_space<hbm>> -> memref<256x128xf32, #tpu.memory_space<hbm>>
        tpu.wait_dma2 semaphore(%run_scoped3A : memref<!tpu.dma_semaphore, #tpu.memory_space<semaphore_mem>>) src(%arg9 : memref<256x128xf32, #tpu.memory_space<vmem>>) dst(%dma_wait3A_101 : memref<256x128xf32, #tpu.memory_space<hbm>>)
        tpu.yield
      }) : () -> ()
      %mul3A_92 = arith.constant 128 : i32
      %mul3A_93 = arith.muli %mul3A_11, %mul3A_92 : i32
      "tpu.region"() ({
        %run_scoped3A = tpu.sem_alloc : memref<!tpu.dma_semaphore, #tpu.memory_space<semaphore_mem>>
        %dma_start3A_94 = arith.constant 0 : i32
        %dma_start3A_95 = tpu.memref_slice %arg6[%mul3A_93, %dma_start3A_94] : memref<49152x128xf32, #tpu.memory_space<hbm>> -> memref<256x128xf32, #tpu.memory_space<hbm>>
        %dma_start3A_96 = arith.constant 0 : i32
        %dma_start3A_97 = tpu.memref_slice %arg6[%mul3A_93, %dma_start3A_96] : memref<49152x128xf32, #tpu.memory_space<hbm>> -> memref<256x128xf32, #tpu.memory_space<hbm>>
        tpu.enqueue_dma source(%arg10 : memref<256x128xf32, #tpu.memory_space<vmem>>) target(%dma_start3A_97 : memref<256x128xf32, #tpu.memory_space<hbm>>) target_semaphore(%run_scoped3A : memref<!tpu.dma_semaphore, #tpu.memory_space<semaphore_mem>>)
        %dma_wait3A_98 = arith.constant 0 : i32
        %dma_wait3A_99 = tpu.memref_slice %arg6[%mul3A_93, %dma_wait3A_98] : memref<49152x128xf32, #tpu.memory_space<hbm>> -> memref<256x128xf32, #tpu.memory_space<hbm>>
        %dma_wait3A_100 = arith.constant 0 : i32
        %dma_wait3A_101 = tpu.memref_slice %arg6[%mul3A_93, %dma_wait3A_100] : memref<49152x128xf32, #tpu.memory_space<hbm>> -> memref<256x128xf32, #tpu.memory_space<hbm>>
        tpu.wait_dma2 semaphore(%run_scoped3A : memref<!tpu.dma_semaphore, #tpu.memory_space<semaphore_mem>>) src(%arg10 : memref<256x128xf32, #tpu.memory_space<vmem>>) dst(%dma_wait3A_101 : memref<256x128xf32, #tpu.memory_space<hbm>>)
        tpu.yield
      }) : () -> ()
    }
    %scan3A_5 = arith.constant 6 : i32
    return
  }
}

#map = affine_map<(d0, d1) -> (0, 0)>
#map1 = affine_map<(d0, d1) -> (0, 0, 0)>
module attributes {stable_mosaic.version = 14 : i64} {
  func.func @_sc_segsum(%arg0: i32, %arg1: i32, %arg2: memref<20000x128xf32, #tpu.memory_space<hbm>>, %arg3: memref<2x2560x128xi32, #tpu.memory_space<hbm>>, %arg4: memref<2560x128xi32, #tpu.memory_space<hbm>>, %arg5: memref<10016x128xf32, #tpu.memory_space<hbm>>, %arg6: memref<2x10000x128xf32, #tpu.memory_space<hbm>>, %arg7: memref<1x128xi32, #tpu.memory_space<vmem>>, %arg8: memref<1x128xi32, #tpu.memory_space<vmem>>, %arg9: memref<128x128xf32, #tpu.memory_space<vmem>>, %arg10: memref<10016x128xf32, #tpu.memory_space<vmem_shared>>, %arg11: memref<!tpu.dma_semaphore, #tpu.memory_space<semaphore_mem>>) attributes {dimension_semantics = [#tpu.dimension_semantics<core_parallel>, #tpu.dimension_semantics<subcore_parallel>], iteration_bounds = array<i64: 2, 16>, scalar_prefetch = 0 : i64, scratch_operands = 5 : i64, tpu.core_type = #tpu.core_type<sc_vector_subcore>, window_params = [{transform_indices = #map}, {transform_indices = #map1}, {transform_indices = #map}, {transform_indices = #map}, {transform_indices = #map1}]} {
    %eq3A = arith.constant 0 : i32
    %eq3A_0 = arith.cmpi eq, %arg1, %eq3A : i32
    %convert_element_type3A = arith.extui %eq3A_0 : i1 to i32
    %cond3A = arith.constant 0 : i32
    %cond3A_1 = arith.cmpi ne, %convert_element_type3A, %cond3A : i32
    scf.if %cond3A_1 {
      "tpu.region"() ({
        %run_scoped3A = tpu.sem_alloc : memref<!tpu.dma_semaphore, #tpu.memory_space<semaphore_mem>>
        tpu.enqueue_dma source(%arg5 : memref<10016x128xf32, #tpu.memory_space<hbm>>) target(%arg10 : memref<10016x128xf32, #tpu.memory_space<vmem_shared>>) target_semaphore(%run_scoped3A : memref<!tpu.dma_semaphore, #tpu.memory_space<semaphore_mem>>)
        tpu.wait_dma2 semaphore(%run_scoped3A : memref<!tpu.dma_semaphore, #tpu.memory_space<semaphore_mem>>) src(%arg5 : memref<10016x128xf32, #tpu.memory_space<hbm>>) dst(%arg10 : memref<10016x128xf32, #tpu.memory_space<vmem_shared>>)
        tpu.yield
      }) : () -> ()
    } else {
    }
    %barrier3A = arith.constant 0 : index
    tpu.barrier barrier_id(%barrier3A)
    %scan3A = arith.constant 0 : i32
    %scan3A_2 = arith.constant 0 : i32
    %scan3A_3 = arith.constant 160 : i32
    %scan3A_4 = arith.addi %scan3A_2, %scan3A_3 : i32
    %scan3A_5 = arith.constant 1 : i32
    scf.for %scan3A_12 = %scan3A_2 to %scan3A_4 step %scan3A_5  : i32 {
      %mul3A = arith.constant 160 : i32
      %mul3A_13 = arith.muli %arg1, %mul3A : i32
      %add3A = arith.addi %mul3A_13, %scan3A_12 : i32
      %mul3A_14 = arith.constant 1 : i32
      %mul3A_15 = arith.muli %add3A, %mul3A_14 : i32
      "tpu.region"() ({
        %run_scoped3A_34 = tpu.sem_alloc : memref<!tpu.dma_semaphore, #tpu.memory_space<semaphore_mem>>
        %dma_start3A_35 = arith.constant 0 : i32
        %dma_start3A_36 = tpu.memref_slice %arg3[%arg0, %mul3A_15, %dma_start3A_35] : memref<2x2560x128xi32, #tpu.memory_space<hbm>> -> memref<1x1x128xi32, #tpu.memory_space<hbm>>
        %dma_start3A_37 = tpu.memref_squeeze %dma_start3A_36 : memref<1x1x128xi32, #tpu.memory_space<hbm>> -> memref<1x128xi32, #tpu.memory_space<hbm>>
        %dma_start3A_38 = arith.constant 0 : i32
        %dma_start3A_39 = tpu.memref_slice %arg3[%arg0, %mul3A_15, %dma_start3A_38] : memref<2x2560x128xi32, #tpu.memory_space<hbm>> -> memref<1x1x128xi32, #tpu.memory_space<hbm>>
        %dma_start3A_40 = tpu.memref_squeeze %dma_start3A_39 : memref<1x1x128xi32, #tpu.memory_space<hbm>> -> memref<1x128xi32, #tpu.memory_space<hbm>>
        tpu.enqueue_dma source(%dma_start3A_40 : memref<1x128xi32, #tpu.memory_space<hbm>>) target(%arg7 : memref<1x128xi32, #tpu.memory_space<vmem>>) target_semaphore(%run_scoped3A_34 : memref<!tpu.dma_semaphore, #tpu.memory_space<semaphore_mem>>)
        %dma_wait3A_41 = arith.constant 0 : i32
        %dma_wait3A_42 = tpu.memref_slice %arg3[%arg0, %mul3A_15, %dma_wait3A_41] : memref<2x2560x128xi32, #tpu.memory_space<hbm>> -> memref<1x1x128xi32, #tpu.memory_space<hbm>>
        %dma_wait3A_43 = tpu.memref_squeeze %dma_wait3A_42 : memref<1x1x128xi32, #tpu.memory_space<hbm>> -> memref<1x128xi32, #tpu.memory_space<hbm>>
        %dma_wait3A_44 = arith.constant 0 : i32
        %dma_wait3A_45 = tpu.memref_slice %arg3[%arg0, %mul3A_15, %dma_wait3A_44] : memref<2x2560x128xi32, #tpu.memory_space<hbm>> -> memref<1x1x128xi32, #tpu.memory_space<hbm>>
        %dma_wait3A_46 = tpu.memref_squeeze %dma_wait3A_45 : memref<1x1x128xi32, #tpu.memory_space<hbm>> -> memref<1x128xi32, #tpu.memory_space<hbm>>
        tpu.wait_dma2 semaphore(%run_scoped3A_34 : memref<!tpu.dma_semaphore, #tpu.memory_space<semaphore_mem>>) src(%dma_wait3A_46 : memref<1x128xi32, #tpu.memory_space<hbm>>) dst(%arg7 : memref<1x128xi32, #tpu.memory_space<vmem>>)
        tpu.yield
      }) : () -> ()
      "tpu.region"() ({
        %run_scoped3A_34 = tpu.sem_alloc : memref<!tpu.dma_semaphore, #tpu.memory_space<semaphore_mem>>
        %dma_start3A_35 = arith.constant 0 : i32
        %dma_start3A_36 = tpu.memref_slice %arg4[%mul3A_15, %dma_start3A_35] : memref<2560x128xi32, #tpu.memory_space<hbm>> -> memref<1x128xi32, #tpu.memory_space<hbm>>
        %dma_start3A_37 = arith.constant 0 : i32
        %dma_start3A_38 = tpu.memref_slice %arg4[%mul3A_15, %dma_start3A_37] : memref<2560x128xi32, #tpu.memory_space<hbm>> -> memref<1x128xi32, #tpu.memory_space<hbm>>
        tpu.enqueue_dma source(%dma_start3A_38 : memref<1x128xi32, #tpu.memory_space<hbm>>) target(%arg8 : memref<1x128xi32, #tpu.memory_space<vmem>>) target_semaphore(%run_scoped3A_34 : memref<!tpu.dma_semaphore, #tpu.memory_space<semaphore_mem>>)
        %dma_wait3A_39 = arith.constant 0 : i32
        %dma_wait3A_40 = tpu.memref_slice %arg4[%mul3A_15, %dma_wait3A_39] : memref<2560x128xi32, #tpu.memory_space<hbm>> -> memref<1x128xi32, #tpu.memory_space<hbm>>
        %dma_wait3A_41 = arith.constant 0 : i32
        %dma_wait3A_42 = tpu.memref_slice %arg4[%mul3A_15, %dma_wait3A_41] : memref<2560x128xi32, #tpu.memory_space<hbm>> -> memref<1x128xi32, #tpu.memory_space<hbm>>
        tpu.wait_dma2 semaphore(%run_scoped3A_34 : memref<!tpu.dma_semaphore, #tpu.memory_space<semaphore_mem>>) src(%dma_wait3A_42 : memref<1x128xi32, #tpu.memory_space<hbm>>) dst(%arg8 : memref<1x128xi32, #tpu.memory_space<vmem>>)
        tpu.yield
      }) : () -> ()
      %dma_start3A = arith.constant 0 : i32
      %dma_start3A_16 = arith.constant 0 : i32
      %dma_start3A_17 = arith.constant 0 : i32
      %dma_start3A_18 = tpu.memref_slice %arg9[%dma_start3A_16, %dma_start3A_17] : memref<128x128xf32, #tpu.memory_space<vmem>> -> memref<128x128xf32, #tpu.memory_space<vmem>>
      %dma_start3A_19 = arith.constant 0 : i32
      %dma_start3A_20 = tpu.memref_slice %arg7[%dma_start3A, %dma_start3A_19] : memref<1x128xi32, #tpu.memory_space<vmem>> -> memref<1x128xi32, #tpu.memory_space<vmem>>
      %dma_start3A_21 = tpu.memref_squeeze %dma_start3A_20 : memref<1x128xi32, #tpu.memory_space<vmem>> -> memref<128xi32, #tpu.memory_space<vmem>>
      %dma_start3A_22 = arith.constant 0 : i32
      %dma_start3A_23 = arith.constant 0 : i32
      %dma_start3A_24 = tpu.memref_slice %arg2[%dma_start3A_22, %dma_start3A_23] : memref<20000x128xf32, #tpu.memory_space<hbm>> -> memref<20000x128xf32, #tpu.memory_space<hbm>>
      tpu.enqueue_indirect_dma source(%dma_start3A_24 : memref<20000x128xf32, #tpu.memory_space<hbm>>) target(%dma_start3A_18 : memref<128x128xf32, #tpu.memory_space<vmem>>) offsets(%dma_start3A_21 : memref<128xi32, #tpu.memory_space<vmem>>) semaphore(%arg11 : memref<!tpu.dma_semaphore, #tpu.memory_space<semaphore_mem>>)
      %dma_wait3A = arith.constant 0 : i32
      %dma_wait3A_25 = arith.constant 0 : i32
      %dma_wait3A_26 = arith.constant 0 : i32
      %dma_wait3A_27 = tpu.memref_slice %arg9[%dma_wait3A_25, %dma_wait3A_26] : memref<128x128xf32, #tpu.memory_space<vmem>> -> memref<128x128xf32, #tpu.memory_space<vmem>>
      %dma_wait3A_28 = arith.constant 0 : i32
      %dma_wait3A_29 = tpu.memref_slice %arg7[%dma_wait3A, %dma_wait3A_28] : memref<1x128xi32, #tpu.memory_space<vmem>> -> memref<1x128xi32, #tpu.memory_space<vmem>>
      %dma_wait3A_30 = tpu.memref_squeeze %dma_wait3A_29 : memref<1x128xi32, #tpu.memory_space<vmem>> -> memref<128xi32, #tpu.memory_space<vmem>>
      %dma_wait3A_31 = arith.constant 0 : i32
      %dma_wait3A_32 = arith.constant 0 : i32
      %dma_wait3A_33 = tpu.memref_slice %arg2[%dma_wait3A_31, %dma_wait3A_32] : memref<20000x128xf32, #tpu.memory_space<hbm>> -> memref<20000x128xf32, #tpu.memory_space<hbm>>
      tpu.wait_indirect_dma semaphore(%arg11 : memref<!tpu.dma_semaphore, #tpu.memory_space<semaphore_mem>>) src(%dma_wait3A_33 : memref<20000x128xf32, #tpu.memory_space<hbm>>) dst(%dma_wait3A_27 : memref<128x128xf32, #tpu.memory_space<vmem>>)
      %run_scoped3A = arith.constant 0 : i32
      "tpu.region"() ({
        %run_scoped3A_34 = tpu.sem_alloc : memref<!tpu.dma_semaphore, #tpu.memory_space<semaphore_mem>>
        %dma_start3A_35 = arith.constant 0 : i32
        %dma_start3A_36 = arith.constant 0 : i32
        %dma_start3A_37 = tpu.memref_slice %arg9[%dma_start3A_35, %dma_start3A_36] : memref<128x128xf32, #tpu.memory_space<vmem>> -> memref<128x128xf32, #tpu.memory_space<vmem>>
        %dma_start3A_38 = arith.constant 0 : i32
        %dma_start3A_39 = tpu.memref_slice %arg8[%run_scoped3A, %dma_start3A_38] : memref<1x128xi32, #tpu.memory_space<vmem>> -> memref<1x128xi32, #tpu.memory_space<vmem>>
        %dma_start3A_40 = tpu.memref_squeeze %dma_start3A_39 : memref<1x128xi32, #tpu.memory_space<vmem>> -> memref<128xi32, #tpu.memory_space<vmem>>
        %dma_start3A_41 = arith.constant 0 : i32
        %dma_start3A_42 = arith.constant 0 : i32
        %dma_start3A_43 = tpu.memref_slice %arg10[%dma_start3A_41, %dma_start3A_42] : memref<10016x128xf32, #tpu.memory_space<vmem_shared>> -> memref<10016x128xf32, #tpu.memory_space<vmem_shared>>
        tpu.enqueue_indirect_dma source(%dma_start3A_37 : memref<128x128xf32, #tpu.memory_space<vmem>>) target(%dma_start3A_43 : memref<10016x128xf32, #tpu.memory_space<vmem_shared>>) offsets(%dma_start3A_40 : memref<128xi32, #tpu.memory_space<vmem>>) semaphore(%run_scoped3A_34 : memref<!tpu.dma_semaphore, #tpu.memory_space<semaphore_mem>>) {add = true}
        %dma_wait3A_44 = arith.constant 0 : i32
        %dma_wait3A_45 = arith.constant 0 : i32
        %dma_wait3A_46 = tpu.memref_slice %arg9[%dma_wait3A_44, %dma_wait3A_45] : memref<128x128xf32, #tpu.memory_space<vmem>> -> memref<128x128xf32, #tpu.memory_space<vmem>>
        %dma_wait3A_47 = arith.constant 0 : i32
        %dma_wait3A_48 = tpu.memref_slice %arg8[%run_scoped3A, %dma_wait3A_47] : memref<1x128xi32, #tpu.memory_space<vmem>> -> memref<1x128xi32, #tpu.memory_space<vmem>>
        %dma_wait3A_49 = tpu.memref_squeeze %dma_wait3A_48 : memref<1x128xi32, #tpu.memory_space<vmem>> -> memref<128xi32, #tpu.memory_space<vmem>>
        %dma_wait3A_50 = arith.constant 0 : i32
        %dma_wait3A_51 = arith.constant 0 : i32
        %dma_wait3A_52 = tpu.memref_slice %arg10[%dma_wait3A_50, %dma_wait3A_51] : memref<10016x128xf32, #tpu.memory_space<vmem_shared>> -> memref<10016x128xf32, #tpu.memory_space<vmem_shared>>
        tpu.wait_indirect_dma semaphore(%run_scoped3A_34 : memref<!tpu.dma_semaphore, #tpu.memory_space<semaphore_mem>>) src(%dma_wait3A_46 : memref<128x128xf32, #tpu.memory_space<vmem>>) dst(%dma_wait3A_52 : memref<10016x128xf32, #tpu.memory_space<vmem_shared>>)
        tpu.yield
      }) : () -> ()
    }
    %scan3A_6 = arith.constant 160 : i32
    %barrier3A_7 = arith.constant 0 : index
    tpu.barrier barrier_id(%barrier3A_7)
    %lt3A = arith.constant 10 : i32
    %lt3A_8 = arith.cmpi slt, %arg1, %lt3A : i32
    %convert_element_type3A_9 = arith.extui %lt3A_8 : i1 to i32
    %cond3A_10 = arith.constant 0 : i32
    %cond3A_11 = arith.cmpi ne, %convert_element_type3A_9, %cond3A_10 : i32
    scf.if %cond3A_11 {
      %mul3A = arith.constant 1000 : i32
      %mul3A_12 = arith.muli %arg1, %mul3A : i32
      %mul3A_13 = arith.constant 1000 : i32
      %mul3A_14 = arith.muli %arg1, %mul3A_13 : i32
      "tpu.region"() ({
        %run_scoped3A = tpu.sem_alloc : memref<!tpu.dma_semaphore, #tpu.memory_space<semaphore_mem>>
        %dma_start3A = arith.constant 0 : i32
        %dma_start3A_15 = tpu.memref_slice %arg6[%arg0, %mul3A_14, %dma_start3A] : memref<2x10000x128xf32, #tpu.memory_space<hbm>> -> memref<1x1000x128xf32, #tpu.memory_space<hbm>>
        %dma_start3A_16 = tpu.memref_squeeze %dma_start3A_15 : memref<1x1000x128xf32, #tpu.memory_space<hbm>> -> memref<1000x128xf32, #tpu.memory_space<hbm>>
        %dma_start3A_17 = arith.constant 0 : i32
        %dma_start3A_18 = tpu.memref_slice %arg10[%mul3A_12, %dma_start3A_17] : memref<10016x128xf32, #tpu.memory_space<vmem_shared>> -> memref<1000x128xf32, #tpu.memory_space<vmem_shared>>
        tpu.enqueue_dma source(%dma_start3A_18 : memref<1000x128xf32, #tpu.memory_space<vmem_shared>>) target(%dma_start3A_16 : memref<1000x128xf32, #tpu.memory_space<hbm>>) target_semaphore(%run_scoped3A : memref<!tpu.dma_semaphore, #tpu.memory_space<semaphore_mem>>)
        %dma_wait3A = arith.constant 0 : i32
        %dma_wait3A_19 = tpu.memref_slice %arg6[%arg0, %mul3A_14, %dma_wait3A] : memref<2x10000x128xf32, #tpu.memory_space<hbm>> -> memref<1x1000x128xf32, #tpu.memory_space<hbm>>
        %dma_wait3A_20 = tpu.memref_squeeze %dma_wait3A_19 : memref<1x1000x128xf32, #tpu.memory_space<hbm>> -> memref<1000x128xf32, #tpu.memory_space<hbm>>
        %dma_wait3A_21 = arith.constant 0 : i32
        %dma_wait3A_22 = tpu.memref_slice %arg10[%mul3A_12, %dma_wait3A_21] : memref<10016x128xf32, #tpu.memory_space<vmem_shared>> -> memref<1000x128xf32, #tpu.memory_space<vmem_shared>>
        tpu.wait_dma2 semaphore(%run_scoped3A : memref<!tpu.dma_semaphore, #tpu.memory_space<semaphore_mem>>) src(%dma_wait3A_22 : memref<1000x128xf32, #tpu.memory_space<vmem_shared>>) dst(%dma_wait3A_20 : memref<1000x128xf32, #tpu.memory_space<hbm>>)
        tpu.yield
      }) : () -> ()
    } else {
    }
    return
  }
}

module attributes {stable_mosaic.version = 14 : i64} {
  func.func @_tc_ea_body(%arg0: i32, %arg1: memref<2048x128xf32, #tpu.memory_space<vmem>>, %arg2: memref<2048x128xf32, #tpu.memory_space<vmem>>, %arg3: memref<1x128xf32, #tpu.memory_space<vmem>>, %arg4: memref<2x2048x128xf32, #tpu.memory_space<vmem>>) attributes {dimension_semantics = [#tpu.dimension_semantics<arbitrary>], iteration_bounds = array<i64: 20>, scalar_prefetch = 0 : i64, scratch_operands = 0 : i64, tpu.core_type = #tpu.core_type<tc>, window_params = [{transform_indices = @transform_0, window_bounds = array<i64: 2048, 128>}, {transform_indices = @transform_1, window_bounds = array<i64: 2048, 128>}, {pipeline_mode = #tpu.pipeline_mode<synchronous>, transform_indices = @transform_2, window_bounds = array<i64: 1, 128>}, {transform_indices = @transform_3, window_bounds = array<i64: 2, 2048, 128>}]} {
    %get3A = arith.constant 0 : index
    %get3A_0 = arith.constant 0 : index
    %get3A_1 = vector.load %arg1[%get3A, %get3A_0] : memref<2048x128xf32, #tpu.memory_space<vmem>>, vector<2048x128xf32>
    %get3A_2 = arith.constant 0 : index
    %get3A_3 = arith.constant 0 : index
    %get3A_4 = vector.load %arg2[%get3A_2, %get3A_3] : memref<2048x128xf32, #tpu.memory_space<vmem>>, vector<2048x128xf32>
    %swap3A = arith.constant 0 : index
    %swap3A_5 = arith.constant 0 : index
    %swap3A_6 = arith.constant 0 : index
    %swap3A_7 = vector.load %arg4[%swap3A, %swap3A_5, %swap3A_6] : memref<2x2048x128xf32, #tpu.memory_space<vmem>>, vector<1x2048x128xf32>
    %swap3A_8 = vector.shape_cast %swap3A_7 : vector<1x2048x128xf32> to vector<2048x128xf32>
    %swap3A_9 = vector.shape_cast %get3A_1 : vector<2048x128xf32> to vector<1x2048x128xf32>
    tpu.vector_store %arg4[%swap3A, %swap3A_5, %swap3A_6], %swap3A_9 {strides = array<i32>} : memref<2x2048x128xf32, #tpu.memory_space<vmem>>, vector<1x2048x128xf32>,
    %sub3A = arith.constant 1.000000e+00 : f32
    %sub3A_10 = vector.broadcast %sub3A : f32 to vector<2048x128xf32>
    %sub3A_11 = arith.subf %sub3A_10, %get3A_4 : vector<2048x128xf32>
    %mul3A = arith.mulf %get3A_1, %sub3A_11 : vector<2048x128xf32>
    %get3A_12 = arith.constant 0 : index
    %get3A_13 = arith.constant 0 : index
    %get3A_14 = vector.load %arg3[%get3A_12, %get3A_13] : memref<1x128xf32, #tpu.memory_space<vmem>>, vector<1x128xf32>
    %mul3A_15 = vector.broadcast %get3A_14 : vector<1x128xf32> to vector<2048x128xf32>
    %mul3A_16 = arith.mulf %get3A_4, %mul3A_15 : vector<2048x128xf32>
    %add3A = arith.addf %mul3A, %mul3A_16 : vector<2048x128xf32>
    %swap3A_17 = arith.constant 1 : index
    %swap3A_18 = arith.constant 0 : index
    %swap3A_19 = arith.constant 0 : index
    %swap3A_20 = vector.load %arg4[%swap3A_17, %swap3A_18, %swap3A_19] : memref<2x2048x128xf32, #tpu.memory_space<vmem>>, vector<1x2048x128xf32>
    %swap3A_21 = vector.shape_cast %swap3A_20 : vector<1x2048x128xf32> to vector<2048x128xf32>
    %swap3A_22 = vector.shape_cast %add3A : vector<2048x128xf32> to vector<1x2048x128xf32>
    tpu.vector_store %arg4[%swap3A_17, %swap3A_18, %swap3A_19], %swap3A_22 {strides = array<i32>} : memref<2x2048x128xf32, #tpu.memory_space<vmem>>, vector<1x2048x128xf32>,
    return
  }
  func.func @transform_0(%arg0: i32) -> (i32, i32) {
    %c0_i32 = arith.constant 0 : i32
    %c0_i32_0 = arith.constant 0 : i32
    return %arg0, %c0_i32 : i32, i32
  }
  func.func @transform_1(%arg0: i32) -> (i32, i32) {
    %c0_i32 = arith.constant 0 : i32
    %c0_i32_0 = arith.constant 0 : i32
    return %arg0, %c0_i32 : i32, i32
  }
  func.func @transform_2(%arg0: i32) -> (i32, i32) {
    %c0_i32 = arith.constant 0 : i32
    %c0_i32_0 = arith.constant 0 : i32
    %c0_i32_1 = arith.constant 0 : i32
    return %c0_i32, %c0_i32_0 : i32, i32
  }
  func.func @transform_3(%arg0: i32) -> (i32, i32, i32) {
    %c0_i32 = arith.constant 0 : i32
    %c0_i32_0 = arith.constant 0 : i32
    %c0_i32_1 = arith.constant 0 : i32
    return %c0_i32, %arg0, %c0_i32_0 : i32, i32, i32
  }
}

module attributes {stable_mosaic.version = 14 : i64} {
  func.func @_tc_h_body(%arg0: i32, %arg1: memref<1000x128xf32, #tpu.memory_space<vmem>>, %arg2: memref<1000x1xf32, #tpu.memory_space<vmem>>, %arg3: memref<1x128xf32, #tpu.memory_space<vmem>>, %arg4: memref<1x128xf32, #tpu.memory_space<vmem>>, %arg5: memref<128x128xf32, #tpu.memory_space<vmem>>, %arg6: memref<1x128xf32, #tpu.memory_space<vmem>>, %arg7: memref<2x1000x128xf32, #tpu.memory_space<vmem>>) attributes {dimension_semantics = [#tpu.dimension_semantics<arbitrary>], iteration_bounds = array<i64: 10>, scalar_prefetch = 0 : i64, scratch_operands = 0 : i64, tpu.core_type = #tpu.core_type<tc>, window_params = [{transform_indices = @transform_0, window_bounds = array<i64: 1000, 128>}, {transform_indices = @transform_1, window_bounds = array<i64: 1000, 1>}, {pipeline_mode = #tpu.pipeline_mode<synchronous>, transform_indices = @transform_2, window_bounds = array<i64: 1, 128>}, {pipeline_mode = #tpu.pipeline_mode<synchronous>, transform_indices = @transform_3, window_bounds = array<i64: 1, 128>}, {pipeline_mode = #tpu.pipeline_mode<synchronous>, transform_indices = @transform_4, window_bounds = array<i64: 128, 128>}, {pipeline_mode = #tpu.pipeline_mode<synchronous>, transform_indices = @transform_5, window_bounds = array<i64: 1, 128>}, {transform_indices = @transform_6, window_bounds = array<i64: 2, 1000, 128>}]} {
    %get3A = arith.constant 0 : index
    %get3A_0 = arith.constant 0 : index
    %get3A_1 = vector.load %arg1[%get3A, %get3A_0] : memref<1000x128xf32, #tpu.memory_space<vmem>>, vector<1000x128xf32>
    %get3A_2 = arith.constant 0 : index
    %get3A_3 = arith.constant 0 : index
    %get3A_4 = vector.load %arg2[%get3A_2, %get3A_3] : memref<1000x1xf32, #tpu.memory_space<vmem>>, vector<1000x1xf32>
    %get3A_5 = arith.constant 0 : index
    %get3A_6 = arith.constant 0 : index
    %get3A_7 = vector.load %arg4[%get3A_5, %get3A_6] : memref<1x128xf32, #tpu.memory_space<vmem>>, vector<1x128xf32>
    %mul3A = vector.broadcast %get3A_4 : vector<1000x1xf32> to vector<1000x128xf32>
    %mul3A_8 = vector.broadcast %get3A_7 : vector<1x128xf32> to vector<1000x128xf32>
    %mul3A_9 = arith.mulf %mul3A, %mul3A_8 : vector<1000x128xf32>
    %sub3A = arith.constant 1.000000e+00 : f32
    %sub3A_10 = vector.broadcast %sub3A : f32 to vector<1000x128xf32>
    %sub3A_11 = arith.subf %sub3A_10, %mul3A_9 : vector<1000x128xf32>
    %mul3A_12 = arith.mulf %get3A_1, %sub3A_11 : vector<1000x128xf32>
    %get3A_13 = arith.constant 0 : index
    %get3A_14 = arith.constant 0 : index
    %get3A_15 = vector.load %arg3[%get3A_13, %get3A_14] : memref<1x128xf32, #tpu.memory_space<vmem>>, vector<1x128xf32>
    %mul3A_16 = vector.broadcast %get3A_4 : vector<1000x1xf32> to vector<1000x128xf32>
    %mul3A_17 = vector.broadcast %get3A_15 : vector<1x128xf32> to vector<1000x128xf32>
    %mul3A_18 = arith.mulf %mul3A_16, %mul3A_17 : vector<1000x128xf32>
    %add3A = arith.addf %mul3A_12, %mul3A_18 : vector<1000x128xf32>
    %get3A_19 = arith.constant 0 : index
    %get3A_20 = arith.constant 0 : index
    %get3A_21 = vector.load %arg5[%get3A_19, %get3A_20] : memref<128x128xf32, #tpu.memory_space<vmem>>, vector<128x128xf32>
    %get3A_22 = arith.constant 0 : index
    %get3A_23 = arith.constant 0 : index
    %get3A_24 = vector.load %arg6[%get3A_22, %get3A_23] : memref<1x128xf32, #tpu.memory_space<vmem>>, vector<1x128xf32>
    %dot_general3A = arith.constant dense<0.000000e+00> : vector<1000x128xf32>
    %dot_general3A_25 = tpu.matmul %add3A, %get3A_21, %dot_general3A {dimension_numbers = #tpu.dot_dimension_numbers<[1], [0], [0], [1], [0, 0, 1, 1], [], []>, transpose_lhs_hint = false} : vector<1000x128xf32>, vector<128x128xf32>, vector<1000x128xf32> -> vector<1000x128xf32>
    %add3A_26 = vector.broadcast %get3A_24 : vector<1x128xf32> to vector<1000x128xf32>
    %add3A_27 = arith.addf %dot_general3A_25, %add3A_26 : vector<1000x128xf32>
    %max3A = arith.constant 0.000000e+00 : f32
    %max3A_28 = vector.broadcast %max3A : f32 to vector<1000x128xf32>
    %max3A_29 = arith.maximumf %add3A_27, %max3A_28 : vector<1000x128xf32>
    %swap3A = arith.constant 0 : index
    %swap3A_30 = arith.constant 0 : index
    %swap3A_31 = arith.constant 0 : index
    %swap3A_32 = vector.load %arg7[%swap3A, %swap3A_30, %swap3A_31] : memref<2x1000x128xf32, #tpu.memory_space<vmem>>, vector<1x1000x128xf32>
    %swap3A_33 = vector.shape_cast %swap3A_32 : vector<1x1000x128xf32> to vector<1000x128xf32>
    %swap3A_34 = vector.shape_cast %max3A_29 : vector<1000x128xf32> to vector<1x1000x128xf32>
    tpu.vector_store %arg7[%swap3A, %swap3A_30, %swap3A_31], %swap3A_34 {strides = array<i32>} : memref<2x1000x128xf32, #tpu.memory_space<vmem>>, vector<1x1000x128xf32>,
    %dot_general3A_35 = arith.constant dense<0.000000e+00> : vector<1000x128xf32>
    %dot_general3A_36 = tpu.matmul %get3A_1, %get3A_21, %dot_general3A_35 {dimension_numbers = #tpu.dot_dimension_numbers<[1], [0], [0], [1], [0, 0, 1, 1], [], []>, transpose_lhs_hint = false} : vector<1000x128xf32>, vector<128x128xf32>, vector<1000x128xf32> -> vector<1000x128xf32>
    %add3A_37 = vector.broadcast %get3A_24 : vector<1x128xf32> to vector<1000x128xf32>
    %add3A_38 = arith.addf %dot_general3A_36, %add3A_37 : vector<1000x128xf32>
    %max3A_39 = arith.constant 0.000000e+00 : f32
    %max3A_40 = vector.broadcast %max3A_39 : f32 to vector<1000x128xf32>
    %max3A_41 = arith.maximumf %add3A_38, %max3A_40 : vector<1000x128xf32>
    %swap3A_42 = arith.constant 1 : index
    %swap3A_43 = arith.constant 0 : index
    %swap3A_44 = arith.constant 0 : index
    %swap3A_45 = vector.load %arg7[%swap3A_42, %swap3A_43, %swap3A_44] : memref<2x1000x128xf32, #tpu.memory_space<vmem>>, vector<1x1000x128xf32>
    %swap3A_46 = vector.shape_cast %swap3A_45 : vector<1x1000x128xf32> to vector<1000x128xf32>
    %swap3A_47 = vector.shape_cast %max3A_41 : vector<1000x128xf32> to vector<1x1000x128xf32>
    tpu.vector_store %arg7[%swap3A_42, %swap3A_43, %swap3A_44], %swap3A_47 {strides = array<i32>} : memref<2x1000x128xf32, #tpu.memory_space<vmem>>, vector<1x1000x128xf32>,
    return
  }
  func.func @transform_0(%arg0: i32) -> (i32, i32) {
    %c0_i32 = arith.constant 0 : i32
    %c0_i32_0 = arith.constant 0 : i32
    return %arg0, %c0_i32 : i32, i32
  }
  func.func @transform_1(%arg0: i32) -> (i32, i32) {
    %c0_i32 = arith.constant 0 : i32
    %c0_i32_0 = arith.constant 0 : i32
    return %arg0, %c0_i32 : i32, i32
  }
  func.func @transform_2(%arg0: i32) -> (i32, i32) {
    %c0_i32 = arith.constant 0 : i32
    %c0_i32_0 = arith.constant 0 : i32
    %c0_i32_1 = arith.constant 0 : i32
    return %c0_i32, %c0_i32_0 : i32, i32
  }
  func.func @transform_3(%arg0: i32) -> (i32, i32) {
    %c0_i32 = arith.constant 0 : i32
    %c0_i32_0 = arith.constant 0 : i32
    %c0_i32_1 = arith.constant 0 : i32
    return %c0_i32, %c0_i32_0 : i32, i32
  }
  func.func @transform_4(%arg0: i32) -> (i32, i32) {
    %c0_i32 = arith.constant 0 : i32
    %c0_i32_0 = arith.constant 0 : i32
    %c0_i32_1 = arith.constant 0 : i32
    return %c0_i32, %c0_i32_0 : i32, i32
  }
  func.func @transform_5(%arg0: i32) -> (i32, i32) {
    %c0_i32 = arith.constant 0 : i32
    %c0_i32_0 = arith.constant 0 : i32
    %c0_i32_1 = arith.constant 0 : i32
    return %c0_i32, %c0_i32_0 : i32, i32
  }
  func.func @transform_6(%arg0: i32) -> (i32, i32, i32) {
    %c0_i32 = arith.constant 0 : i32
    %c0_i32_0 = arith.constant 0 : i32
    %c0_i32_1 = arith.constant 0 : i32
    return %c0_i32, %arg0, %c0_i32_0 : i32, i32, i32
  }
}

module attributes {stable_mosaic.version = 14 : i64} {
  func.func @_tc_emb_body(%arg0: i32, %arg1: i32, %arg2: memref<1x1000x128xf32, #tpu.memory_space<vmem>>, %arg3: memref<1x1000x16xf32, #tpu.memory_space<vmem>>, %arg4: memref<1x1000x128xf32, #tpu.memory_space<vmem>>, %arg5: memref<128x128xf32, #tpu.memory_space<vmem>>, %arg6: memref<16x128xf32, #tpu.memory_space<vmem>>, %arg7: memref<128x128xf32, #tpu.memory_space<vmem>>, %arg8: memref<1x1000x128xf32, #tpu.memory_space<vmem>>) attributes {dimension_semantics = [#tpu.dimension_semantics<arbitrary>, #tpu.dimension_semantics<arbitrary>], iteration_bounds = array<i64: 2, 10>, scalar_prefetch = 0 : i64, scratch_operands = 0 : i64, tpu.core_type = #tpu.core_type<tc>, window_params = [{transform_indices = @transform_0, window_bounds = array<i64: 1, 1000, 128>}, {transform_indices = @transform_1, window_bounds = array<i64: 1, 1000, 16>}, {transform_indices = @transform_2, window_bounds = array<i64: 1, 1000, 128>}, {pipeline_mode = #tpu.pipeline_mode<synchronous>, transform_indices = @transform_3, window_bounds = array<i64: 128, 128>}, {pipeline_mode = #tpu.pipeline_mode<synchronous>, transform_indices = @transform_4, window_bounds = array<i64: 16, 128>}, {pipeline_mode = #tpu.pipeline_mode<synchronous>, transform_indices = @transform_5, window_bounds = array<i64: 128, 128>}, {transform_indices = @transform_6, window_bounds = array<i64: 1, 1000, 128>}]} {
    %get3A = arith.constant 0 : index
    %get3A_0 = arith.constant 0 : index
    %get3A_1 = arith.constant 0 : index
    %get3A_2 = vector.load %arg2[%get3A, %get3A_0, %get3A_1] : memref<1x1000x128xf32, #tpu.memory_space<vmem>>, vector<1x1000x128xf32>
    %get3A_3 = vector.shape_cast %get3A_2 : vector<1x1000x128xf32> to vector<1000x128xf32>
    %get3A_4 = arith.constant 0 : index
    %get3A_5 = arith.constant 0 : index
    %get3A_6 = vector.load %arg5[%get3A_4, %get3A_5] : memref<128x128xf32, #tpu.memory_space<vmem>>, vector<128x128xf32>
    %dot_general3A = arith.constant dense<0.000000e+00> : vector<1000x128xf32>
    %dot_general3A_7 = tpu.matmul %get3A_3, %get3A_6, %dot_general3A {dimension_numbers = #tpu.dot_dimension_numbers<[1], [0], [0], [1], [0, 0, 1, 1], [], []>, transpose_lhs_hint = false} : vector<1000x128xf32>, vector<128x128xf32>, vector<1000x128xf32> -> vector<1000x128xf32>
    %get3A_8 = arith.constant 0 : index
    %get3A_9 = arith.constant 0 : index
    %get3A_10 = arith.constant 0 : index
    %get3A_11 = vector.load %arg3[%get3A_8, %get3A_9, %get3A_10] : memref<1x1000x16xf32, #tpu.memory_space<vmem>>, vector<1x1000x16xf32>
    %get3A_12 = vector.shape_cast %get3A_11 : vector<1x1000x16xf32> to vector<1000x16xf32>
    %get3A_13 = arith.constant 0 : index
    %get3A_14 = arith.constant 0 : index
    %get3A_15 = vector.load %arg6[%get3A_13, %get3A_14] : memref<16x128xf32, #tpu.memory_space<vmem>>, vector<16x128xf32>
    %dot_general3A_16 = arith.constant dense<0.000000e+00> : vector<1000x128xf32>
    %dot_general3A_17 = tpu.matmul %get3A_12, %get3A_15, %dot_general3A_16 {dimension_numbers = #tpu.dot_dimension_numbers<[1], [0], [0], [1], [0, 0, 1, 1], [], []>, transpose_lhs_hint = false} : vector<1000x16xf32>, vector<16x128xf32>, vector<1000x128xf32> -> vector<1000x128xf32>
    %add3A = arith.addf %dot_general3A_7, %dot_general3A_17 : vector<1000x128xf32>
    %get3A_18 = arith.constant 0 : index
    %get3A_19 = arith.constant 0 : index
    %get3A_20 = arith.constant 0 : index
    %get3A_21 = vector.load %arg4[%get3A_18, %get3A_19, %get3A_20] : memref<1x1000x128xf32, #tpu.memory_space<vmem>>, vector<1x1000x128xf32>
    %get3A_22 = vector.shape_cast %get3A_21 : vector<1x1000x128xf32> to vector<1000x128xf32>
    %get3A_23 = arith.constant 0 : index
    %get3A_24 = arith.constant 0 : index
    %get3A_25 = vector.load %arg7[%get3A_23, %get3A_24] : memref<128x128xf32, #tpu.memory_space<vmem>>, vector<128x128xf32>
    %dot_general3A_26 = arith.constant dense<0.000000e+00> : vector<1000x128xf32>
    %dot_general3A_27 = tpu.matmul %get3A_22, %get3A_25, %dot_general3A_26 {dimension_numbers = #tpu.dot_dimension_numbers<[1], [0], [0], [1], [0, 0, 1, 1], [], []>, transpose_lhs_hint = false} : vector<1000x128xf32>, vector<128x128xf32>, vector<1000x128xf32> -> vector<1000x128xf32>
    %add3A_28 = arith.addf %add3A, %dot_general3A_27 : vector<1000x128xf32>
    %max3A = arith.constant 0.000000e+00 : f32
    %max3A_29 = vector.broadcast %max3A : f32 to vector<1000x128xf32>
    %max3A_30 = arith.maximumf %add3A_28, %max3A_29 : vector<1000x128xf32>
    %swap3A = arith.constant 0 : index
    %swap3A_31 = arith.constant 0 : index
    %swap3A_32 = arith.constant 0 : index
    %swap3A_33 = vector.load %arg8[%swap3A, %swap3A_31, %swap3A_32] : memref<1x1000x128xf32, #tpu.memory_space<vmem>>, vector<1x1000x128xf32>
    %swap3A_34 = vector.shape_cast %swap3A_33 : vector<1x1000x128xf32> to vector<1000x128xf32>
    %swap3A_35 = vector.shape_cast %max3A_30 : vector<1000x128xf32> to vector<1x1000x128xf32>
    tpu.vector_store %arg8[%swap3A, %swap3A_31, %swap3A_32], %swap3A_35 {strides = array<i32>} : memref<1x1000x128xf32, #tpu.memory_space<vmem>>, vector<1x1000x128xf32>,
    return
  }
  func.func @transform_0(%arg0: i32, %arg1: i32) -> (i32, i32, i32) {
    %c0_i32 = arith.constant 0 : i32
    %c0_i32_0 = arith.constant 0 : i32
    return %arg0, %arg1, %c0_i32 : i32, i32, i32
  }
  func.func @transform_1(%arg0: i32, %arg1: i32) -> (i32, i32, i32) {
    %c0_i32 = arith.constant 0 : i32
    %c0_i32_0 = arith.constant 0 : i32
    return %arg0, %arg1, %c0_i32 : i32, i32, i32
  }
  func.func @transform_2(%arg0: i32, %arg1: i32) -> (i32, i32, i32) {
    %c0_i32 = arith.constant 0 : i32
    %c0_i32_0 = arith.constant 0 : i32
    return %arg0, %arg1, %c0_i32 : i32, i32, i32
  }
  func.func @transform_3(%arg0: i32, %arg1: i32) -> (i32, i32) {
    %c0_i32 = arith.constant 0 : i32
    %c0_i32_0 = arith.constant 0 : i32
    %c0_i32_1 = arith.constant 0 : i32
    return %c0_i32, %c0_i32_0 : i32, i32
  }
  func.func @transform_4(%arg0: i32, %arg1: i32) -> (i32, i32) {
    %c0_i32 = arith.constant 0 : i32
    %c0_i32_0 = arith.constant 0 : i32
    %c0_i32_1 = arith.constant 0 : i32
    return %c0_i32, %c0_i32_0 : i32, i32
  }
  func.func @transform_5(%arg0: i32, %arg1: i32) -> (i32, i32) {
    %c0_i32 = arith.constant 0 : i32
    %c0_i32_0 = arith.constant 0 : i32
    %c0_i32_1 = arith.constant 0 : i32
    return %c0_i32, %c0_i32_0 : i32, i32
  }
  func.func @transform_6(%arg0: i32, %arg1: i32) -> (i32, i32, i32) {
    %c0_i32 = arith.constant 0 : i32
    %c0_i32_0 = arith.constant 0 : i32
    return %arg0, %arg1, %c0_i32 : i32, i32, i32
  }
}

module attributes {stable_mosaic.version = 14 : i64} {
  func.func @_tc_node_body(%arg0: i32, %arg1: memref<1536x128xf32, #tpu.memory_space<vmem>>, %arg2: memref<1536x2xf32, #tpu.memory_space<vmem>>, %arg3: memref<128x128xf32, #tpu.memory_space<vmem>>, %arg4: memref<1x128xf32, #tpu.memory_space<vmem>>, %arg5: memref<128x2xf32, #tpu.memory_space<vmem>>, %arg6: memref<1x2xf32, #tpu.memory_space<vmem>>, %arg7: memref<1536x1xf32, #tpu.memory_space<vmem>>, %arg8: memref<1x1xf32, #tpu.memory_space<smem>>) attributes {dimension_semantics = [#tpu.dimension_semantics<arbitrary>], iteration_bounds = array<i64: 1>, scalar_prefetch = 0 : i64, scratch_operands = 0 : i64, tpu.core_type = #tpu.core_type<tc>, window_params = [{pipeline_mode = #tpu.pipeline_mode<synchronous>, transform_indices = @transform_0, window_bounds = array<i64: 1536, 128>}, {pipeline_mode = #tpu.pipeline_mode<synchronous>, transform_indices = @transform_1, window_bounds = array<i64: 1536, 2>}, {pipeline_mode = #tpu.pipeline_mode<synchronous>, transform_indices = @transform_2, window_bounds = array<i64: 128, 128>}, {pipeline_mode = #tpu.pipeline_mode<synchronous>, transform_indices = @transform_3, window_bounds = array<i64: 1, 128>}, {pipeline_mode = #tpu.pipeline_mode<synchronous>, transform_indices = @transform_4, window_bounds = array<i64: 128, 2>}, {pipeline_mode = #tpu.pipeline_mode<synchronous>, transform_indices = @transform_5, window_bounds = array<i64: 1, 2>}, {pipeline_mode = #tpu.pipeline_mode<synchronous>, transform_indices = @transform_6, window_bounds = array<i64: 1536, 1>}, {transform_indices = @transform_7, window_bounds = array<i64: 1, 1>}]} {
    %get3A = arith.constant 0 : index
    %get3A_0 = arith.constant 0 : index
    %get3A_1 = vector.load %arg1[%get3A, %get3A_0] : memref<1536x128xf32, #tpu.memory_space<vmem>>, vector<1536x128xf32>
    %get3A_2 = arith.constant 0 : index
    %get3A_3 = arith.constant 0 : index
    %get3A_4 = vector.load %arg3[%get3A_2, %get3A_3] : memref<128x128xf32, #tpu.memory_space<vmem>>, vector<128x128xf32>
    %dot_general3A = arith.constant dense<0.000000e+00> : vector<1536x128xf32>
    %dot_general3A_5 = tpu.matmul %get3A_1, %get3A_4, %dot_general3A {dimension_numbers = #tpu.dot_dimension_numbers<[1], [0], [0], [1], [0, 0, 1, 1], [], []>, transpose_lhs_hint = false} : vector<1536x128xf32>, vector<128x128xf32>, vector<1536x128xf32> -> vector<1536x128xf32>
    %get3A_6 = arith.constant 0 : index
    %get3A_7 = arith.constant 0 : index
    %get3A_8 = vector.load %arg4[%get3A_6, %get3A_7] : memref<1x128xf32, #tpu.memory_space<vmem>>, vector<1x128xf32>
    %add3A = vector.broadcast %get3A_8 : vector<1x128xf32> to vector<1536x128xf32>
    %add3A_9 = arith.addf %dot_general3A_5, %add3A : vector<1536x128xf32>
    %max3A = arith.constant 0.000000e+00 : f32
    %max3A_10 = vector.broadcast %max3A : f32 to vector<1536x128xf32>
    %max3A_11 = arith.maximumf %add3A_9, %max3A_10 : vector<1536x128xf32>
    %get3A_12 = arith.constant 0 : index
    %get3A_13 = arith.constant 0 : index
    %get3A_14 = vector.load %arg5[%get3A_12, %get3A_13] : memref<128x2xf32, #tpu.memory_space<vmem>>, vector<128x2xf32>
    %dot_general3A_15 = arith.constant dense<0.000000e+00> : vector<1536x2xf32>
    %dot_general3A_16 = tpu.matmul %max3A_11, %get3A_14, %dot_general3A_15 {dimension_numbers = #tpu.dot_dimension_numbers<[1], [0], [0], [1], [0, 0, 1, 1], [], []>, transpose_lhs_hint = false} : vector<1536x128xf32>, vector<128x2xf32>, vector<1536x2xf32> -> vector<1536x2xf32>
    %get3A_17 = arith.constant 0 : index
    %get3A_18 = arith.constant 0 : index
    %get3A_19 = vector.load %arg6[%get3A_17, %get3A_18] : memref<1x2xf32, #tpu.memory_space<vmem>>, vector<1x2xf32>
    %add3A_20 = vector.broadcast %get3A_19 : vector<1x2xf32> to vector<1536x2xf32>
    %add3A_21 = arith.addf %dot_general3A_16, %add3A_20 : vector<1536x2xf32>
    %get3A_22 = arith.constant 0 : index
    %get3A_23 = arith.constant 0 : index
    %get3A_24 = vector.load %arg2[%get3A_22, %get3A_23] : memref<1536x2xf32, #tpu.memory_space<vmem>>, vector<1536x2xf32>
    %sub3A = arith.subf %add3A_21, %get3A_24 : vector<1536x2xf32>
    %abs3A = math.absf %sub3A : vector<1536x2xf32>
    %get3A_25 = arith.constant 0 : index
    %get3A_26 = arith.constant 0 : index
    %get3A_27 = vector.load %arg7[%get3A_25, %get3A_26] : memref<1536x1xf32, #tpu.memory_space<vmem>>, vector<1536x1xf32>
    %mul3A = vector.broadcast %get3A_27 : vector<1536x1xf32> to vector<1536x2xf32>
    %mul3A_28 = arith.mulf %abs3A, %mul3A : vector<1536x2xf32>
    %reduce_sum3A = vector.shape_cast %mul3A_28 : vector<1536x2xf32> to vector<1x1536x2xf32>
    %reduce_sum3A_29 = arith.constant dense<0.000000e+00> : vector<1xf32>
    %reduce_sum3A_30 = vector.multi_reduction <add>, %reduce_sum3A, %reduce_sum3A_29 [1, 2] : vector<1x1536x2xf32> to vector<1xf32>
    %reduce_sum3A_31 = vector.shape_cast %reduce_sum3A_30 : vector<1xf32> to vector<1x1x1xf32>
    %reduce_sum3A_32 = vector.extract %reduce_sum3A_31[0, 0, 0] : f32 from vector<1x1x1xf32>
    %swap3A = arith.constant 0 : index
    %swap3A_33 = arith.constant 0 : index
    %swap3A_34 = memref.load %arg8[%swap3A, %swap3A_33] : memref<1x1xf32, #tpu.memory_space<smem>>
    memref.store %reduce_sum3A_32, %arg8[%swap3A, %swap3A_33] : memref<1x1xf32, #tpu.memory_space<smem>>
    return
  }
  func.func @transform_0(%arg0: i32) -> (i32, i32) {
    %c0_i32 = arith.constant 0 : i32
    %c0_i32_0 = arith.constant 0 : i32
    %c0_i32_1 = arith.constant 0 : i32
    return %c0_i32, %c0_i32_0 : i32, i32
  }
  func.func @transform_1(%arg0: i32) -> (i32, i32) {
    %c0_i32 = arith.constant 0 : i32
    %c0_i32_0 = arith.constant 0 : i32
    %c0_i32_1 = arith.constant 0 : i32
    return %c0_i32, %c0_i32_0 : i32, i32
  }
  func.func @transform_2(%arg0: i32) -> (i32, i32) {
    %c0_i32 = arith.constant 0 : i32
    %c0_i32_0 = arith.constant 0 : i32
    %c0_i32_1 = arith.constant 0 : i32
    return %c0_i32, %c0_i32_0 : i32, i32
  }
  func.func @transform_3(%arg0: i32) -> (i32, i32) {
    %c0_i32 = arith.constant 0 : i32
    %c0_i32_0 = arith.constant 0 : i32
    %c0_i32_1 = arith.constant 0 : i32
    return %c0_i32, %c0_i32_0 : i32, i32
  }
  func.func @transform_4(%arg0: i32) -> (i32, i32) {
    %c0_i32 = arith.constant 0 : i32
    %c0_i32_0 = arith.constant 0 : i32
    %c0_i32_1 = arith.constant 0 : i32
    return %c0_i32, %c0_i32_0 : i32, i32
  }
  func.func @transform_5(%arg0: i32) -> (i32, i32) {
    %c0_i32 = arith.constant 0 : i32
    %c0_i32_0 = arith.constant 0 : i32
    %c0_i32_1 = arith.constant 0 : i32
    return %c0_i32, %c0_i32_0 : i32, i32
  }
  func.func @transform_6(%arg0: i32) -> (i32, i32) {
    %c0_i32 = arith.constant 0 : i32
    %c0_i32_0 = arith.constant 0 : i32
    %c0_i32_1 = arith.constant 0 : i32
    return %c0_i32, %c0_i32_0 : i32, i32
  }
  func.func @transform_7(%arg0: i32) -> (i32, i32) {
    %c0_i32 = arith.constant 0 : i32
    %c0_i32_0 = arith.constant 0 : i32
    %c0_i32_1 = arith.constant 0 : i32
    return %c0_i32, %c0_i32_0 : i32, i32
  }
}

module attributes {stable_mosaic.version = 14 : i64} {
  func.func @_tc_edge_body(%arg0: i32, %arg1: memref<4096x128xf32, #tpu.memory_space<vmem>>, %arg2: memref<4096x128xf32, #tpu.memory_space<vmem>>, %arg3: memref<4096x2xf32, #tpu.memory_space<vmem>>, %arg4: memref<128x128xf32, #tpu.memory_space<vmem>>, %arg5: memref<128x128xf32, #tpu.memory_space<vmem>>, %arg6: memref<1x128xf32, #tpu.memory_space<vmem>>, %arg7: memref<128x2xf32, #tpu.memory_space<vmem>>, %arg8: memref<1x2xf32, #tpu.memory_space<vmem>>, %arg9: memref<4096x1xf32, #tpu.memory_space<vmem>>, %arg10: memref<1x1xf32, #tpu.memory_space<smem>>) attributes {dimension_semantics = [#tpu.dimension_semantics<arbitrary>], iteration_bounds = array<i64: 12>, scalar_prefetch = 0 : i64, scratch_operands = 0 : i64, tpu.core_type = #tpu.core_type<tc>, window_params = [{transform_indices = @transform_0, window_bounds = array<i64: 4096, 128>}, {transform_indices = @transform_1, window_bounds = array<i64: 4096, 128>}, {transform_indices = @transform_2, window_bounds = array<i64: 4096, 2>}, {pipeline_mode = #tpu.pipeline_mode<synchronous>, transform_indices = @transform_3, window_bounds = array<i64: 128, 128>}, {pipeline_mode = #tpu.pipeline_mode<synchronous>, transform_indices = @transform_4, window_bounds = array<i64: 128, 128>}, {pipeline_mode = #tpu.pipeline_mode<synchronous>, transform_indices = @transform_5, window_bounds = array<i64: 1, 128>}, {pipeline_mode = #tpu.pipeline_mode<synchronous>, transform_indices = @transform_6, window_bounds = array<i64: 128, 2>}, {pipeline_mode = #tpu.pipeline_mode<synchronous>, transform_indices = @transform_7, window_bounds = array<i64: 1, 2>}, {transform_indices = @transform_8, window_bounds = array<i64: 4096, 1>}, {transform_indices = @transform_9, window_bounds = array<i64: 1, 1>}]} {
    %get3A = arith.constant 0 : index
    %get3A_0 = arith.constant 0 : index
    %get3A_1 = vector.load %arg1[%get3A, %get3A_0] : memref<4096x128xf32, #tpu.memory_space<vmem>>, vector<4096x128xf32>
    %get3A_2 = arith.constant 0 : index
    %get3A_3 = arith.constant 0 : index
    %get3A_4 = vector.load %arg4[%get3A_2, %get3A_3] : memref<128x128xf32, #tpu.memory_space<vmem>>, vector<128x128xf32>
    %dot_general3A = arith.constant dense<0.000000e+00> : vector<4096x128xf32>
    %dot_general3A_5 = tpu.matmul %get3A_1, %get3A_4, %dot_general3A {dimension_numbers = #tpu.dot_dimension_numbers<[1], [0], [0], [1], [0, 0, 1, 1], [], []>, transpose_lhs_hint = false} : vector<4096x128xf32>, vector<128x128xf32>, vector<4096x128xf32> -> vector<4096x128xf32>
    %get3A_6 = arith.constant 0 : index
    %get3A_7 = arith.constant 0 : index
    %get3A_8 = vector.load %arg2[%get3A_6, %get3A_7] : memref<4096x128xf32, #tpu.memory_space<vmem>>, vector<4096x128xf32>
    %get3A_9 = arith.constant 0 : index
    %get3A_10 = arith.constant 0 : index
    %get3A_11 = vector.load %arg5[%get3A_9, %get3A_10] : memref<128x128xf32, #tpu.memory_space<vmem>>, vector<128x128xf32>
    %dot_general3A_12 = arith.constant dense<0.000000e+00> : vector<4096x128xf32>
    %dot_general3A_13 = tpu.matmul %get3A_8, %get3A_11, %dot_general3A_12 {dimension_numbers = #tpu.dot_dimension_numbers<[1], [0], [0], [1], [0, 0, 1, 1], [], []>, transpose_lhs_hint = false} : vector<4096x128xf32>, vector<128x128xf32>, vector<4096x128xf32> -> vector<4096x128xf32>
    %add3A = arith.addf %dot_general3A_5, %dot_general3A_13 : vector<4096x128xf32>
    %get3A_14 = arith.constant 0 : index
    %get3A_15 = arith.constant 0 : index
    %get3A_16 = vector.load %arg6[%get3A_14, %get3A_15] : memref<1x128xf32, #tpu.memory_space<vmem>>, vector<1x128xf32>
    %add3A_17 = vector.broadcast %get3A_16 : vector<1x128xf32> to vector<4096x128xf32>
    %add3A_18 = arith.addf %add3A, %add3A_17 : vector<4096x128xf32>
    %max3A = arith.constant 0.000000e+00 : f32
    %max3A_19 = vector.broadcast %max3A : f32 to vector<4096x128xf32>
    %max3A_20 = arith.maximumf %add3A_18, %max3A_19 : vector<4096x128xf32>
    %get3A_21 = arith.constant 0 : index
    %get3A_22 = arith.constant 0 : index
    %get3A_23 = vector.load %arg7[%get3A_21, %get3A_22] : memref<128x2xf32, #tpu.memory_space<vmem>>, vector<128x2xf32>
    %dot_general3A_24 = arith.constant dense<0.000000e+00> : vector<4096x2xf32>
    %dot_general3A_25 = tpu.matmul %max3A_20, %get3A_23, %dot_general3A_24 {dimension_numbers = #tpu.dot_dimension_numbers<[1], [0], [0], [1], [0, 0, 1, 1], [], []>, transpose_lhs_hint = false} : vector<4096x128xf32>, vector<128x2xf32>, vector<4096x2xf32> -> vector<4096x2xf32>
    %get3A_26 = arith.constant 0 : index
    %get3A_27 = arith.constant 0 : index
    %get3A_28 = vector.load %arg8[%get3A_26, %get3A_27] : memref<1x2xf32, #tpu.memory_space<vmem>>, vector<1x2xf32>
    %add3A_29 = vector.broadcast %get3A_28 : vector<1x2xf32> to vector<4096x2xf32>
    %add3A_30 = arith.addf %dot_general3A_25, %add3A_29 : vector<4096x2xf32>
    %get3A_31 = arith.constant 0 : index
    %get3A_32 = arith.constant 0 : index
    %get3A_33 = vector.load %arg3[%get3A_31, %get3A_32] : memref<4096x2xf32, #tpu.memory_space<vmem>>, vector<4096x2xf32>
    %sub3A = arith.subf %add3A_30, %get3A_33 : vector<4096x2xf32>
    %abs3A = math.absf %sub3A : vector<4096x2xf32>
    %get3A_34 = arith.constant 0 : index
    %get3A_35 = arith.constant 0 : index
    %get3A_36 = vector.load %arg9[%get3A_34, %get3A_35] : memref<4096x1xf32, #tpu.memory_space<vmem>>, vector<4096x1xf32>
    %mul3A = vector.broadcast %get3A_36 : vector<4096x1xf32> to vector<4096x2xf32>
    %mul3A_37 = arith.mulf %abs3A, %mul3A : vector<4096x2xf32>
    %reduce_sum3A = vector.shape_cast %mul3A_37 : vector<4096x2xf32> to vector<1x4096x2xf32>
    %reduce_sum3A_38 = arith.constant dense<0.000000e+00> : vector<1xf32>
    %reduce_sum3A_39 = vector.multi_reduction <add>, %reduce_sum3A, %reduce_sum3A_38 [1, 2] : vector<1x4096x2xf32> to vector<1xf32>
    %reduce_sum3A_40 = vector.shape_cast %reduce_sum3A_39 : vector<1xf32> to vector<1x1x1xf32>
    %reduce_sum3A_41 = vector.extract %reduce_sum3A_40[0, 0, 0] : f32 from vector<1x1x1xf32>
    %eq3A = arith.constant 0 : i32
    %eq3A_42 = arith.cmpi eq, %arg0, %eq3A : i32
    %convert_element_type3A = arith.extui %eq3A_42 : i1 to i32
    %cond3A = arith.constant 0 : i32
    %cond3A_43 = arith.cmpi ne, %convert_element_type3A, %cond3A : i32
    scf.if %cond3A_43 {
      %swap3A = arith.constant 0 : index
      %swap3A_48 = arith.constant 0 : index
      %swap3A_49 = memref.load %arg10[%swap3A, %swap3A_48] : memref<1x1xf32, #tpu.memory_space<smem>>
      memref.store %reduce_sum3A_41, %arg10[%swap3A, %swap3A_48] : memref<1x1xf32, #tpu.memory_space<smem>>
    } else {
    }
    %ne3A = arith.constant 0 : i32
    %ne3A_44 = arith.cmpi ne, %arg0, %ne3A : i32
    %convert_element_type3A_45 = arith.extui %ne3A_44 : i1 to i32
    %cond3A_46 = arith.constant 0 : i32
    %cond3A_47 = arith.cmpi ne, %convert_element_type3A_45, %cond3A_46 : i32
    scf.if %cond3A_47 {
      %get3A_48 = arith.constant 0 : index
      %get3A_49 = arith.constant 0 : index
      %get3A_50 = memref.load %arg10[%get3A_48, %get3A_49] : memref<1x1xf32, #tpu.memory_space<smem>>
      %add3A_51 = arith.addf %get3A_50, %reduce_sum3A_41 : f32
      %swap3A = arith.constant 0 : index
      %swap3A_52 = arith.constant 0 : index
      %swap3A_53 = memref.load %arg10[%swap3A, %swap3A_52] : memref<1x1xf32, #tpu.memory_space<smem>>
      memref.store %add3A_51, %arg10[%swap3A, %swap3A_52] : memref<1x1xf32, #tpu.memory_space<smem>>
    } else {
    }
    return
  }
  func.func @transform_0(%arg0: i32) -> (i32, i32) {
    %c0_i32 = arith.constant 0 : i32
    %c0_i32_0 = arith.constant 0 : i32
    return %arg0, %c0_i32 : i32, i32
  }
  func.func @transform_1(%arg0: i32) -> (i32, i32) {
    %c0_i32 = arith.constant 0 : i32
    %c0_i32_0 = arith.constant 0 : i32
    return %arg0, %c0_i32 : i32, i32
  }
  func.func @transform_2(%arg0: i32) -> (i32, i32) {
    %c0_i32 = arith.constant 0 : i32
    %c0_i32_0 = arith.constant 0 : i32
    return %arg0, %c0_i32 : i32, i32
  }
  func.func @transform_3(%arg0: i32) -> (i32, i32) {
    %c0_i32 = arith.constant 0 : i32
    %c0_i32_0 = arith.constant 0 : i32
    %c0_i32_1 = arith.constant 0 : i32
    return %c0_i32, %c0_i32_0 : i32, i32
  }
  func.func @transform_4(%arg0: i32) -> (i32, i32) {
    %c0_i32 = arith.constant 0 : i32
    %c0_i32_0 = arith.constant 0 : i32
    %c0_i32_1 = arith.constant 0 : i32
    return %c0_i32, %c0_i32_0 : i32, i32
  }
  func.func @transform_5(%arg0: i32) -> (i32, i32) {
    %c0_i32 = arith.constant 0 : i32
    %c0_i32_0 = arith.constant 0 : i32
    %c0_i32_1 = arith.constant 0 : i32
    return %c0_i32, %c0_i32_0 : i32, i32
  }
  func.func @transform_6(%arg0: i32) -> (i32, i32) {
    %c0_i32 = arith.constant 0 : i32
    %c0_i32_0 = arith.constant 0 : i32
    %c0_i32_1 = arith.constant 0 : i32
    return %c0_i32, %c0_i32_0 : i32, i32
  }
  func.func @transform_7(%arg0: i32) -> (i32, i32) {
    %c0_i32 = arith.constant 0 : i32
    %c0_i32_0 = arith.constant 0 : i32
    %c0_i32_1 = arith.constant 0 : i32
    return %c0_i32, %c0_i32_0 : i32, i32
  }
  func.func @transform_8(%arg0: i32) -> (i32, i32) {
    %c0_i32 = arith.constant 0 : i32
    %c0_i32_0 = arith.constant 0 : i32
    return %arg0, %c0_i32 : i32, i32
  }
  func.func @transform_9(%arg0: i32) -> (i32, i32) {
    %c0_i32 = arith.constant 0 : i32
    %c0_i32_0 = arith.constant 0 : i32
    %c0_i32_1 = arith.constant 0 : i32
    return %c0_i32, %c0_i32_0 : i32, i32
  }
}

</mosaic_0001>

<sc_bundles>
// kernel: gather_offload_async_start.1
scs
__scs_entry_jumppad:
0x0: {  	(pc) =	sbr.rel $0x88, $3  }
0x1: {  	(tag) =	ssettag $0x0;
	lr =	simm.s32 $0x1  }
0x2: {  	[smem:$0x3F8F] =	sst lr;
	_ =	strace $0xD0000000  }
0x3: {  	_ = 	snop  }
0x4: {  	_ = 	snop  }
0x5: {  	_ = 	snop  }
0x6: {  	_ = 	snop  }
0x7: {  	_ = 	snop  }
__scs_overlays_trampoline_lowered:
0x8: {  	[smem:$0x3F9E] =	sst s0  }
0x9: {  	[smem:$0x3F9F] =	sst s1  }
0xa: {  	[smem:$0x3FA0] =	sst s2  }
0xb: {  	[smem:$0x3FA1] =	sst s3  }
0xc: {  	[smem:$0x3FA2] =	sst s4  }
0xd: {  	[smem:$0x3FA3] =	sst s5  }
0xe: {  	[smem:$0x3FA4] =	sst s6  }
0xf: {  	[smem:$0x3FA5] =	sst s7  }
0x10: {  	[smem:$0x3FA6] =	sst s8  }
0x11: {  	[smem:$0x3FA7] =	sst s9;
	s0 =	simm.s32 @!p0 $0x0  }
0x12: {  	s1 =	sld [smem:$0x3F8D];
	s0 =	simm.s32 @p0 $0x1  }
0x13: {  	[smem:$0x3FA8] =	sst s0;
	s0 =	simm.s32 @!p1 $0x0  }
0x14: {  	s2 =	sld [smem:$0x3F8C];
	s0 =	simm.s32 @p1 $0x1  }
0x15: {  	[smem:$0x3FA9] =	sst s0;
	s0 =	simm.s32 @!p2 $0x0  }
0x16: {  	s3 =	sld [smem:$0x3FDB];
	s0 =	simm.s32 @p2 $0x1  }
0x17: {  	s4 =	simm.s32 $0x1BF5;
	[smem:$0x3FAB] =	sst s0  }
0x18: {  	s0 =	sld [smem:$0x3F8E];
	_ =	swait.ge [sflag:s4], $0x0  }
0x19: {  	s7 =	sld [smem:$0x3F8F]  }
0x1a: {  	s8 =	sadd.s32 $0xFFFFE003, lr  }
0x1b: {  	s9 =	sadd.s32 $0xFFFFFEF7, lr;
	s5 =	simm.s32 $0xFFFFFFFF;
	p2 =	slt.u32 s8, $0xFFFFF086  }
0x1c: {  	p1 =	slt.u32 s9, $0xF7A;
	s5 =	simm.s32 @!p2 $0x0  }
0x1d: {  	s5 =	simm.s32 @p1 $0x1;
	p0 =	seq.s32 s7, s2  }
0x1e: {  	s7 =	smul.u32 @!p0 $0xF7A, s2;
	p2 =	seq.s32 @!p0 s5, $0x0  }
0x1f: {  	s9 =	smul.u32 $0xF7A, s1;
	s8 =	simm.s32 @!p0 $0x1BF5;
	p2 =	por !p2, p0  }
0x20: {  	[sflag:s8] =	ssyncset.s32 @!p0 $0xFFFFF086;
	s6 =	sadd.s32 @!p0 s3, s7;
	s7 =	simm.s32 @!p0 $0x108  }
0x21: {  	s3 =	sadd.s32 s3, s9;
	s6 =	sadd.s32 @!p0 $0x88, s6;
	s7 =	simm.s32 @p2 $0x1082  }
0x22: {  	[simem:s7], [sflag:s8] =	dma.local @!p0 [hbm:s6], $0xF7A  }
0x23: {  	s9 =	sor.u32 $0xD0000000, s2;
	s6 =	simm.s32 $0x108;
	_ =	swait.ge @!p0 [sflag:s8], $0x0  }
0x24: {  	s3 =	sadd.s32 $0x88, s3;
	s6 =	simm.s32 @!p1 $0x1082;
	[sflag:s4] =	ssyncset.s32 $0xFFFFF086  }
0x25: {  	[simem:s6], [sflag:s4] =	dma.local [hbm:s3], $0xF7A  }
0x26: {  	[smem:$0x3F8F] =	sst s1;
	(tag) =	ssettag s2;
	_ =	strace s9  }
0x27: {  	s1 =	sld [smem:$0x3F9F]  }
0x28: {  	s2 =	sld [smem:$0x3FA0]  }
0x29: {  	s4 =	sld [smem:$0x3FA2]  }
0x2a: {  	p0 =	seq.s32 s5, $0x0;
	s5 =	sld [smem:$0x3FA3]  }
0x2b: {  	s6 =	sld [smem:$0x3FA4]  }
0x2c: {  	s7 =	sld [smem:$0x3FA5]  }
0x2d: {  	s3 =	simm.s32 $0x108;
	s8 =	sld [smem:$0x3FA6]  }
0x2e: {  	s3 =	simm.s32 @!p0 $0x1082;
	s9 =	sld [smem:$0x3FA7]  }
0x2f: {  	lr =	sadd.s32 s0, s3;
	s0 =	sld [smem:$0x3F9E]  }
0x30: {  	s3 =	sld [smem:$0x3FA1]  }
0x31: {  	[smem:$0x3FAA] =	sst s10  }
0x32: {  	s10 =	sld [smem:$0x3FA8];
	_ =	sdelay $0x3  }
0x33: {  	p0 =	seq.s32 s10, $0x1;
	s10 =	sld [smem:$0x3FAA];
	_ =	sdelay $0x3  }
0x34: {  	[smem:$0x3FAA] =	sst s10  }
0x35: {  	s10 =	sld [smem:$0x3FA9];
	_ =	sdelay $0x3  }
0x36: {  	p1 =	seq.s32 s10, $0x1;
	s10 =	sld [smem:$0x3FAA];
	_ =	sdelay $0x3  }
0x37: {  	[smem:$0x3FAA] =	sst s10  }
0x38: {  	s10 =	sld [smem:$0x3FAB]  }
0x39: {  	_ = 	snop;
	(pc) =	sbr.ind lr, $3  }
0x3a: {  	_ = 	snop  }
0x3b: {  	_ = 	snop  }
0x3c: {  	p2 =	seq.s32 s10, $0x1;
	s10 =	sld [smem:$0x3FAA]  }
0x3d: {  	_ =	shalt  }
0x3e: {  	_ =	shalt  }
0x3f: {  	_ =	shalt  }
0x40: {  	_ =	shalt  }
0x41: {  	_ =	shalt  }
0x42: {  	_ =	shalt  }
0x43: {  	_ =	shalt  }
0x44: {  	_ =	shalt  }
0x45: {  	_ =	shalt  }
0x46: {  	_ =	shalt  }
0x47: {  	_ =	shalt  }
0x48: {  	_ =	shalt  }
0x49: {  	_ =	shalt  }
0x4a: {  	_ =	shalt  }
0x4b: {  	_ =	shalt  }
0x4c: {  	_ =	shalt  }
0x4d: {  	_ =	shalt  }
0x4e: {  	_ =	shalt  }
0x4f: {  	_ =	shalt  }
0x50: {  	_ =	shalt  }
0x51: {  	_ =	shalt  }
0x52: {  	_ =	shalt  }
0x53: {  	_ =	shalt  }
0x54: {  	_ =	shalt  }
0x55: {  	_ =	shalt  }
0x56: {  	_ =	shalt  }
0x57: {  	_ =	shalt  }
0x58: {  	_ =	shalt  }
0x59: {  	_ =	shalt  }
0x5a: {  	_ =	shalt  }
0x5b: {  	_ =	shalt  }
0x5c: {  	_ =	shalt  }
0x5d: {  	_ =	shalt  }
0x5e: {  	_ =	shalt  }
0x5f: {  	_ =	shalt  }
0x60: {  	_ =	shalt  }
0x61: {  	_ =	shalt  }
0x62: {  	_ =	shalt  }
0x63: {  	_ =	shalt  }
0x64: {  	_ =	shalt  }
0x65: {  	_ =	shalt  }
0x66: {  	_ =	shalt  }
0x67: {  	_ =	shalt  }
0x68: {  	_ =	shalt  }
0x69: {  	_ =	shalt  }
0x6a: {  	_ =	shalt  }
0x6b: {  	_ =	shalt  }
0x6c: {  	_ =	shalt  }
0x6d: {  	_ =	shalt  }
0x6e: {  	_ =	shalt  }
0x6f: {  	_ =	shalt  }
0x70: {  	_ =	shalt  }
0x71: {  	_ =	shalt  }
0x72: {  	_ =	shalt  }
0x73: {  	_ =	shalt  }
0x74: {  	_ =	shalt  }
0x75: {  	_ =	shalt  }
0x76: {  	_ =	shalt  }
0x77: {  	_ =	shalt  }
0x78: {  	_ =	shalt  }
0x79: {  	_ =	shalt  }
0x7a: {  	_ =	shalt  }
0x7b: {  	_ =	shalt  }
0x7c: {  	_ =	shalt  }
0x7d: {  	_ =	shalt  }
0x7e: {  	_ =	shalt  }
0x7f: {  	_ =	shalt  }
0x80: {  	_ =	shalt  }
0x81: {  	_ =	shalt  }
0x82: {  	_ =	shalt  }
0x83: {  	_ =	shalt  }
0x84: {  	_ =	shalt  }
0x85: {  	_ =	shalt  }
0x86: {  	_ =	shalt  }
0x87: {  	_ =	shalt  }
.Lfunc_end0:
.L_simem_size_0:
called_computation.2_lowered:
.L_overlay_start_0:
0x88: {  	s2 =	sld [smem:$0x3FD9]  }
0x89: {  	s3 =	sld [smem:$0x3FFE];
	_ =	sdelay $0x1  }
0x8a: {  	s1 =	srdreg.scid  }
0x8b: {  	s0 =	sand.u32 $0x1, s1  }
0x8c: {  	s17 =	sshll.u32 s0, $0xA;
	s2 =	sadd.s32 s3, s2  }
0x8d: {  	s2 =	sadd.s32 s2, s17  }
0x8e: {  	[smem:$0x3FB6] =	sst s2  }
0x8f: {  	_ = 	snop  }
0x90: {  	s18 =	sld [smem:$0x3FC9];
	(tm) =	ssettm $0x1  }
0x91: {  	s19 =	sld [smem:$0x3FFB];
	_ =	sdelay $0x3  }
0x92: {  	_ =	strace s19  }
0x93: {  	s2 =	sld [smem:$0x3FFC];
	_ =	sdelay $0x3  }
0x94: {  	_ =	strace s2  }
0x95: {  	s2 =	sld [smem:$0x3FFD];
	_ =	sdelay $0x3  }
0x96: {  	_ =	strace s2  }
0x97: {  	_ =	strace $0x8FFFFFFF  }
0x98: {  	s20 =	sld [smem:$0x3FDB];
	_ =	sdelay $0x1  }
0x99: {  	s4 =	simm.s32 $_scs_section_size  }
0x9a: {  	s5 =	simm.s32 $_size__tile_overlayer_lowered;
	s6 =	simm.s32 $_tile_overlayer_lowered  }
0x9b: {  	s7 =	simm.s32 $0x1BFF;
	s21 =	sshll.u32 s6, $0x1;
	s4 =	sadd.s32 s4, s20  }
0x9c: {  	s22 =	simm.s32 $0x0;
	s5 =	sshll.u32 s5, $0x1;
	s6 =	sadd.s32 s21, s4  }
0x9d: {  	[timem:s22], [sflag:s7] =	dma.local [hbm:s6], s5  }
0x9e: {  	_ =	swait.ge [sflag:s7], s5  }
0x9f: {  	s5 =	ssub.s32 $0x0, s5;
	[sflag:s7] =	ssyncset.done $0x0  }
0xa0: {  	[sflag:s7] =	ssyncadd.s32 s5;
	_ =	sdelay $0x1  }
0xa1: {  	s23 =	simm.s32 $0x1B8B  }
0xa2: {  	_ =	swait.ge [sflag:s23], $0x1  }
0xa3: {  	[sflag:s23] =	ssyncset.done $0x0  }
0xa4: {  	[sflag:s23] =	ssyncadd.s32 $0xFFFFFFFF  }
0xa5: {  	s5 =	sld [smem:$0x0]  }
0xa6: {  	s6 =	sand.u32 $0xFFFFFFFE, s1  }
0xa7: {  	p0 =	sne.s32 s1, s6  }
0xa8: {  	s6 =	sshll.u32 @p0 s6, $0xE  }
0xa9: {  	s6 =	sadd.s32 @p0 $0x11B8D, s6;
	s7 =	sshll.u32 @p0 s5, $0x11  }
0xaa: {  	s6 =	sor.u32 @p0 s7, s6  }
0xab: {  	[sflag:s6] =	ssyncadd.remote.s32 @p0 $0x1;
	_ =	sdelay $0x1  }
0xac: {  	s6 =	simm.s32 @p0 $0x1B8D  }
0xad: {  	_ =	swait.eq @p0 [sflag:s6], $0x1  }
0xae: {  	[sflag:s6] =	ssyncadd.s32 @p0 $0xFFFFFFFF  }
0xaf: {  	s7 =	sshll.u32 @!p0 s1, $0xE  }
0xb0: {  	s7 =	sor.u32 @!p0 $0x4000, s7;
	s6 =	simm.s32 @!p0 $0x1B8D  }
0xb1: {  	s5 =	sshll.u32 @!p0 s5, $0x11;
	s7 =	sadd.s32 @!p0 $0x11B8D, s7;
	_ =	swait.eq @!p0 [sflag:s6], $0x1  }
0xb2: {  	s5 =	sor.u32 @!p0 s5, s7;
	[sflag:s6] =	ssyncadd.s32 @!p0 $0xFFFFFFFF  }
0xb3: {  	s25 =	simm.s32 $0x1B8E;
	s24 =	sld [smem:$0x3FFE];
	[sflag:s5] =	ssyncadd.remote.s32 @!p0 $0x1  }
0xb4: {  	s26 =	simm.s32 $execute0_lowered;
	[smem:$0x3FD2] =	sst s25  }
0xb5: {  	s6 =	sshll.u32 s26, $0x1;
	_ =	strace $0x80000052;
	[dreg:$0x1] =	wrdreg $0xFFFFFFFF  }
0xb6: {  	s28 =	simm.s32 $_size_execute0_lowered;
	s4 =	sadd.s32 s4, s6;
	[dreg:$0x0] =	wrdreg $0x0  }
0xb7: {  	s6 =	sshll.u32 s28, $0x1;
	[dreg:$0x2] =	wrdreg s4  }
0xb8: {  	[dreg:$0x3] =	wrdreg s6  }
0xb9: {  	[dreg:$0x4] =	wrdreg $0xC0  }
0xba: {  	_ =	task [dreg:s22], $0x5FFFF  }
0xbb: {  	[dreg:$0x1] =	wrdreg $0xFFFFFFFF  }
0xbc: {  	[dreg:$0x0] =	wrdreg $0x60  }
0xbd: {  	[dreg:$0x2] =	wrdreg s18  }
0xbe: {  	[dreg:$0x3] =	wrdreg s24  }
0xbf: {  	[dreg:$0x4] =	wrdreg $0x9  }
0xc0: {  	_ =	task.clear_ibuf [dreg:s22], $0x5FFFF;
	_ =	strace $0x90000052  }
0xc1: {  	s29 =	simm.s32 $0x9;
	_ =	strace $0x80000054  }
0xc2: {  	_ =	swait.ge [sflag:s29], $0x1  }
0xc3: {  	[sflag:s29] =	ssyncadd.s32 $0xFFFFFFFF  }
0xc4: {  	_ =	strace $0x90000054  }
0xc5: {  	_ =	sfence  }
0xc6: {  	s30 =	sld [smem:$0x0];
	_ =	sdelay $0x2  }
0xc7: {  	s31 =	sshll.u32 s1, $0xD;
	s1 =	sshrl.u32 s1, $0x2  }
0xc8: {  	s4 =	sand.u32 $0x4000, s31;
	s1 =	sadd.s32 s1, s30  }
0xc9: {  	s0 =	sor.u32 s4, s0;
	s1 =	sshll.u32 s1, $0x11  }
0xca: {  	s0 =	sor.u32 s1, s0  }
0xcb: {  	s0 =	sadd.s32 $0x8F2B, s0  }
0xcc: {  	[sflag:s0] =	ssyncadd.remote.s32 $0x1  }
0xcd: {  	_ =	sfence.sel $0xFFFF  }
0xce: {  	[dreg:$0x0] =	wrdreg $0xFFFFFFFF;
	(pc) =	sbr.abs _section_cstart, $3  }
0xcf: {  	[dreg:$0x1] =	wrdreg $0xFFFFFFFF  }
0xd0: {  	_ =	task.clear_ibuf [dreg:s22], $0x2FFFF;
	_ =	strace $0x9FFFFFFF  }
0xd1: {  	(tm) =	ssettm $0x7FFFFFFF  }
tec
execute0_lowered:
.L_overlay_start_1:
0x0: {  	(tag) =	ssettag $0x1  }
0x1: {  	s2 =	rddreg [dreg:$0x0]  }
0x2: {  	s0 =	srdreg.scid;
	s7 =	rddreg [dreg:$0x1]  }
0x3: {  	s1 =	stileid.u32;
	s5 =	simm.s32 $0x2;
	s9 =	simm.s32 $0x3  }
0x4: {  	s3 =	sshll.u32 s0, $0x4;
	s0 =	rddreg [dreg:$0x2];
	_ =	strace $0x80000053  }
.Ltmp0:
0x5: {  	s4 =	sand.u32 $0x10, s3;
	s3 =	simm.s32 $0x1;
	(pc) =	sbr.rel .LBB2_1-.Ltmp0, $4  }
0x6: {  	s12 =	simm.s32 $0x0;
	s4 =	sor.u32 s1, s4;
	[sflag:s3] =	ssyncpa.u1 $0x0  }
0x7: {  	s10 =	simm.s32 $0x0;
	s4 =	smul.u32 $0x30, s4;
	[sflag:s5] =	ssyncpa.u1 $0x0  }
0x8: {  	s6 =	sadd.s32 $0xC1A00, s7;
	s7 =	sadd.s32 $0x4E00, s7;
	[sflag:s9] =	ssyncpa.u1 $0x0  }
0x9: {  	vm0 =	vmmov $0xff;
	vm1 =	vcmask $0x3F20;
	s9 =	simm.s32 $0x30;
	s8 =	sadd.s32 $0x30, s4;
	s11 =	smov.u32 s4  }
.LBB2_10:
0xa: {  	s12 =	sshrl.u32 s11, $0x3  }
0xb: {  	s13 =	sand.u32 $0x7, s11;
	s12 =	sadd.s32 s6, s12  }
0xc: {  	[tilespmem:s9], [sflag:$0x2] =	stream.linear.gather [hbm4b:s12+s13], $0x30, $0x38;
	[tilespmem:$0x3060] =	vst v63  }
.LBB2_8:
0xd: {  	s12 =	sadd.s32 $0x30, s11  }
0xe: {  	s13 =	smov.u32 s4;
	p0 =	slt.s32 s12, s8  }
0xf: {  	s13 =	smov.u32 @p0 s12  }
0x10: {  	s10 =	sadd.s32 $0x1, s10;
	s12 =	smov.u32 s11;
	s11 =	smov.u32 s13  }
.LBB2_1:
0x11: {  	p0 =	seq.s32 s10, $0x0  }
.Ltmp1:
0x12: {  	_ = 	snop;
	(pc) =	sbr.rel @p0 .LBB2_10-.Ltmp1, $1  }
0x13: {  	_ =	sdelay $0x3  }
0x14: {  	p0 =	seq.s32 s10, $0x1  }
.Ltmp2:
0x15: {  	_ = 	snop;
	(pc) =	sbr.rel @!p0 .LBB2_9-.Ltmp2, $1  }
0x16: {  	_ =	sdelay $0x3  }
0x17: {  	_ =	swait.ge [sflag:s5], $0x30  }
0x18: {  	[sflag:s5] =	ssyncset.done $0x0  }
0x19: {  	s13 =	simm.s32 $0x0;
	[sflag:s5] =	ssyncadd.s32 $0xFFFFFFD0  }
0x1a: {  	v0 =	vld.msk [tilespmem:s13+$0x30 ss:$0x1], $0xffff;
	_ =	sdelay $0x4  }
0x1b: {  	vm2 =	vgt.s32 v0, $0x0  }
0x1c: {  	v0 =	vnsel vm2, $0x0, v0  }
0x1d: {  	v0 =	vmin.u32 v0, $0x270F  }
0x1e: {  	v0 =	vshll.u32 v0, $0x4;
	_ =	sdelay $0x2  }
0x1f: {  	s31 =	simm.s32 $0x1860  }
0x20: {  	s15 =	simm.s32 $0x1C60;
	s14 =	simm.s32 $0x2060;
	s13 =	simm.s32 $0x40  }
0x21: {  	[tilespmem:s31], [sflag:$0x1] =	stream.indirect_vreg.gather [hbm:s2], $0x80, v0, vm0, $0x38;
	[tilespmem:$0x3060] =	vst v63  }
.LBB2_4:
0x22: {  	[tilespmem:s15], [sflag:$0x1] =	stream.indirect_vreg.gather [hbm:s2], $0x80, v0, vm1, $0x38;
	[tilespmem:$0x3060] =	vst v63  }
0x23: {  	s15 =	sshra.s32 s13, $0x2;
	p0 =	sne.s32 s13, $0x80;
	s13 =	sadd.s32 $0x40, s13  }
0x24: {  	v0 =	vld.msk [tilespmem:s15+$0x30 ss:$0x1], $0xffff;
	_ =	sdelay $0x5  }
0x25: {  	vm2 =	vgt.s32 v0, $0x0  }
0x26: {  	v0 =	vnsel vm2, $0x0, v0  }
0x27: {  	v0 =	vmin.u32 v0, $0x270F  }
0x28: {  	v0 =	vshll.u32 v0, $0x4;
	_ =	sdelay $0x1  }
.Ltmp3:
0x29: {  	(pc) =	sbr.rel @p0 .LBB2_4-.Ltmp3, $3  }
0x2a: {  	_ =	sdelay $0x1  }
0x2b: {  	[tilespmem:s14], [sflag:$0x1] =	stream.indirect_vreg.gather [hbm:s2], $0x80, v0, vm0, $0x38;
	[tilespmem:$0x3060] =	vst v63  }
0x2c: {  	s15 =	sadd.s32 $0x400, s14;
	s14 =	sadd.s32 $0x800, s14  }
0x2d: {  	_ =	sdelay $0x3  }
0x2e: {  	[tilespmem:s15], [sflag:$0x1] =	stream.indirect_vreg.gather [hbm:s2], $0x80, v0, vm1, $0x38;
	[tilespmem:$0x3060] =	vst v63  }
0x2f: {  	s12 =	sshll.u32 s12, $0x4;
	s13 =	simm.s32 $0x1860;
	_ =	swait.ge [sflag:s3], $0x1800  }
0x30: {  	s14 =	simm.s32 $0x80;
	s12 =	sadd.s32 s12, s7;
	[sflag:s3] =	ssyncset.done $0x0  }
0x31: {  	s15 =	simm.s32 $0x1C60;
	s16 =	sadd.s32 $0x0, s12;
	[sflag:s3] =	ssyncadd.s32 $0xFFFFE800  }
.LBB2_6:
0x32: {  	[hbm:s16] =	stream.linear.scatter [tilespmem:s13], [sflag:$0x3], $0x400, $0x38;
	[tilespmem:$0x3060] =	vst v63  }
0x33: {  	s16 =	smov.u32 s14;
	s13 =	smov.u32 s15;
	p0 =	seq.s32 s14, $0x280  }
.Ltmp4:
0x34: {  	s14 =	sadd.s32 $0x80, s14;
	(pc) =	sbr.rel @!p0 .LBB2_6-.Ltmp4, $2  }
0x35: {  	_ =	sdelay $0x2  }
0x36: {  	s15 =	sadd.s32 $0x400, s15;
	s16 =	sadd.s32 s16, s12  }
.Ltmp5:
0x37: {  	(pc) =	sbr.rel .LBB2_8-.Ltmp5, $2  }
0x38: {  	_ =	sdelay $0x2  }
0x39: {  	[hbm:s16] =	stream.linear.scatter [tilespmem:s13], [sflag:$0x3], $0x400, $0x38;
	[tilespmem:$0x3060] =	vst v63  }
.LBB2_9:
0x3a: {  	s2 =	simm.s32 $0x3  }
0x3b: {  	_ =	swait.ge [sflag:s2], $0x1800  }
0x3c: {  	[sflag:s2] =	ssyncset.done $0x0  }
0x3d: {  	[sflag:s2] =	ssyncadd.s32 $0xFFFFE800  }
0x3e: {  	_ =	sfence.sel $0x180000  }
0x3f: {  	s3 =	simm.s32 $0x2;
	[bflag:$0x0] =	sbarrier.arrive $0xFFFF  }
0x40: {  	[sflag:s3] =	ssyncpa.u1 $0x1  }
0x41: {  	s31 =	simm.s32 $0x1;
	[sflag:s2] =	ssyncpa.u1 $0x1  }
0x42: {  	[sflag:s31] =	ssyncpa.u1 $0x1  }
0x43: {  	p0 =	sne.s32 s1, $0x0;
	_ =	strace $0x90000053  }
0x44: {  	s0 =	sadd.s32 @!p0 $0x100000, s0;
	[bflag:$0x2] =	sbarrier.arrive $0xFFFF  }
0x45: {  	[sflag:s0] =	ssyncadd.tile.s32 @!p0 $0x1;
	_ =	shalt  }
.Lfunc_end2:
_tile_overlayer_lowered:
.L_overlay_start_2:
0x46: {  	(tag) =	ssettag $0x2  }
0x47: {  	s0 =	rddreg [dreg:$0x0];
	s2 =	stileid.u32  }
0x48: {  	s1 =	rddreg [dreg:$0x1];
	p0 =	sne.s32 s2, $0x0  }
0x49: {  	s3 =	rddreg [dreg:$0x2];
	[bflag:$0x3] =	sbarrier.arrive $0xFFFF;
	s2 =	simm.s32 @!p0 $0x1C01  }
0x4a: {  	[timem:s3], [sflag:s2] =	dma.local @!p0 [hbm:s0], s1  }
0x4b: {  	s0 =	simm.s32 @!p0 $0x1  }
0x4c: {  	_ =	swait.ge @!p0 [sflag:s0], s1  }
0x4d: {  	s1 =	ssub.s32 @!p0 $0x0, s1;
	[sflag:s0] =	ssyncset.done @!p0 $0x0  }
0x4e: {  	[sflag:s0] =	ssyncadd.s32 @!p0 s1  }
0x4f: {  	[bflag:$0x3] =	sbarrier.arrive $0xFFFF  }
0x50: {  	_ =	shalt  }

// kernel: gather_offload_async_start.2
scs
__scs_entry_jumppad:
0x0: {  	(pc) =	sbr.rel $0x88, $3  }
0x1: {  	(tag) =	ssettag $0x0;
	lr =	simm.s32 $0x1  }
0x2: {  	[smem:$0x3F8F] =	sst lr;
	_ =	strace $0xD0000000  }
0x3: {  	_ = 	snop  }
0x4: {  	_ = 	snop  }
0x5: {  	_ = 	snop  }
0x6: {  	_ = 	snop  }
0x7: {  	_ = 	snop  }
__scs_overlays_trampoline_lowered:
0x8: {  	[smem:$0x3F9E] =	sst s0  }
0x9: {  	[smem:$0x3F9F] =	sst s1  }
0xa: {  	[smem:$0x3FA0] =	sst s2  }
0xb: {  	[smem:$0x3FA1] =	sst s3  }
0xc: {  	[smem:$0x3FA2] =	sst s4  }
0xd: {  	[smem:$0x3FA3] =	sst s5  }
0xe: {  	[smem:$0x3FA4] =	sst s6  }
0xf: {  	[smem:$0x3FA5] =	sst s7  }
0x10: {  	[smem:$0x3FA6] =	sst s8  }
0x11: {  	[smem:$0x3FA7] =	sst s9;
	s0 =	simm.s32 @!p0 $0x0  }
0x12: {  	s1 =	sld [smem:$0x3F8D];
	s0 =	simm.s32 @p0 $0x1  }
0x13: {  	[smem:$0x3FA8] =	sst s0;
	s0 =	simm.s32 @!p1 $0x0  }
0x14: {  	s2 =	sld [smem:$0x3F8C];
	s0 =	simm.s32 @p1 $0x1  }
0x15: {  	[smem:$0x3FA9] =	sst s0;
	s0 =	simm.s32 @!p2 $0x0  }
0x16: {  	s3 =	sld [smem:$0x3FDB];
	s0 =	simm.s32 @p2 $0x1  }
0x17: {  	s4 =	simm.s32 $0x1BF5;
	[smem:$0x3FAB] =	sst s0  }
0x18: {  	s0 =	sld [smem:$0x3F8E];
	_ =	swait.ge [sflag:s4], $0x0  }
0x19: {  	s7 =	sld [smem:$0x3F8F]  }
0x1a: {  	s8 =	sadd.s32 $0xFFFFE003, lr  }
0x1b: {  	s9 =	sadd.s32 $0xFFFFFEF7, lr;
	s5 =	simm.s32 $0xFFFFFFFF;
	p2 =	slt.u32 s8, $0xFFFFF086  }
0x1c: {  	p1 =	slt.u32 s9, $0xF7A;
	s5 =	simm.s32 @!p2 $0x0  }
0x1d: {  	s5 =	simm.s32 @p1 $0x1;
	p0 =	seq.s32 s7, s2  }
0x1e: {  	s7 =	smul.u32 @!p0 $0xF7A, s2;
	p2 =	seq.s32 @!p0 s5, $0x0  }
0x1f: {  	s9 =	smul.u32 $0xF7A, s1;
	s8 =	simm.s32 @!p0 $0x1BF5;
	p2 =	por !p2, p0  }
0x20: {  	[sflag:s8] =	ssyncset.s32 @!p0 $0xFFFFF086;
	s6 =	sadd.s32 @!p0 s3, s7;
	s7 =	simm.s32 @!p0 $0x108  }
0x21: {  	s3 =	sadd.s32 s3, s9;
	s6 =	sadd.s32 @!p0 $0x88, s6;
	s7 =	simm.s32 @p2 $0x1082  }
0x22: {  	[simem:s7], [sflag:s8] =	dma.local @!p0 [hbm:s6], $0xF7A  }
0x23: {  	s9 =	sor.u32 $0xD0000000, s2;
	s6 =	simm.s32 $0x108;
	_ =	swait.ge @!p0 [sflag:s8], $0x0  }
0x24: {  	s3 =	sadd.s32 $0x88, s3;
	s6 =	simm.s32 @!p1 $0x1082;
	[sflag:s4] =	ssyncset.s32 $0xFFFFF086  }
0x25: {  	[simem:s6], [sflag:s4] =	dma.local [hbm:s3], $0xF7A  }
0x26: {  	[smem:$0x3F8F] =	sst s1;
	(tag) =	ssettag s2;
	_ =	strace s9  }
0x27: {  	s1 =	sld [smem:$0x3F9F]  }
0x28: {  	s2 =	sld [smem:$0x3FA0]  }
0x29: {  	s4 =	sld [smem:$0x3FA2]  }
0x2a: {  	p0 =	seq.s32 s5, $0x0;
	s5 =	sld [smem:$0x3FA3]  }
0x2b: {  	s6 =	sld [smem:$0x3FA4]  }
0x2c: {  	s7 =	sld [smem:$0x3FA5]  }
0x2d: {  	s3 =	simm.s32 $0x108;
	s8 =	sld [smem:$0x3FA6]  }
0x2e: {  	s3 =	simm.s32 @!p0 $0x1082;
	s9 =	sld [smem:$0x3FA7]  }
0x2f: {  	lr =	sadd.s32 s0, s3;
	s0 =	sld [smem:$0x3F9E]  }
0x30: {  	s3 =	sld [smem:$0x3FA1]  }
0x31: {  	[smem:$0x3FAA] =	sst s10  }
0x32: {  	s10 =	sld [smem:$0x3FA8];
	_ =	sdelay $0x3  }
0x33: {  	p0 =	seq.s32 s10, $0x1;
	s10 =	sld [smem:$0x3FAA];
	_ =	sdelay $0x3  }
0x34: {  	[smem:$0x3FAA] =	sst s10  }
0x35: {  	s10 =	sld [smem:$0x3FA9];
	_ =	sdelay $0x3  }
0x36: {  	p1 =	seq.s32 s10, $0x1;
	s10 =	sld [smem:$0x3FAA];
	_ =	sdelay $0x3  }
0x37: {  	[smem:$0x3FAA] =	sst s10  }
0x38: {  	s10 =	sld [smem:$0x3FAB]  }
0x39: {  	_ = 	snop;
	(pc) =	sbr.ind lr, $3  }
0x3a: {  	_ = 	snop  }
0x3b: {  	_ = 	snop  }
0x3c: {  	p2 =	seq.s32 s10, $0x1;
	s10 =	sld [smem:$0x3FAA]  }
0x3d: {  	_ =	shalt  }
0x3e: {  	_ =	shalt  }
0x3f: {  	_ =	shalt  }
0x40: {  	_ =	shalt  }
0x41: {  	_ =	shalt  }
0x42: {  	_ =	shalt  }
0x43: {  	_ =	shalt  }
0x44: {  	_ =	shalt  }
0x45: {  	_ =	shalt  }
0x46: {  	_ =	shalt  }
0x47: {  	_ =	shalt  }
0x48: {  	_ =	shalt  }
0x49: {  	_ =	shalt  }
0x4a: {  	_ =	shalt  }
0x4b: {  	_ =	shalt  }
0x4c: {  	_ =	shalt  }
0x4d: {  	_ =	shalt  }
0x4e: {  	_ =	shalt  }
0x4f: {  	_ =	shalt  }
0x50: {  	_ =	shalt  }
0x51: {  	_ =	shalt  }
0x52: {  	_ =	shalt  }
0x53: {  	_ =	shalt  }
0x54: {  	_ =	shalt  }
0x55: {  	_ =	shalt  }
0x56: {  	_ =	shalt  }
0x57: {  	_ =	shalt  }
0x58: {  	_ =	shalt  }
0x59: {  	_ =	shalt  }
0x5a: {  	_ =	shalt  }
0x5b: {  	_ =	shalt  }
0x5c: {  	_ =	shalt  }
0x5d: {  	_ =	shalt  }
0x5e: {  	_ =	shalt  }
0x5f: {  	_ =	shalt  }
0x60: {  	_ =	shalt  }
0x61: {  	_ =	shalt  }
0x62: {  	_ =	shalt  }
0x63: {  	_ =	shalt  }
0x64: {  	_ =	shalt  }
0x65: {  	_ =	shalt  }
0x66: {  	_ =	shalt  }
0x67: {  	_ =	shalt  }
0x68: {  	_ =	shalt  }
0x69: {  	_ =	shalt  }
0x6a: {  	_ =	shalt  }
0x6b: {  	_ =	shalt  }
0x6c: {  	_ =	shalt  }
0x6d: {  	_ =	shalt  }
0x6e: {  	_ =	shalt  }
0x6f: {  	_ =	shalt  }
0x70: {  	_ =	shalt  }
0x71: {  	_ =	shalt  }
0x72: {  	_ =	shalt  }
0x73: {  	_ =	shalt  }
0x74: {  	_ =	shalt  }
0x75: {  	_ =	shalt  }
0x76: {  	_ =	shalt  }
0x77: {  	_ =	shalt  }
0x78: {  	_ =	shalt  }
0x79: {  	_ =	shalt  }
0x7a: {  	_ =	shalt  }
0x7b: {  	_ =	shalt  }
0x7c: {  	_ =	shalt  }
0x7d: {  	_ =	shalt  }
0x7e: {  	_ =	shalt  }
0x7f: {  	_ =	shalt  }
0x80: {  	_ =	shalt  }
0x81: {  	_ =	shalt  }
0x82: {  	_ =	shalt  }
0x83: {  	_ =	shalt  }
0x84: {  	_ =	shalt  }
0x85: {  	_ =	shalt  }
0x86: {  	_ =	shalt  }
0x87: {  	_ =	shalt  }
.Lfunc_end0:
.L_simem_size_0:
called_computation.3_lowered:
.L_overlay_start_0:
0x88: {  	s2 =	sld [smem:$0x3FD9]  }
0x89: {  	s3 =	sld [smem:$0x3FFE];
	_ =	sdelay $0x1  }
0x8a: {  	s1 =	srdreg.scid  }
0x8b: {  	s0 =	sand.u32 $0x1, s1  }
0x8c: {  	s17 =	sshll.u32 s0, $0xA;
	s2 =	sadd.s32 s3, s2  }
0x8d: {  	s2 =	sadd.s32 s2, s17  }
0x8e: {  	[smem:$0x3FB6] =	sst s2  }
0x8f: {  	_ = 	snop  }
0x90: {  	(tm) =	ssettm $0x1  }
0x91: {  	s18 =	sld [smem:$0x3FFB];
	_ =	sdelay $0x3  }
0x92: {  	_ =	strace s18  }
0x93: {  	s2 =	sld [smem:$0x3FFC];
	_ =	sdelay $0x3  }
0x94: {  	_ =	strace s2  }
0x95: {  	s2 =	sld [smem:$0x3FFD];
	_ =	sdelay $0x3  }
0x96: {  	_ =	strace s2  }
0x97: {  	_ =	strace $0x8FFFFFFF  }
0x98: {  	s19 =	sld [smem:$0x3FDB];
	_ =	sdelay $0x1  }
0x99: {  	s20 =	simm.s32 $_scs_section_size  }
0x9a: {  	s4 =	simm.s32 $_size__tile_overlayer_lowered;
	s5 =	simm.s32 $_tile_overlayer_lowered  }
0x9b: {  	s6 =	simm.s32 $0x1BFF;
	s21 =	sshll.u32 s5, $0x1;
	s3 =	sadd.s32 s20, s19  }
0x9c: {  	s22 =	simm.s32 $0x0;
	s4 =	sshll.u32 s4, $0x1;
	s5 =	sadd.s32 s21, s3  }
0x9d: {  	[timem:s22], [sflag:s6] =	dma.local [hbm:s5], s4  }
0x9e: {  	_ =	swait.ge [sflag:s6], s4  }
0x9f: {  	s4 =	ssub.s32 $0x0, s4;
	[sflag:s6] =	ssyncset.done $0x0  }
0xa0: {  	[sflag:s6] =	ssyncadd.s32 s4;
	_ =	sdelay $0x1  }
0xa1: {  	s23 =	simm.s32 $0x1B8B  }
0xa2: {  	_ =	swait.ge [sflag:s23], $0x1  }
0xa3: {  	[sflag:s23] =	ssyncset.done $0x0  }
0xa4: {  	[sflag:s23] =	ssyncadd.s32 $0xFFFFFFFF  }
0xa5: {  	s4 =	sld [smem:$0x0]  }
0xa6: {  	s5 =	sand.u32 $0xFFFFFFFE, s1  }
0xa7: {  	p0 =	sne.s32 s1, s5  }
0xa8: {  	s5 =	sshll.u32 @p0 s5, $0xE  }
0xa9: {  	s5 =	sadd.s32 @p0 $0x11B8D, s5;
	s6 =	sshll.u32 @p0 s4, $0x11  }
0xaa: {  	s5 =	sor.u32 @p0 s6, s5  }
0xab: {  	[sflag:s5] =	ssyncadd.remote.s32 @p0 $0x1;
	_ =	sdelay $0x1  }
0xac: {  	s5 =	simm.s32 @p0 $0x1B8D  }
0xad: {  	_ =	swait.eq @p0 [sflag:s5], $0x1  }
0xae: {  	[sflag:s5] =	ssyncadd.s32 @p0 $0xFFFFFFFF  }
0xaf: {  	s6 =	sshll.u32 @!p0 s1, $0xE  }
0xb0: {  	s6 =	sor.u32 @!p0 $0x4000, s6;
	s5 =	simm.s32 @!p0 $0x1B8D  }
0xb1: {  	s4 =	sshll.u32 @!p0 s4, $0x11;
	s6 =	sadd.s32 @!p0 $0x11B8D, s6;
	_ =	swait.eq @!p0 [sflag:s5], $0x1  }
0xb2: {  	s4 =	sor.u32 @!p0 s4, s6;
	[sflag:s5] =	ssyncadd.s32 @!p0 $0xFFFFFFFF  }
0xb3: {  	s25 =	simm.s32 $0x1B8E;
	s24 =	sld [smem:$0x3FFE];
	[sflag:s4] =	ssyncadd.remote.s32 @!p0 $0x1  }
0xb4: {  	s26 =	simm.s32 $execute0_lowered;
	[smem:$0x3FD2] =	sst s25  }
0xb5: {  	s5 =	sshll.u32 s26, $0x1;
	_ =	strace $0x80000055;
	[dreg:$0x1] =	wrdreg $0xFFFFFFFF  }
0xb6: {  	s28 =	simm.s32 $_size_execute0_lowered;
	s3 =	sadd.s32 s3, s5;
	[dreg:$0x0] =	wrdreg $0x0  }
0xb7: {  	s5 =	sshll.u32 s28, $0x1;
	[dreg:$0x2] =	wrdreg s3  }
0xb8: {  	[dreg:$0x3] =	wrdreg s5  }
0xb9: {  	[dreg:$0x4] =	wrdreg $0xC0  }
0xba: {  	_ =	task [dreg:s22], $0x5FFFF  }
0xbb: {  	[dreg:$0x1] =	wrdreg $0xFFFFFFFF  }
0xbc: {  	[dreg:$0x0] =	wrdreg $0x60  }
0xbd: {  	[dreg:$0x2] =	wrdreg s24  }
0xbe: {  	[dreg:$0x3] =	wrdreg $0xB  }
0xbf: {  	_ =	task.clear_ibuf [dreg:s22], $0x4FFFF;
	_ =	strace $0x90000055  }
0xc0: {  	s29 =	simm.s32 $0xB;
	_ =	strace $0x80000057  }
0xc1: {  	_ =	swait.ge [sflag:s29], $0x1  }
0xc2: {  	[sflag:s29] =	ssyncadd.s32 $0xFFFFFFFF  }
0xc3: {  	_ =	strace $0x90000057  }
0xc4: {  	_ =	sfence  }
0xc5: {  	s30 =	sld [smem:$0x0];
	_ =	sdelay $0x2  }
0xc6: {  	s31 =	sshll.u32 s1, $0xD;
	s1 =	sshrl.u32 s1, $0x2  }
0xc7: {  	s4 =	sand.u32 $0x4000, s31;
	s1 =	sadd.s32 s1, s30  }
0xc8: {  	s0 =	sor.u32 s4, s0;
	s1 =	sshll.u32 s1, $0x11  }
0xc9: {  	s0 =	sor.u32 s1, s0  }
0xca: {  	s0 =	sadd.s32 $0x8F2B, s0  }
0xcb: {  	[sflag:s0] =	ssyncadd.remote.s32 $0x1  }
0xcc: {  	_ =	sfence.sel $0xFFFF  }
0xcd: {  	[dreg:$0x0] =	wrdreg $0xFFFFFFFF;
	(pc) =	sbr.abs _section_cstart, $3  }
0xce: {  	[dreg:$0x1] =	wrdreg $0xFFFFFFFF  }
0xcf: {  	_ =	task.clear_ibuf [dreg:s22], $0x2FFFF;
	_ =	strace $0x9FFFFFFF  }
0xd0: {  	(tm) =	ssettm $0x7FFFFFFF  }
0xd1: {  	_ =	shalt  }
tec
execute0_lowered:
.L_overlay_start_1:
0x0: {  	(tag) =	ssettag $0x1  }
0x1: {  	s0 =	srdreg.scid;
	s5 =	rddreg [dreg:$0x0]  }
0x2: {  	s1 =	stileid.u32;
	s6 =	simm.s32 $0x1;
	s9 =	simm.s32 $0x1  }
0x3: {  	s10 =	simm.s32 $0x3;
	s13 =	simm.s32 $0x0;
	s2 =	sshll.u32 s0, $0x7  }
0x4: {  	s12 =	simm.s32 $0x0;
	s3 =	sshll.u32 s1, $0x8;
	s2 =	sand.u32 $0x80, s2  }
0x5: {  	s0 =	rddreg [dreg:$0x1];
	_ =	strace $0x80000056;
	s2 =	sor.u32 s3, s2  }
0x6: {  	s4 =	sadd.s32 $0xF600, s5;
	[sflag:s6] =	ssyncpa.u1 $0x0;
	s8 =	ssub.s32 $0xBB80, s2  }
.Ltmp0:
0x7: {  	s3 =	sadd.s32 $0xADE00, s5;
	s7 =	sand.u32 $0xF80, s8;
	(pc) =	sbr.rel .LBB2_1-.Ltmp0, $4  }
0x8: {  	s5 =	sadd.s32 $0xAE00, s5;
	s11 =	smov.u32 s2;
	p0 =	sne.s32 s7, $0x0  }
0x9: {  	s8 =	sshrl.u32 s8, $0xC;
	s7 =	simm.s32 $0x2;
	s9 =	simm.s32 @!p0 $0x0  }
0xa: {  	[sflag:s7] =	ssyncpa.u1 $0x0;
	p0 =	por $0x0, $0x0;
	s8 =	sadd.s32 s9, s8  }
0xb: {  	vm0 =	vmmov $0xffff;
	v0 =	vlaneseq.u32;
	[sflag:s10] =	ssyncpa.u1 $0x0;
	s10 =	simm.s32 $0x0;
	s9 =	sadd.s32 $0x1, s8  }
.LBB2_4:
0xc: {  	vm1 =	vgt.s32 v1, $0x0;
	s14 =	sadd.s32 $0xFFFFFFF0, s16  }
0xd: {  	v1 =	vnsel vm1, $0x0, v1;
	p1 =	sgt.s32 s14, $0x0  }
0xe: {  	v1 =	vmin.u32 v1, $0x4E1FF;
	s14 =	simm.s32 @!p1 $0x0  }
0xf: {  	v2 =	vshll.u32 v1, $0x1;
	s14 =	smin.u32 s14, $0x10  }
0x10: {  	v1 =	vand.u32 $0x7F, v1;
	v2 =	vand.u32 $0xFFF00, v2;
	v3 =	vmov s14  }
0x11: {  	v1 =	vor.u32 v1, v2;
	vm1 =	vgt.u32 v3, v0  }
0x12: {  	v2 =	vnsel vm1, $0x7FFFFFFF, v1;
	_ =	sdelay $0x1  }
0x13: {  	v1 =	vor.u32 $0x80, v1  }
0x14: {  	(ifvalue) =	ssetifvalue $0x7FFFFFFF;
	v1 =	vnsel vm1, $0x7FFFFFFF, v1  }
0x15: {  	s29 =	sadd.s32 s18, s17;
	(ifvalue) =	ssetifvalue $0x7FFFFFFF  }
0x16: {  	[tilespmem:s29], [sflag:$0x1] =	stream.indirect_vreg.gather [hbm4b:s3+s10], $0x1, v2, vm0, $0x4038;
	[tilespmem:$0x300] =	vst v63  }
0x17: {  	(ifvalue) =	ssetifvalue $0x7FFFFFFF  }
0x18: {  	s30 =	sshll.u32 s13, $0x1;
	s14 =	sadd.s32 $0x80, s29;
	(ifvalue) =	ssetifvalue $0x7FFFFFFF  }
0x19: {  	[tilespmem:s14], [sflag:$0x1] =	stream.indirect_vreg.gather [hbm4b:s3+s10], $0x1, v1, vm0, $0x4038;
	[tilespmem:$0x300] =	vst v63  }
0x1a: {  	s31 =	sand.u32 $0x78, s13;
	s14 =	sand.u32 $0xFFFFFF00, s30  }
0x1b: {  	_ =	swait.ge [sflag:s6], $0x100;
	s13 =	sor.u32 s31, s14  }
0x1c: {  	[sflag:s6] =	ssyncset.done $0x0;
	s13 =	sshrl.u32 s13, $0x3  }
0x1d: {  	[sflag:s6] =	ssyncadd.s32 $0xFFFFFF00;
	s13 =	sadd.s32 s5, s13  }
0x1e: {  	[hbm:s13] =	stream.linear.scatter [tilespmem:s15], [sflag:$0x3], $0x100, $0x38;
	[tilespmem:$0x300] =	vst v63  }
.LBB2_5:
0x1f: {  	s15 =	sadd.s32 $0x1000, s11  }
0x20: {  	p2 =	sgt.s32 s15, $0xBB7F  }
0x21: {  	s15 =	smov.u32 @p2 s2;
	p2 =	sne.s32 s12, s9  }
.Ltmp1:
0x22: {  	p1 =	slt.u32 s12, $0x2;
	(pc) =	sbr.rel @!p2 .LBB2_6-.Ltmp1, $4  }
0x23: {  	s14 =	simm.s32 @!p1 $0x3  }
0x24: {  	s16 =	sadd.s32 $0x1, s12;
	_ =	swait.ge @!p1 [sflag:s14], $0x100  }
0x25: {  	s13 =	smov.u32 s11;
	p0 =	por !p0, !p0;
	[sflag:s14] =	ssyncset.done @!p1 $0x0  }
0x26: {  	s12 =	smov.u32 s16;
	s11 =	smov.u32 s15;
	[sflag:s14] =	ssyncadd.s32 @!p1 $0xFFFFFF00  }
.LBB2_1:
0x27: {  	p1 =	sge.u32 s12, s8  }
0x28: {  	s14 =	sxor.u32 @!p1 $0xFFFFFFFF, s12  }
0x29: {  	s31 =	sadd.s32 $0xFFFFFFFF, s12;
	s15 =	sshrl.u32 @!p1 s11, $0x3;
	s14 =	sshll.u32 @!p1 s14, $0x7  }
0x2a: {  	s16 =	sand.u32 @!p1 $0x7, s11;
	s15 =	sadd.s32 @!p1 s4, s15;
	s14 =	sand.u32 @!p1 $0x80, s14  }
0x2b: {  	[tilespmem:s14], [sflag:$0x2] =	stream.linear.gather @!p1 [hbm4b:s15+s16], $0x80, $0x38;
	[tilespmem:$0x300] =	vst v63  }
0x2c: {  	p1 =	sge.u32 s31, s8  }
.Ltmp2:
0x2d: {  	_ = 	snop;
	(pc) =	sbr.rel @p1 .LBB2_5-.Ltmp2, $1  }
0x2e: {  	_ =	sdelay $0x3  }
0x2f: {  	s15 =	simm.s32 $0x1  }
0x30: {  	_ =	swait.ge [sflag:s7], $0x80;
	s15 =	simm.s32 @!p0 $0x0  }
0x31: {  	[sflag:s7] =	ssyncset.done $0x0;
	s14 =	sshll.u32 s15, $0x7  }
0x32: {  	[sflag:s7] =	ssyncadd.s32 $0xFFFFFF80;
	s16 =	sadd.s32 $0x0, s14  }
0x33: {  	v1 =	vld.msk [tilespmem:s16+$0x0 ss:$0x1], $0xffff;
	_ =	sdelay $0x2  }
0x34: {  	s16 =	ssub.s32 $0xBB80, s13  }
0x35: {  	p1 =	slt.s32 s16, $0x80  }
0x36: {  	s16 =	simm.s32 @!p1 $0x80;
	vm1 =	vgt.s32 v1, $0x0  }
0x37: {  	p1 =	sgt.s32 s16, $0x0;
	s17 =	smov.u32 s16;
	v1 =	vnsel vm1, $0x0, v1  }
0x38: {  	s17 =	simm.s32 @!p1 $0x0;
	v1 =	vmin.u32 v1, $0x4E1FF  }
0x39: {  	s17 =	smin.u32 s17, $0x10;
	v2 =	vshll.u32 v1, $0x1  }
0x3a: {  	v3 =	vmov s17;
	v1 =	vand.u32 $0x7F, v1;
	v2 =	vand.u32 $0xFFF00, v2  }
0x3b: {  	vm1 =	vgt.u32 v3, v0;
	v1 =	vor.u32 v1, v2  }
0x3c: {  	v2 =	vnsel vm1, $0x7FFFFFFF, v1;
	_ =	sdelay $0x1  }
0x3d: {  	s15 =	sshll.u32 s15, $0x8;
	v1 =	vor.u32 $0x80, v1  }
0x3e: {  	(ifvalue) =	ssetifvalue $0x7FFFFFFF;
	s17 =	sadd.s32 $0x100, s15;
	v1 =	vnsel vm1, $0x7FFFFFFF, v1  }
0x3f: {  	s18 =	sand.u32 $0x1, s12;
	(ifvalue) =	ssetifvalue $0x7FFFFFFF;
	s15 =	sadd.s32 $0x0, s17  }
0x40: {  	[tilespmem:s15], [sflag:$0x1] =	stream.indirect_vreg.gather [hbm4b:s3+s10], $0x1, v2, vm0, $0x4038;
	[tilespmem:$0x300] =	vst v63  }
0x41: {  	s31 =	sshll.u32 s18, $0x8;
	(ifvalue) =	ssetifvalue $0x7FFFFFFF  }
0x42: {  	s19 =	sadd.s32 $0x10, s14;
	s15 =	sadd.s32 $0x80, s15;
	(ifvalue) =	ssetifvalue $0x7FFFFFFF  }
0x43: {  	[tilespmem:s15], [sflag:$0x1] =	stream.indirect_vreg.gather [hbm4b:s3+s10], $0x1, v1, vm0, $0x4038;
	[tilespmem:$0x300] =	vst v63  }
0x44: {  	s18 =	simm.s32 $0x10;
	s15 =	sadd.s32 $0x100, s31;
	v1 =	vld.msk [tilespmem:s19+$0x0 ss:$0x1], $0xffff;
	s19 =	simm.s32 $0x80  }
.LBB2_3:
0x45: {  	p1 =	sne.s32 s19, $0x1C0;
	_ =	sdelay $0x4  }
0x46: {  	vm1 =	vgt.s32 v1, $0x0;
	s16 =	sadd.s32 $0xFFFFFFF0, s16  }
0x47: {  	v1 =	vnsel vm1, $0x0, v1;
	p2 =	sgt.s32 s16, $0x0;
	s20 =	smov.u32 s16  }
0x48: {  	v1 =	vmin.u32 v1, $0x4E1FF;
	s20 =	simm.s32 @!p2 $0x0  }
0x49: {  	v2 =	vshll.u32 v1, $0x1;
	s20 =	smin.u32 s20, $0x10  }
0x4a: {  	v1 =	vand.u32 $0x7F, v1;
	v2 =	vand.u32 $0xFFF00, v2;
	v3 =	vmov s20  }
0x4b: {  	v1 =	vor.u32 v1, v2;
	vm1 =	vgt.u32 v3, v0  }
0x4c: {  	v2 =	vnsel vm1, $0x7FFFFFFF, v1;
	_ =	sdelay $0x1  }
0x4d: {  	v1 =	vor.u32 $0x80, v1  }
0x4e: {  	v1 =	vnsel vm1, $0x7FFFFFFF, v1;
	(ifvalue) =	ssetifvalue $0x7FFFFFFF  }
0x4f: {  	s20 =	sadd.s32 s18, s17;
	(ifvalue) =	ssetifvalue $0x7FFFFFFF  }
0x50: {  	[tilespmem:s20], [sflag:$0x1] =	stream.indirect_vreg.gather [hbm4b:s3+s10], $0x1, v2, vm0, $0x4038;
	[tilespmem:$0x300] =	vst v63  }
.Ltmp3:
0x51: {  	_ = 	snop;
	(pc) =	sbr.rel @p1 .LBB2_3-.Ltmp3, $4  }
0x52: {  	s18 =	sshra.s32 s19, $0x2;
	(ifvalue) =	ssetifvalue $0x7FFFFFFF  }
0x53: {  	s21 =	sadd.s32 s18, s14;
	s20 =	sadd.s32 $0x80, s20;
	(ifvalue) =	ssetifvalue $0x7FFFFFFF  }
0x54: {  	[tilespmem:s20], [sflag:$0x1] =	stream.indirect_vreg.gather [hbm4b:s3+s10], $0x1, v1, vm0, $0x4038;
	[tilespmem:$0x300] =	vst v63  }
0x55: {  	s19 =	sadd.s32 $0x40, s19;
	v1 =	vld.msk [tilespmem:s21+$0x0 ss:$0x1], $0xffff  }
.Ltmp4:
0x56: {  	_ = 	snop;
	(pc) =	sbr.rel .LBB2_4-.Ltmp4, $1  }
0x57: {  	_ =	sdelay $0x3  }
.LBB2_6:
0x58: {  	_ =	sfence.sel $0x180000  }
0x59: {  	s2 =	simm.s32 $0x2;
	[bflag:$0x0] =	sbarrier.arrive $0xFFFF  }
0x5a: {  	s30 =	simm.s32 $0x3;
	[sflag:s2] =	ssyncpa.u1 $0x1  }
0x5b: {  	s31 =	simm.s32 $0x1;
	[sflag:s30] =	ssyncpa.u1 $0x1  }
0x5c: {  	[sflag:s31] =	ssyncpa.u1 $0x1  }
0x5d: {  	p0 =	sne.s32 s1, $0x0;
	_ =	strace $0x90000056  }
0x5e: {  	s0 =	sadd.s32 @!p0 $0x100000, s0;
	[bflag:$0x2] =	sbarrier.arrive $0xFFFF  }
0x5f: {  	[sflag:s0] =	ssyncadd.tile.s32 @!p0 $0x1;
	_ =	shalt  }
.Lfunc_end2:
_tile_overlayer_lowered:
.L_overlay_start_2:
0x60: {  	(tag) =	ssettag $0x2  }
0x61: {  	s0 =	rddreg [dreg:$0x0];
	s2 =	stileid.u32  }
0x62: {  	s1 =	rddreg [dreg:$0x1];
	p0 =	sne.s32 s2, $0x0  }
0x63: {  	s3 =	rddreg [dreg:$0x2];
	[bflag:$0x3] =	sbarrier.arrive $0xFFFF;
	s2 =	simm.s32 @!p0 $0x1C01  }
0x64: {  	[timem:s3], [sflag:s2] =	dma.local @!p0 [hbm:s0], s1  }
0x65: {  	s0 =	simm.s32 @!p0 $0x1  }
0x66: {  	_ =	swait.ge @!p0 [sflag:s0], s1  }
0x67: {  	s1 =	ssub.s32 @!p0 $0x0, s1;
	[sflag:s0] =	ssyncset.done @!p0 $0x0  }
0x68: {  	[sflag:s0] =	ssyncadd.s32 @!p0 s1  }
0x69: {  	[bflag:$0x3] =	sbarrier.arrive $0xFFFF  }
0x6a: {  	_ =	shalt  }

// kernel: gather_offload_async_start.3
scs
__scs_entry_jumppad:
0x0: {  	(pc) =	sbr.rel $0x88, $3  }
0x1: {  	(tag) =	ssettag $0x0;
	lr =	simm.s32 $0x1  }
0x2: {  	[smem:$0x3F8F] =	sst lr;
	_ =	strace $0xD0000000  }
0x3: {  	_ = 	snop  }
0x4: {  	_ = 	snop  }
0x5: {  	_ = 	snop  }
0x6: {  	_ = 	snop  }
0x7: {  	_ = 	snop  }
__scs_overlays_trampoline_lowered:
0x8: {  	[smem:$0x3F9E] =	sst s0  }
0x9: {  	[smem:$0x3F9F] =	sst s1  }
0xa: {  	[smem:$0x3FA0] =	sst s2  }
0xb: {  	[smem:$0x3FA1] =	sst s3  }
0xc: {  	[smem:$0x3FA2] =	sst s4  }
0xd: {  	[smem:$0x3FA3] =	sst s5  }
0xe: {  	[smem:$0x3FA4] =	sst s6  }
0xf: {  	[smem:$0x3FA5] =	sst s7  }
0x10: {  	[smem:$0x3FA6] =	sst s8  }
0x11: {  	[smem:$0x3FA7] =	sst s9;
	s0 =	simm.s32 @!p0 $0x0  }
0x12: {  	s1 =	sld [smem:$0x3F8D];
	s0 =	simm.s32 @p0 $0x1  }
0x13: {  	[smem:$0x3FA8] =	sst s0;
	s0 =	simm.s32 @!p1 $0x0  }
0x14: {  	s2 =	sld [smem:$0x3F8C];
	s0 =	simm.s32 @p1 $0x1  }
0x15: {  	[smem:$0x3FA9] =	sst s0;
	s0 =	simm.s32 @!p2 $0x0  }
0x16: {  	s3 =	sld [smem:$0x3FDB];
	s0 =	simm.s32 @p2 $0x1  }
0x17: {  	s4 =	simm.s32 $0x1BF5;
	[smem:$0x3FAB] =	sst s0  }
0x18: {  	s0 =	sld [smem:$0x3F8E];
	_ =	swait.ge [sflag:s4], $0x0  }
0x19: {  	s7 =	sld [smem:$0x3F8F]  }
0x1a: {  	s8 =	sadd.s32 $0xFFFFE003, lr  }
0x1b: {  	s9 =	sadd.s32 $0xFFFFFEF7, lr;
	s5 =	simm.s32 $0xFFFFFFFF;
	p2 =	slt.u32 s8, $0xFFFFF086  }
0x1c: {  	p1 =	slt.u32 s9, $0xF7A;
	s5 =	simm.s32 @!p2 $0x0  }
0x1d: {  	s5 =	simm.s32 @p1 $0x1;
	p0 =	seq.s32 s7, s2  }
0x1e: {  	s7 =	smul.u32 @!p0 $0xF7A, s2;
	p2 =	seq.s32 @!p0 s5, $0x0  }
0x1f: {  	s9 =	smul.u32 $0xF7A, s1;
	s8 =	simm.s32 @!p0 $0x1BF5;
	p2 =	por !p2, p0  }
0x20: {  	[sflag:s8] =	ssyncset.s32 @!p0 $0xFFFFF086;
	s6 =	sadd.s32 @!p0 s3, s7;
	s7 =	simm.s32 @!p0 $0x108  }
0x21: {  	s3 =	sadd.s32 s3, s9;
	s6 =	sadd.s32 @!p0 $0x88, s6;
	s7 =	simm.s32 @p2 $0x1082  }
0x22: {  	[simem:s7], [sflag:s8] =	dma.local @!p0 [hbm:s6], $0xF7A  }
0x23: {  	s9 =	sor.u32 $0xD0000000, s2;
	s6 =	simm.s32 $0x108;
	_ =	swait.ge @!p0 [sflag:s8], $0x0  }
0x24: {  	s3 =	sadd.s32 $0x88, s3;
	s6 =	simm.s32 @!p1 $0x1082;
	[sflag:s4] =	ssyncset.s32 $0xFFFFF086  }
0x25: {  	[simem:s6], [sflag:s4] =	dma.local [hbm:s3], $0xF7A  }
0x26: {  	[smem:$0x3F8F] =	sst s1;
	(tag) =	ssettag s2;
	_ =	strace s9  }
0x27: {  	s1 =	sld [smem:$0x3F9F]  }
0x28: {  	s2 =	sld [smem:$0x3FA0]  }
0x29: {  	s4 =	sld [smem:$0x3FA2]  }
0x2a: {  	p0 =	seq.s32 s5, $0x0;
	s5 =	sld [smem:$0x3FA3]  }
0x2b: {  	s6 =	sld [smem:$0x3FA4]  }
0x2c: {  	s7 =	sld [smem:$0x3FA5]  }
0x2d: {  	s3 =	simm.s32 $0x108;
	s8 =	sld [smem:$0x3FA6]  }
0x2e: {  	s3 =	simm.s32 @!p0 $0x1082;
	s9 =	sld [smem:$0x3FA7]  }
0x2f: {  	lr =	sadd.s32 s0, s3;
	s0 =	sld [smem:$0x3F9E]  }
0x30: {  	s3 =	sld [smem:$0x3FA1]  }
0x31: {  	[smem:$0x3FAA] =	sst s10  }
0x32: {  	s10 =	sld [smem:$0x3FA8];
	_ =	sdelay $0x3  }
0x33: {  	p0 =	seq.s32 s10, $0x1;
	s10 =	sld [smem:$0x3FAA];
	_ =	sdelay $0x3  }
0x34: {  	[smem:$0x3FAA] =	sst s10  }
0x35: {  	s10 =	sld [smem:$0x3FA9];
	_ =	sdelay $0x3  }
0x36: {  	p1 =	seq.s32 s10, $0x1;
	s10 =	sld [smem:$0x3FAA];
	_ =	sdelay $0x3  }
0x37: {  	[smem:$0x3FAA] =	sst s10  }
0x38: {  	s10 =	sld [smem:$0x3FAB]  }
0x39: {  	_ = 	snop;
	(pc) =	sbr.ind lr, $3  }
0x3a: {  	_ = 	snop  }
0x3b: {  	_ = 	snop  }
0x3c: {  	p2 =	seq.s32 s10, $0x1;
	s10 =	sld [smem:$0x3FAA]  }
0x3d: {  	_ =	shalt  }
0x3e: {  	_ =	shalt  }
0x3f: {  	_ =	shalt  }
0x40: {  	_ =	shalt  }
0x41: {  	_ =	shalt  }
0x42: {  	_ =	shalt  }
0x43: {  	_ =	shalt  }
0x44: {  	_ =	shalt  }
0x45: {  	_ =	shalt  }
0x46: {  	_ =	shalt  }
0x47: {  	_ =	shalt  }
0x48: {  	_ =	shalt  }
0x49: {  	_ =	shalt  }
0x4a: {  	_ =	shalt  }
0x4b: {  	_ =	shalt  }
0x4c: {  	_ =	shalt  }
0x4d: {  	_ =	shalt  }
0x4e: {  	_ =	shalt  }
0x4f: {  	_ =	shalt  }
0x50: {  	_ =	shalt  }
0x51: {  	_ =	shalt  }
0x52: {  	_ =	shalt  }
0x53: {  	_ =	shalt  }
0x54: {  	_ =	shalt  }
0x55: {  	_ =	shalt  }
0x56: {  	_ =	shalt  }
0x57: {  	_ =	shalt  }
0x58: {  	_ =	shalt  }
0x59: {  	_ =	shalt  }
0x5a: {  	_ =	shalt  }
0x5b: {  	_ =	shalt  }
0x5c: {  	_ =	shalt  }
0x5d: {  	_ =	shalt  }
0x5e: {  	_ =	shalt  }
0x5f: {  	_ =	shalt  }
0x60: {  	_ =	shalt  }
0x61: {  	_ =	shalt  }
0x62: {  	_ =	shalt  }
0x63: {  	_ =	shalt  }
0x64: {  	_ =	shalt  }
0x65: {  	_ =	shalt  }
0x66: {  	_ =	shalt  }
0x67: {  	_ =	shalt  }
0x68: {  	_ =	shalt  }
0x69: {  	_ =	shalt  }
0x6a: {  	_ =	shalt  }
0x6b: {  	_ =	shalt  }
0x6c: {  	_ =	shalt  }
0x6d: {  	_ =	shalt  }
0x6e: {  	_ =	shalt  }
0x6f: {  	_ =	shalt  }
0x70: {  	_ =	shalt  }
0x71: {  	_ =	shalt  }
0x72: {  	_ =	shalt  }
0x73: {  	_ =	shalt  }
0x74: {  	_ =	shalt  }
0x75: {  	_ =	shalt  }
0x76: {  	_ =	shalt  }
0x77: {  	_ =	shalt  }
0x78: {  	_ =	shalt  }
0x79: {  	_ =	shalt  }
0x7a: {  	_ =	shalt  }
0x7b: {  	_ =	shalt  }
0x7c: {  	_ =	shalt  }
0x7d: {  	_ =	shalt  }
0x7e: {  	_ =	shalt  }
0x7f: {  	_ =	shalt  }
0x80: {  	_ =	shalt  }
0x81: {  	_ =	shalt  }
0x82: {  	_ =	shalt  }
0x83: {  	_ =	shalt  }
0x84: {  	_ =	shalt  }
0x85: {  	_ =	shalt  }
0x86: {  	_ =	shalt  }
0x87: {  	_ =	shalt  }
.Lfunc_end0:
.L_simem_size_0:
called_computation.4_lowered:
.L_overlay_start_0:
0x88: {  	s2 =	sld [smem:$0x3FD9]  }
0x89: {  	s3 =	sld [smem:$0x3FFE];
	_ =	sdelay $0x1  }
0x8a: {  	s1 =	srdreg.scid  }
0x8b: {  	s0 =	sand.u32 $0x1, s1  }
0x8c: {  	s16 =	sshll.u32 s0, $0xA;
	s2 =	sadd.s32 s3, s2  }
0x8d: {  	s2 =	sadd.s32 s2, s16  }
0x8e: {  	[smem:$0x3FB6] =	sst s2  }
0x8f: {  	_ = 	snop  }
0x90: {  	(tm) =	ssettm $0x1  }
0x91: {  	s17 =	sld [smem:$0x3FFB];
	_ =	sdelay $0x3  }
0x92: {  	_ =	strace s17  }
0x93: {  	s2 =	sld [smem:$0x3FFC];
	_ =	sdelay $0x3  }
0x94: {  	_ =	strace s2  }
0x95: {  	s2 =	sld [smem:$0x3FFD];
	_ =	sdelay $0x3  }
0x96: {  	_ =	strace s2  }
0x97: {  	_ =	strace $0x8FFFFFFF  }
0x98: {  	s18 =	sld [smem:$0x3FDB];
	_ =	sdelay $0x1  }
0x99: {  	s19 =	simm.s32 $_scs_section_size  }
0x9a: {  	s4 =	simm.s32 $_size__tile_overlayer_lowered;
	s5 =	simm.s32 $_tile_overlayer_lowered  }
0x9b: {  	s22 =	simm.s32 $0x1BFF;
	s21 =	sshll.u32 s5, $0x1;
	s2 =	sadd.s32 s19, s18  }
0x9c: {  	s6 =	simm.s32 $0x0;
	s20 =	sshll.u32 s4, $0x1;
	s4 =	sadd.s32 s21, s2  }
0x9d: {  	[timem:s6], [sflag:s22] =	dma.local [hbm:s4], s20  }
0x9e: {  	_ =	swait.ge [sflag:s22], s20  }
0x9f: {  	s3 =	ssub.s32 $0x0, s20;
	[sflag:s22] =	ssyncset.done $0x0  }
0xa0: {  	[sflag:s22] =	ssyncadd.s32 s3;
	_ =	sdelay $0x1  }
0xa1: {  	s23 =	simm.s32 $0x1B8B  }
0xa2: {  	_ =	swait.ge [sflag:s23], $0x1  }
0xa3: {  	[sflag:s23] =	ssyncset.done $0x0  }
0xa4: {  	s25 =	simm.s32 $0x1B8E;
	s24 =	sld [smem:$0x3FFE];
	[sflag:s23] =	ssyncadd.s32 $0xFFFFFFFF  }
0xa5: {  	s26 =	simm.s32 $execute0_lowered;
	[smem:$0x3FD2] =	sst s25  }
0xa6: {  	s4 =	sshll.u32 s26, $0x1;
	_ =	strace $0x80000049;
	[dreg:$0x1] =	wrdreg $0xFFFFFFFF  }
0xa7: {  	s28 =	simm.s32 $_size_execute0_lowered;
	s2 =	sadd.s32 s2, s4;
	[dreg:$0x0] =	wrdreg $0x0  }
0xa8: {  	s4 =	sshll.u32 s28, $0x1;
	[dreg:$0x2] =	wrdreg s2  }
0xa9: {  	[dreg:$0x3] =	wrdreg s4  }
0xaa: {  	[dreg:$0x4] =	wrdreg $0xC0  }
0xab: {  	_ =	task [dreg:s6], $0x5FFFF  }
0xac: {  	[dreg:$0x1] =	wrdreg $0xFFFFFFFF  }
0xad: {  	[dreg:$0x0] =	wrdreg $0x60  }
0xae: {  	[dreg:$0x2] =	wrdreg s24  }
0xaf: {  	[dreg:$0x3] =	wrdreg $0x9  }
0xb0: {  	_ =	task.clear_ibuf [dreg:s6], $0x4FFFF;
	_ =	strace $0x90000049  }
0xb1: {  	s29 =	simm.s32 $0x9;
	_ =	strace $0x8000004B  }
0xb2: {  	_ =	swait.ge [sflag:s29], $0x1  }
0xb3: {  	[sflag:s29] =	ssyncadd.s32 $0xFFFFFFFF  }
0xb4: {  	_ =	strace $0x9000004B  }
0xb5: {  	_ =	sfence  }
0xb6: {  	s30 =	sld [smem:$0x0];
	_ =	sdelay $0x2  }
0xb7: {  	s31 =	sshll.u32 s1, $0xD;
	s1 =	sshrl.u32 s1, $0x2  }
0xb8: {  	s3 =	sand.u32 $0x4000, s31;
	s1 =	sadd.s32 s1, s30  }
0xb9: {  	s0 =	sor.u32 s3, s0;
	s1 =	sshll.u32 s1, $0x11  }
0xba: {  	s0 =	sor.u32 s1, s0  }
0xbb: {  	s0 =	sadd.s32 $0x8F2B, s0  }
0xbc: {  	[sflag:s0] =	ssyncadd.remote.s32 $0x1  }
0xbd: {  	_ =	sfence.sel $0xFFFF  }
0xbe: {  	[dreg:$0x0] =	wrdreg $0xFFFFFFFF;
	(pc) =	sbr.abs _section_cstart, $3  }
0xbf: {  	[dreg:$0x1] =	wrdreg $0xFFFFFFFF  }
0xc0: {  	_ =	task.clear_ibuf [dreg:s6], $0x2FFFF;
	_ =	strace $0x9FFFFFFF  }
0xc1: {  	(tm) =	ssettm $0x7FFFFFFF  }
tec
execute0_lowered:
.L_overlay_start_1:
0x0: {  	(tag) =	ssettag $0x1  }
0x1: {  	s8 =	rddreg [dreg:$0x0];
	s1 =	stileid.u32  }
0x2: {  	s2 =	srdreg.scid;
	s0 =	rddreg [dreg:$0x1]  }
0x3: {  	_ =	strace $0x8000004A;
	s5 =	simm.s32 $0x1;
	s9 =	simm.s32 $0x1  }
0x4: {  	s10 =	simm.s32 $0x3;
	s2 =	sand.u32 $0x1, s2;
	s3 =	sshll.u32 s1, $0x1  }
0x5: {  	s13 =	simm.s32 $0x0;
	s12 =	simm.s32 $0x0;
	s6 =	sor.u32 s3, s2  }
0x6: {  	[sflag:s5] =	ssyncpa.u1 $0x0;
	s2 =	sadd.s32 $0x1AC00, s8;
	s4 =	smul.u32 $0x4B0, s6  }
0x7: {  	s3 =	sadd.s32 $0xF600, s8;
	p0 =	slt.u32 s6, $0x9;
	s6 =	simm.s32 $0x9600  }
.Ltmp0:
0x8: {  	s6 =	simm.s32 @!p0 $0x0;
	s7 =	ssub.s32 $0xBB80, s4;
	(pc) =	sbr.rel .LBB2_1-.Ltmp0, $4  }
0x9: {  	s9 =	simm.s32 @!p0 $0x0;
	p0 =	sne.s32 s7, s6;
	s7 =	simm.s32 $0x1  }
0xa: {  	s8 =	sadd.s32 $0x12C00, s8;
	s6 =	simm.s32 $0x2;
	s7 =	simm.s32 @!p0 $0x0  }
0xb: {  	s11 =	smov.u32 s4;
	[sflag:s6] =	ssyncpa.u1 $0x0;
	s7 =	sadd.s32 s9, s7  }
0xc: {  	vm0 =	vmmov $0xffff;
	[sflag:s10] =	ssyncpa.u1 $0x0;
	s10 =	simm.s32 $0x0;
	s9 =	sadd.s32 $0x1, s7  }
.LBB2_4:
0xd: {  	v2 =	vnsel vm1, $0x0, v2  }
0xe: {  	vm1 =	vgt.s32 v0, $0x0;
	v2 =	vmin.u32 v2, $0x4E1FF  }
0xf: {  	v0 =	vnsel vm1, $0x0, v0  }
0x10: {  	v0 =	vmin.u32 v0, $0x4E1FF  }
0x11: {  	[tilespmem:s18], [sflag:$0x1] =	stream.indirect_vreg.gather [hbm4b:s2+s10], $0x1, v1, vm0, $0x4038;
	[tilespmem:$0x12C0] =	vst v63  }
0x12: {  	(ifvalue) =	ssetifvalue $0x7FFFFFFF  }
0x13: {  	[tilespmem:s15], [sflag:$0x1] =	stream.indirect_vreg.gather [hbm4b:s2+s10], $0x1, v2, vm0, $0x4038;
	[tilespmem:$0x12C0] =	vst v63  }
0x14: {  	s29 =	sadd.s32 $0x10, s15;
	(ifvalue) =	ssetifvalue $0x7FFFFFFF  }
0x15: {  	[tilespmem:s29], [sflag:$0x1] =	stream.indirect_vreg.gather [hbm4b:s2+s10], $0x1, v0, vm0, $0x4038;
	[tilespmem:$0x12C0] =	vst v63  }
0x16: {  	_ =	swait.ge [sflag:s5], $0x4B0  }
0x17: {  	s30 =	sshrl.u32 s13, $0x3;
	[sflag:s5] =	ssyncset.done $0x0  }
0x18: {  	s31 =	sand.u32 $0x7, s13;
	s15 =	sadd.s32 s8, s30;
	[sflag:s5] =	ssyncadd.s32 $0xFFFFFB50  }
0x19: {  	[hbm4b:s15+s31] =	stream.linear.scatter [tilespmem:s14], [sflag:$0x3], $0x4B0, $0x38;
	[tilespmem:$0x12C0] =	vst v63  }
.LBB2_5:
0x1a: {  	s15 =	sadd.s32 $0x9600, s11  }
0x1b: {  	p1 =	sgt.s32 s15, $0xBB7F  }
0x1c: {  	s15 =	smov.u32 @p1 s4;
	p1 =	sne.s32 s12, s9  }
.Ltmp1:
0x1d: {  	p0 =	slt.u32 s12, $0x2;
	(pc) =	sbr.rel @!p1 .LBB2_6-.Ltmp1, $4  }
0x1e: {  	s14 =	simm.s32 @!p0 $0x3  }
0x1f: {  	_ =	swait.ge @!p0 [sflag:s14], $0x4B0  }
0x20: {  	s16 =	sadd.s32 $0x1, s12;
	s13 =	smov.u32 s11;
	[sflag:s14] =	ssyncset.done @!p0 $0x0  }
0x21: {  	s12 =	smov.u32 s16;
	s11 =	smov.u32 s15;
	[sflag:s14] =	ssyncadd.s32 @!p0 $0xFFFFFB50  }
.LBB2_1:
0x22: {  	p0 =	sge.u32 s12, s7  }
0x23: {  	s14 =	sxor.u32 @!p0 $0x1, s12  }
0x24: {  	s14 =	smul.u32 @!p0 $0x12C0, s14  }
0x25: {  	s31 =	sadd.s32 $0xFFFFFFFF, s12;
	s15 =	sshrl.u32 @!p0 s11, $0x3  }
0x26: {  	s16 =	sand.u32 @!p0 $0x7, s11;
	s15 =	sadd.s32 @!p0 s3, s15;
	s14 =	sshra.s32 @!p0 s14, $0x2  }
0x27: {  	[tilespmem:s14], [sflag:$0x2] =	stream.linear.gather @!p0 [hbm4b:s15+s16], $0x4B0, $0x38;
	[tilespmem:$0x12C0] =	vst v63  }
0x28: {  	p0 =	sge.u32 s31, s7  }
.Ltmp2:
0x29: {  	_ = 	snop;
	(pc) =	sbr.rel @p0 .LBB2_5-.Ltmp2, $1  }
0x2a: {  	_ =	sdelay $0x3  }
0x2b: {  	s14 =	sand.u32 $0x1, s12  }
0x2c: {  	_ =	swait.ge [sflag:s6], $0x4B0;
	p0 =	seq.s32 s14, $0x1;
	s14 =	simm.s32 $0x4B0  }
0x2d: {  	[sflag:s6] =	ssyncset.done $0x0;
	s14 =	simm.s32 @!p0 $0x0  }
0x2e: {  	[sflag:s6] =	ssyncadd.s32 $0xFFFFFB50;
	(ifvalue) =	ssetifvalue $0x7FFFFFFF;
	v0 =	vld.msk [tilespmem:s14+$0x0 ss:$0x1], $0xffff;
	_ =	sdelay $0x4  }
0x2f: {  	s15 =	sadd.s32 $0x10, s14;
	vm1 =	vgt.s32 v0, $0x0  }
0x30: {  	v2 =	vld.msk [tilespmem:s15+$0x0 ss:$0x1], $0xffff;
	v1 =	vnsel vm1, $0x0, v0  }
0x31: {  	v1 =	vmin.u32 v1, $0x4E1FF;
	_ =	sdelay $0x2  }
0x32: {  	s17 =	simm.s32 $0x20;
	s14 =	sadd.s32 $0x960, s14;
	s16 =	sadd.s32 $0x10, s15  }
0x33: {  	s15 =	sadd.s32 $0x10, s14;
	s18 =	smov.u32 s14;
	v0 =	vld.msk [tilespmem:s16+$0x0 ss:$0x1], $0xffff;
	vm1 =	vgt.s32 v2, $0x0;
	(ifvalue) =	ssetifvalue $0x7FFFFFFF  }
.LBB2_3:
0x34: {  	[tilespmem:s18], [sflag:$0x1] =	stream.indirect_vreg.gather [hbm4b:s2+s10], $0x1, v1, vm0, $0x4038;
	[tilespmem:$0x12C0] =	vst v63  }
0x35: {  	s17 =	sadd.s32 $0x10, s17  }
0x36: {  	v2 =	vnsel vm1, $0x0, v2;
	p0 =	slt.u32 s17, $0x4A0  }
.Ltmp3:
0x37: {  	s18 =	smov.u32 s15;
	v1 =	vmin.u32 v2, $0x4E1FF;
	(pc) =	sbr.rel @p0 .LBB2_3-.Ltmp3, $3  }
0x38: {  	_ =	sdelay $0x1  }
0x39: {  	s16 =	sadd.s32 $0x10, s16  }
0x3a: {  	vm1 =	vgt.s32 v0, $0x0;
	s15 =	sadd.s32 $0x10, s15;
	v2 =	vmov v0;
	(ifvalue) =	ssetifvalue $0x7FFFFFFF;
	v0 =	vld.msk [tilespmem:s16+$0x0 ss:$0x1], $0xffff  }
.Ltmp4:
0x3b: {  	_ = 	snop;
	(pc) =	sbr.rel .LBB2_4-.Ltmp4, $1  }
0x3c: {  	_ =	sdelay $0x3  }
.LBB2_6:
0x3d: {  	_ =	sfence.sel $0x180000  }
0x3e: {  	s2 =	simm.s32 $0x2;
	[bflag:$0x0] =	sbarrier.arrive $0xFFFF  }
0x3f: {  	s30 =	simm.s32 $0x3;
	[sflag:s2] =	ssyncpa.u1 $0x1  }
0x40: {  	s31 =	simm.s32 $0x1;
	[sflag:s30] =	ssyncpa.u1 $0x1  }
0x41: {  	[sflag:s31] =	ssyncpa.u1 $0x1  }
0x42: {  	p0 =	sne.s32 s1, $0x0;
	_ =	strace $0x9000004A  }
0x43: {  	s0 =	sadd.s32 @!p0 $0x100000, s0;
	[bflag:$0x2] =	sbarrier.arrive $0xFFFF  }
0x44: {  	[sflag:s0] =	ssyncadd.tile.s32 @!p0 $0x1;
	_ =	shalt  }
.Lfunc_end2:
_tile_overlayer_lowered:
.L_overlay_start_2:
0x45: {  	(tag) =	ssettag $0x2  }
0x46: {  	s0 =	rddreg [dreg:$0x0];
	s2 =	stileid.u32  }
0x47: {  	s1 =	rddreg [dreg:$0x1];
	p0 =	sne.s32 s2, $0x0  }
0x48: {  	s3 =	rddreg [dreg:$0x2];
	[bflag:$0x3] =	sbarrier.arrive $0xFFFF;
	s2 =	simm.s32 @!p0 $0x1C01  }
0x49: {  	[timem:s3], [sflag:s2] =	dma.local @!p0 [hbm:s0], s1  }
0x4a: {  	s0 =	simm.s32 @!p0 $0x1  }
0x4b: {  	_ =	swait.ge @!p0 [sflag:s0], s1  }
0x4c: {  	s1 =	ssub.s32 @!p0 $0x0, s1;
	[sflag:s0] =	ssyncset.done @!p0 $0x0  }
0x4d: {  	[sflag:s0] =	ssyncadd.s32 @!p0 s1  }
0x4e: {  	[bflag:$0x3] =	sbarrier.arrive $0xFFFF  }
0x4f: {  	_ =	shalt  }

// kernel: gather_offload_async_start.4
scs
__scs_entry_jumppad:
0x0: {  	(pc) =	sbr.rel $0x88, $3  }
0x1: {  	(tag) =	ssettag $0x0;
	lr =	simm.s32 $0x1  }
0x2: {  	[smem:$0x3F8F] =	sst lr;
	_ =	strace $0xD0000000  }
0x3: {  	_ = 	snop  }
0x4: {  	_ = 	snop  }
0x5: {  	_ = 	snop  }
0x6: {  	_ = 	snop  }
0x7: {  	_ = 	snop  }
__scs_overlays_trampoline_lowered:
0x8: {  	[smem:$0x3F9E] =	sst s0  }
0x9: {  	[smem:$0x3F9F] =	sst s1  }
0xa: {  	[smem:$0x3FA0] =	sst s2  }
0xb: {  	[smem:$0x3FA1] =	sst s3  }
0xc: {  	[smem:$0x3FA2] =	sst s4  }
0xd: {  	[smem:$0x3FA3] =	sst s5  }
0xe: {  	[smem:$0x3FA4] =	sst s6  }
0xf: {  	[smem:$0x3FA5] =	sst s7  }
0x10: {  	[smem:$0x3FA6] =	sst s8  }
0x11: {  	[smem:$0x3FA7] =	sst s9;
	s0 =	simm.s32 @!p0 $0x0  }
0x12: {  	s1 =	sld [smem:$0x3F8D];
	s0 =	simm.s32 @p0 $0x1  }
0x13: {  	[smem:$0x3FA8] =	sst s0;
	s0 =	simm.s32 @!p1 $0x0  }
0x14: {  	s2 =	sld [smem:$0x3F8C];
	s0 =	simm.s32 @p1 $0x1  }
0x15: {  	[smem:$0x3FA9] =	sst s0;
	s0 =	simm.s32 @!p2 $0x0  }
0x16: {  	s3 =	sld [smem:$0x3FDB];
	s0 =	simm.s32 @p2 $0x1  }
0x17: {  	s4 =	simm.s32 $0x1BF5;
	[smem:$0x3FAB] =	sst s0  }
0x18: {  	s0 =	sld [smem:$0x3F8E];
	_ =	swait.ge [sflag:s4], $0x0  }
0x19: {  	s7 =	sld [smem:$0x3F8F]  }
0x1a: {  	s8 =	sadd.s32 $0xFFFFE003, lr  }
0x1b: {  	s9 =	sadd.s32 $0xFFFFFEF7, lr;
	s5 =	simm.s32 $0xFFFFFFFF;
	p2 =	slt.u32 s8, $0xFFFFF086  }
0x1c: {  	p1 =	slt.u32 s9, $0xF7A;
	s5 =	simm.s32 @!p2 $0x0  }
0x1d: {  	s5 =	simm.s32 @p1 $0x1;
	p0 =	seq.s32 s7, s2  }
0x1e: {  	s7 =	smul.u32 @!p0 $0xF7A, s2;
	p2 =	seq.s32 @!p0 s5, $0x0  }
0x1f: {  	s9 =	smul.u32 $0xF7A, s1;
	s8 =	simm.s32 @!p0 $0x1BF5;
	p2 =	por !p2, p0  }
0x20: {  	[sflag:s8] =	ssyncset.s32 @!p0 $0xFFFFF086;
	s6 =	sadd.s32 @!p0 s3, s7;
	s7 =	simm.s32 @!p0 $0x108  }
0x21: {  	s3 =	sadd.s32 s3, s9;
	s6 =	sadd.s32 @!p0 $0x88, s6;
	s7 =	simm.s32 @p2 $0x1082  }
0x22: {  	[simem:s7], [sflag:s8] =	dma.local @!p0 [hbm:s6], $0xF7A  }
0x23: {  	s9 =	sor.u32 $0xD0000000, s2;
	s6 =	simm.s32 $0x108;
	_ =	swait.ge @!p0 [sflag:s8], $0x0  }
0x24: {  	s3 =	sadd.s32 $0x88, s3;
	s6 =	simm.s32 @!p1 $0x1082;
	[sflag:s4] =	ssyncset.s32 $0xFFFFF086  }
0x25: {  	[simem:s6], [sflag:s4] =	dma.local [hbm:s3], $0xF7A  }
0x26: {  	[smem:$0x3F8F] =	sst s1;
	(tag) =	ssettag s2;
	_ =	strace s9  }
0x27: {  	s1 =	sld [smem:$0x3F9F]  }
0x28: {  	s2 =	sld [smem:$0x3FA0]  }
0x29: {  	s4 =	sld [smem:$0x3FA2]  }
0x2a: {  	p0 =	seq.s32 s5, $0x0;
	s5 =	sld [smem:$0x3FA3]  }
0x2b: {  	s6 =	sld [smem:$0x3FA4]  }
0x2c: {  	s7 =	sld [smem:$0x3FA5]  }
0x2d: {  	s3 =	simm.s32 $0x108;
	s8 =	sld [smem:$0x3FA6]  }
0x2e: {  	s3 =	simm.s32 @!p0 $0x1082;
	s9 =	sld [smem:$0x3FA7]  }
0x2f: {  	lr =	sadd.s32 s0, s3;
	s0 =	sld [smem:$0x3F9E]  }
0x30: {  	s3 =	sld [smem:$0x3FA1]  }
0x31: {  	[smem:$0x3FAA] =	sst s10  }
0x32: {  	s10 =	sld [smem:$0x3FA8];
	_ =	sdelay $0x3  }
0x33: {  	p0 =	seq.s32 s10, $0x1;
	s10 =	sld [smem:$0x3FAA];
	_ =	sdelay $0x3  }
0x34: {  	[smem:$0x3FAA] =	sst s10  }
0x35: {  	s10 =	sld [smem:$0x3FA9];
	_ =	sdelay $0x3  }
0x36: {  	p1 =	seq.s32 s10, $0x1;
	s10 =	sld [smem:$0x3FAA];
	_ =	sdelay $0x3  }
0x37: {  	[smem:$0x3FAA] =	sst s10  }
0x38: {  	s10 =	sld [smem:$0x3FAB]  }
0x39: {  	_ = 	snop;
	(pc) =	sbr.ind lr, $3  }
0x3a: {  	_ = 	snop  }
0x3b: {  	_ = 	snop  }
0x3c: {  	p2 =	seq.s32 s10, $0x1;
	s10 =	sld [smem:$0x3FAA]  }
0x3d: {  	_ =	shalt  }
0x3e: {  	_ =	shalt  }
0x3f: {  	_ =	shalt  }
0x40: {  	_ =	shalt  }
0x41: {  	_ =	shalt  }
0x42: {  	_ =	shalt  }
0x43: {  	_ =	shalt  }
0x44: {  	_ =	shalt  }
0x45: {  	_ =	shalt  }
0x46: {  	_ =	shalt  }
0x47: {  	_ =	shalt  }
0x48: {  	_ =	shalt  }
0x49: {  	_ =	shalt  }
0x4a: {  	_ =	shalt  }
0x4b: {  	_ =	shalt  }
0x4c: {  	_ =	shalt  }
0x4d: {  	_ =	shalt  }
0x4e: {  	_ =	shalt  }
0x4f: {  	_ =	shalt  }
0x50: {  	_ =	shalt  }
0x51: {  	_ =	shalt  }
0x52: {  	_ =	shalt  }
0x53: {  	_ =	shalt  }
0x54: {  	_ =	shalt  }
0x55: {  	_ =	shalt  }
0x56: {  	_ =	shalt  }
0x57: {  	_ =	shalt  }
0x58: {  	_ =	shalt  }
0x59: {  	_ =	shalt  }
0x5a: {  	_ =	shalt  }
0x5b: {  	_ =	shalt  }
0x5c: {  	_ =	shalt  }
0x5d: {  	_ =	shalt  }
0x5e: {  	_ =	shalt  }
0x5f: {  	_ =	shalt  }
0x60: {  	_ =	shalt  }
0x61: {  	_ =	shalt  }
0x62: {  	_ =	shalt  }
0x63: {  	_ =	shalt  }
0x64: {  	_ =	shalt  }
0x65: {  	_ =	shalt  }
0x66: {  	_ =	shalt  }
0x67: {  	_ =	shalt  }
0x68: {  	_ =	shalt  }
0x69: {  	_ =	shalt  }
0x6a: {  	_ =	shalt  }
0x6b: {  	_ =	shalt  }
0x6c: {  	_ =	shalt  }
0x6d: {  	_ =	shalt  }
0x6e: {  	_ =	shalt  }
0x6f: {  	_ =	shalt  }
0x70: {  	_ =	shalt  }
0x71: {  	_ =	shalt  }
0x72: {  	_ =	shalt  }
0x73: {  	_ =	shalt  }
0x74: {  	_ =	shalt  }
0x75: {  	_ =	shalt  }
0x76: {  	_ =	shalt  }
0x77: {  	_ =	shalt  }
0x78: {  	_ =	shalt  }
0x79: {  	_ =	shalt  }
0x7a: {  	_ =	shalt  }
0x7b: {  	_ =	shalt  }
0x7c: {  	_ =	shalt  }
0x7d: {  	_ =	shalt  }
0x7e: {  	_ =	shalt  }
0x7f: {  	_ =	shalt  }
0x80: {  	_ =	shalt  }
0x81: {  	_ =	shalt  }
0x82: {  	_ =	shalt  }
0x83: {  	_ =	shalt  }
0x84: {  	_ =	shalt  }
0x85: {  	_ =	shalt  }
0x86: {  	_ =	shalt  }
0x87: {  	_ =	shalt  }
.Lfunc_end0:
.L_simem_size_0:
called_computation.5_lowered:
.L_overlay_start_0:
0x88: {  	s2 =	sld [smem:$0x3FD9]  }
0x89: {  	s3 =	sld [smem:$0x3FFE];
	_ =	sdelay $0x1  }
0x8a: {  	s1 =	srdreg.scid  }
0x8b: {  	s0 =	sand.u32 $0x1, s1  }
0x8c: {  	s16 =	sshll.u32 s0, $0xA;
	s2 =	sadd.s32 s3, s2  }
0x8d: {  	s2 =	sadd.s32 s2, s16  }
0x8e: {  	[smem:$0x3FB6] =	sst s2  }
0x8f: {  	_ = 	snop  }
0x90: {  	(tm) =	ssettm $0x1  }
0x91: {  	s17 =	sld [smem:$0x3FFB];
	_ =	sdelay $0x3  }
0x92: {  	_ =	strace s17  }
0x93: {  	s2 =	sld [smem:$0x3FFC];
	_ =	sdelay $0x3  }
0x94: {  	_ =	strace s2  }
0x95: {  	s2 =	sld [smem:$0x3FFD];
	_ =	sdelay $0x3  }
0x96: {  	_ =	strace s2  }
0x97: {  	_ =	strace $0x8FFFFFFF  }
0x98: {  	s18 =	sld [smem:$0x3FDB];
	_ =	sdelay $0x1  }
0x99: {  	s19 =	simm.s32 $_scs_section_size  }
0x9a: {  	s4 =	simm.s32 $_size__tile_overlayer_lowered;
	s5 =	simm.s32 $_tile_overlayer_lowered  }
0x9b: {  	s22 =	simm.s32 $0x1BFF;
	s21 =	sshll.u32 s5, $0x1;
	s2 =	sadd.s32 s19, s18  }
0x9c: {  	s6 =	simm.s32 $0x0;
	s20 =	sshll.u32 s4, $0x1;
	s4 =	sadd.s32 s21, s2  }
0x9d: {  	[timem:s6], [sflag:s22] =	dma.local [hbm:s4], s20  }
0x9e: {  	_ =	swait.ge [sflag:s22], s20  }
0x9f: {  	s3 =	ssub.s32 $0x0, s20;
	[sflag:s22] =	ssyncset.done $0x0  }
0xa0: {  	[sflag:s22] =	ssyncadd.s32 s3;
	_ =	sdelay $0x1  }
0xa1: {  	s23 =	simm.s32 $0x1B8B  }
0xa2: {  	_ =	swait.ge [sflag:s23], $0x1  }
0xa3: {  	[sflag:s23] =	ssyncset.done $0x0  }
0xa4: {  	s25 =	simm.s32 $0x1B8E;
	s24 =	sld [smem:$0x3FFE];
	[sflag:s23] =	ssyncadd.s32 $0xFFFFFFFF  }
0xa5: {  	s26 =	simm.s32 $execute0_lowered;
	[smem:$0x3FD2] =	sst s25  }
0xa6: {  	s4 =	sshll.u32 s26, $0x1;
	_ =	strace $0x80000046;
	[dreg:$0x1] =	wrdreg $0xFFFFFFFF  }
0xa7: {  	s28 =	simm.s32 $_size_execute0_lowered;
	s2 =	sadd.s32 s2, s4;
	[dreg:$0x0] =	wrdreg $0x0  }
0xa8: {  	s4 =	sshll.u32 s28, $0x1;
	[dreg:$0x2] =	wrdreg s2  }
0xa9: {  	[dreg:$0x3] =	wrdreg s4  }
0xaa: {  	[dreg:$0x4] =	wrdreg $0xC0  }
0xab: {  	_ =	task [dreg:s6], $0x5FFFF  }
0xac: {  	[dreg:$0x1] =	wrdreg $0xFFFFFFFF  }
0xad: {  	[dreg:$0x0] =	wrdreg $0x60  }
0xae: {  	[dreg:$0x2] =	wrdreg s24  }
0xaf: {  	[dreg:$0x3] =	wrdreg $0x9  }
0xb0: {  	_ =	task.clear_ibuf [dreg:s6], $0x4FFFF;
	_ =	strace $0x90000046  }
0xb1: {  	s29 =	simm.s32 $0x9;
	_ =	strace $0x80000048  }
0xb2: {  	_ =	swait.ge [sflag:s29], $0x1  }
0xb3: {  	[sflag:s29] =	ssyncadd.s32 $0xFFFFFFFF  }
0xb4: {  	_ =	strace $0x90000048  }
0xb5: {  	_ =	sfence  }
0xb6: {  	s30 =	sld [smem:$0x0];
	_ =	sdelay $0x2  }
0xb7: {  	s31 =	sshll.u32 s1, $0xD;
	s1 =	sshrl.u32 s1, $0x2  }
0xb8: {  	s3 =	sand.u32 $0x4000, s31;
	s1 =	sadd.s32 s1, s30  }
0xb9: {  	s0 =	sor.u32 s3, s0;
	s1 =	sshll.u32 s1, $0x11  }
0xba: {  	s0 =	sor.u32 s1, s0  }
0xbb: {  	s0 =	sadd.s32 $0x8F2B, s0  }
0xbc: {  	[sflag:s0] =	ssyncadd.remote.s32 $0x1  }
0xbd: {  	_ =	sfence.sel $0xFFFF  }
0xbe: {  	[dreg:$0x0] =	wrdreg $0xFFFFFFFF;
	(pc) =	sbr.abs _section_cstart, $3  }
0xbf: {  	[dreg:$0x1] =	wrdreg $0xFFFFFFFF  }
0xc0: {  	_ =	task.clear_ibuf [dreg:s6], $0x2FFFF;
	_ =	strace $0x9FFFFFFF  }
0xc1: {  	(tm) =	ssettm $0x7FFFFFFF  }
tec
execute0_lowered:
.L_overlay_start_1:
0x0: {  	(tag) =	ssettag $0x1  }
0x1: {  	s8 =	rddreg [dreg:$0x0];
	s1 =	stileid.u32  }
0x2: {  	s2 =	srdreg.scid;
	s0 =	rddreg [dreg:$0x1]  }
0x3: {  	_ =	strace $0x80000047;
	s5 =	simm.s32 $0x1;
	s9 =	simm.s32 $0x1  }
0x4: {  	s10 =	simm.s32 $0x3;
	s2 =	sand.u32 $0x1, s2;
	s3 =	sshll.u32 s1, $0x1  }
0x5: {  	s13 =	simm.s32 $0x0;
	s12 =	simm.s32 $0x0;
	s6 =	sor.u32 s3, s2  }
0x6: {  	[sflag:s5] =	ssyncpa.u1 $0x0;
	s2 =	sadd.s32 $0x10E00, s8;
	s4 =	smul.u32 $0x4B0, s6  }
0x7: {  	s3 =	sadd.s32 $0xF600, s8;
	p0 =	slt.u32 s6, $0x9;
	s6 =	simm.s32 $0x9600  }
.Ltmp0:
0x8: {  	s6 =	simm.s32 @!p0 $0x0;
	s7 =	ssub.s32 $0xBB80, s4;
	(pc) =	sbr.rel .LBB2_1-.Ltmp0, $4  }
0x9: {  	s9 =	simm.s32 @!p0 $0x0;
	p0 =	sne.s32 s7, s6;
	s7 =	simm.s32 $0x1  }
0xa: {  	s8 =	sadd.s32 $0xD8A00, s8;
	s6 =	simm.s32 $0x2;
	s7 =	simm.s32 @!p0 $0x0  }
0xb: {  	s11 =	smov.u32 s4;
	[sflag:s6] =	ssyncpa.u1 $0x0;
	s7 =	sadd.s32 s9, s7  }
0xc: {  	vm0 =	vmmov $0xffff;
	[sflag:s10] =	ssyncpa.u1 $0x0;
	s10 =	simm.s32 $0x0;
	s9 =	sadd.s32 $0x1, s7  }
.LBB2_4:
0xd: {  	v2 =	vnsel vm1, $0x0, v2  }
0xe: {  	vm1 =	vgt.s32 v0, $0x0;
	v2 =	vmin.u32 v2, $0x4E1FF  }
0xf: {  	v0 =	vnsel vm1, $0x0, v0  }
0x10: {  	v0 =	vmin.u32 v0, $0x4E1FF  }
0x11: {  	[tilespmem:s18], [sflag:$0x1] =	stream.indirect_vreg.gather [hbm4b:s2+s10], $0x1, v1, vm0, $0x4038;
	[tilespmem:$0x12C0] =	vst v63  }
0x12: {  	(ifvalue) =	ssetifvalue $0x7FFFFFFF  }
0x13: {  	[tilespmem:s15], [sflag:$0x1] =	stream.indirect_vreg.gather [hbm4b:s2+s10], $0x1, v2, vm0, $0x4038;
	[tilespmem:$0x12C0] =	vst v63  }
0x14: {  	s29 =	sadd.s32 $0x10, s15;
	(ifvalue) =	ssetifvalue $0x7FFFFFFF  }
0x15: {  	[tilespmem:s29], [sflag:$0x1] =	stream.indirect_vreg.gather [hbm4b:s2+s10], $0x1, v0, vm0, $0x4038;
	[tilespmem:$0x12C0] =	vst v63  }
0x16: {  	_ =	swait.ge [sflag:s5], $0x4B0  }
0x17: {  	s30 =	sshrl.u32 s13, $0x3;
	[sflag:s5] =	ssyncset.done $0x0  }
0x18: {  	s31 =	sand.u32 $0x7, s13;
	s15 =	sadd.s32 s8, s30;
	[sflag:s5] =	ssyncadd.s32 $0xFFFFFB50  }
0x19: {  	[hbm4b:s15+s31] =	stream.linear.scatter [tilespmem:s14], [sflag:$0x3], $0x4B0, $0x38;
	[tilespmem:$0x12C0] =	vst v63  }
.LBB2_5:
0x1a: {  	s15 =	sadd.s32 $0x9600, s11  }
0x1b: {  	p1 =	sgt.s32 s15, $0xBB7F  }
0x1c: {  	s15 =	smov.u32 @p1 s4;
	p1 =	sne.s32 s12, s9  }
.Ltmp1:
0x1d: {  	p0 =	slt.u32 s12, $0x2;
	(pc) =	sbr.rel @!p1 .LBB2_6-.Ltmp1, $4  }
0x1e: {  	s14 =	simm.s32 @!p0 $0x3  }
0x1f: {  	_ =	swait.ge @!p0 [sflag:s14], $0x4B0  }
0x20: {  	s16 =	sadd.s32 $0x1, s12;
	s13 =	smov.u32 s11;
	[sflag:s14] =	ssyncset.done @!p0 $0x0  }
0x21: {  	s12 =	smov.u32 s16;
	s11 =	smov.u32 s15;
	[sflag:s14] =	ssyncadd.s32 @!p0 $0xFFFFFB50  }
.LBB2_1:
0x22: {  	p0 =	sge.u32 s12, s7  }
0x23: {  	s14 =	sxor.u32 @!p0 $0x1, s12  }
0x24: {  	s14 =	smul.u32 @!p0 $0x12C0, s14  }
0x25: {  	s31 =	sadd.s32 $0xFFFFFFFF, s12;
	s15 =	sshrl.u32 @!p0 s11, $0x3  }
0x26: {  	s16 =	sand.u32 @!p0 $0x7, s11;
	s15 =	sadd.s32 @!p0 s3, s15;
	s14 =	sshra.s32 @!p0 s14, $0x2  }
0x27: {  	[tilespmem:s14], [sflag:$0x2] =	stream.linear.gather @!p0 [hbm4b:s15+s16], $0x4B0, $0x38;
	[tilespmem:$0x12C0] =	vst v63  }
0x28: {  	p0 =	sge.u32 s31, s7  }
.Ltmp2:
0x29: {  	_ = 	snop;
	(pc) =	sbr.rel @p0 .LBB2_5-.Ltmp2, $1  }
0x2a: {  	_ =	sdelay $0x3  }
0x2b: {  	s14 =	sand.u32 $0x1, s12  }
0x2c: {  	_ =	swait.ge [sflag:s6], $0x4B0;
	p0 =	seq.s32 s14, $0x1;
	s14 =	simm.s32 $0x4B0  }
0x2d: {  	[sflag:s6] =	ssyncset.done $0x0;
	s14 =	simm.s32 @!p0 $0x0  }
0x2e: {  	[sflag:s6] =	ssyncadd.s32 $0xFFFFFB50;
	(ifvalue) =	ssetifvalue $0x7FFFFFFF;
	v0 =	vld.msk [tilespmem:s14+$0x0 ss:$0x1], $0xffff;
	_ =	sdelay $0x4  }
0x2f: {  	s15 =	sadd.s32 $0x10, s14;
	vm1 =	vgt.s32 v0, $0x0  }
0x30: {  	v2 =	vld.msk [tilespmem:s15+$0x0 ss:$0x1], $0xffff;
	v1 =	vnsel vm1, $0x0, v0  }
0x31: {  	v1 =	vmin.u32 v1, $0x4E1FF;
	_ =	sdelay $0x2  }
0x32: {  	s17 =	simm.s32 $0x20;
	s14 =	sadd.s32 $0x960, s14;
	s16 =	sadd.s32 $0x10, s15  }
0x33: {  	s15 =	sadd.s32 $0x10, s14;
	s18 =	smov.u32 s14;
	v0 =	vld.msk [tilespmem:s16+$0x0 ss:$0x1], $0xffff;
	vm1 =	vgt.s32 v2, $0x0;
	(ifvalue) =	ssetifvalue $0x7FFFFFFF  }
.LBB2_3:
0x34: {  	[tilespmem:s18], [sflag:$0x1] =	stream.indirect_vreg.gather [hbm4b:s2+s10], $0x1, v1, vm0, $0x4038;
	[tilespmem:$0x12C0] =	vst v63  }
0x35: {  	s17 =	sadd.s32 $0x10, s17  }
0x36: {  	v2 =	vnsel vm1, $0x0, v2;
	p0 =	slt.u32 s17, $0x4A0  }
.Ltmp3:
0x37: {  	s18 =	smov.u32 s15;
	v1 =	vmin.u32 v2, $0x4E1FF;
	(pc) =	sbr.rel @p0 .LBB2_3-.Ltmp3, $3  }
0x38: {  	_ =	sdelay $0x1  }
0x39: {  	s16 =	sadd.s32 $0x10, s16  }
0x3a: {  	vm1 =	vgt.s32 v0, $0x0;
	s15 =	sadd.s32 $0x10, s15;
	v2 =	vmov v0;
	(ifvalue) =	ssetifvalue $0x7FFFFFFF;
	v0 =	vld.msk [tilespmem:s16+$0x0 ss:$0x1], $0xffff  }
.Ltmp4:
0x3b: {  	_ = 	snop;
	(pc) =	sbr.rel .LBB2_4-.Ltmp4, $1  }
0x3c: {  	_ =	sdelay $0x3  }
.LBB2_6:
0x3d: {  	_ =	sfence.sel $0x180000  }
0x3e: {  	s2 =	simm.s32 $0x2;
	[bflag:$0x0] =	sbarrier.arrive $0xFFFF  }
0x3f: {  	s30 =	simm.s32 $0x3;
	[sflag:s2] =	ssyncpa.u1 $0x1  }
0x40: {  	s31 =	simm.s32 $0x1;
	[sflag:s30] =	ssyncpa.u1 $0x1  }
0x41: {  	[sflag:s31] =	ssyncpa.u1 $0x1  }
0x42: {  	p0 =	sne.s32 s1, $0x0;
	_ =	strace $0x90000047  }
0x43: {  	s0 =	sadd.s32 @!p0 $0x100000, s0;
	[bflag:$0x2] =	sbarrier.arrive $0xFFFF  }
0x44: {  	[sflag:s0] =	ssyncadd.tile.s32 @!p0 $0x1;
	_ =	shalt  }
.Lfunc_end2:
_tile_overlayer_lowered:
.L_overlay_start_2:
0x45: {  	(tag) =	ssettag $0x2  }
0x46: {  	s0 =	rddreg [dreg:$0x0];
	s2 =	stileid.u32  }
0x47: {  	s1 =	rddreg [dreg:$0x1];
	p0 =	sne.s32 s2, $0x0  }
0x48: {  	s3 =	rddreg [dreg:$0x2];
	[bflag:$0x3] =	sbarrier.arrive $0xFFFF;
	s2 =	simm.s32 @!p0 $0x1C01  }
0x49: {  	[timem:s3], [sflag:s2] =	dma.local @!p0 [hbm:s0], s1  }
0x4a: {  	s0 =	simm.s32 @!p0 $0x1  }
0x4b: {  	_ =	swait.ge @!p0 [sflag:s0], s1  }
0x4c: {  	s1 =	ssub.s32 @!p0 $0x0, s1;
	[sflag:s0] =	ssyncset.done @!p0 $0x0  }
0x4d: {  	[sflag:s0] =	ssyncadd.s32 @!p0 s1  }
0x4e: {  	[bflag:$0x3] =	sbarrier.arrive $0xFFFF  }
0x4f: {  	_ =	shalt  }

// kernel: gather_offload_async_start
scs
__scs_entry_jumppad:
0x0: {  	(pc) =	sbr.rel $0x88, $3  }
0x1: {  	(tag) =	ssettag $0x0;
	lr =	simm.s32 $0x1  }
0x2: {  	[smem:$0x3F8F] =	sst lr;
	_ =	strace $0xD0000000  }
0x3: {  	_ = 	snop  }
0x4: {  	_ = 	snop  }
0x5: {  	_ = 	snop  }
0x6: {  	_ = 	snop  }
0x7: {  	_ = 	snop  }
__scs_overlays_trampoline_lowered:
0x8: {  	[smem:$0x3F9E] =	sst s0  }
0x9: {  	[smem:$0x3F9F] =	sst s1  }
0xa: {  	[smem:$0x3FA0] =	sst s2  }
0xb: {  	[smem:$0x3FA1] =	sst s3  }
0xc: {  	[smem:$0x3FA2] =	sst s4  }
0xd: {  	[smem:$0x3FA3] =	sst s5  }
0xe: {  	[smem:$0x3FA4] =	sst s6  }
0xf: {  	[smem:$0x3FA5] =	sst s7  }
0x10: {  	[smem:$0x3FA6] =	sst s8  }
0x11: {  	[smem:$0x3FA7] =	sst s9;
	s0 =	simm.s32 @!p0 $0x0  }
0x12: {  	s1 =	sld [smem:$0x3F8D];
	s0 =	simm.s32 @p0 $0x1  }
0x13: {  	[smem:$0x3FA8] =	sst s0;
	s0 =	simm.s32 @!p1 $0x0  }
0x14: {  	s2 =	sld [smem:$0x3F8C];
	s0 =	simm.s32 @p1 $0x1  }
0x15: {  	[smem:$0x3FA9] =	sst s0;
	s0 =	simm.s32 @!p2 $0x0  }
0x16: {  	s3 =	sld [smem:$0x3FDB];
	s0 =	simm.s32 @p2 $0x1  }
0x17: {  	s4 =	simm.s32 $0x1BF5;
	[smem:$0x3FAB] =	sst s0  }
0x18: {  	s0 =	sld [smem:$0x3F8E];
	_ =	swait.ge [sflag:s4], $0x0  }
0x19: {  	s7 =	sld [smem:$0x3F8F]  }
0x1a: {  	s8 =	sadd.s32 $0xFFFFE003, lr  }
0x1b: {  	s9 =	sadd.s32 $0xFFFFFEF7, lr;
	s5 =	simm.s32 $0xFFFFFFFF;
	p2 =	slt.u32 s8, $0xFFFFF086  }
0x1c: {  	p1 =	slt.u32 s9, $0xF7A;
	s5 =	simm.s32 @!p2 $0x0  }
0x1d: {  	s5 =	simm.s32 @p1 $0x1;
	p0 =	seq.s32 s7, s2  }
0x1e: {  	s7 =	smul.u32 @!p0 $0xF7A, s2;
	p2 =	seq.s32 @!p0 s5, $0x0  }
0x1f: {  	s9 =	smul.u32 $0xF7A, s1;
	s8 =	simm.s32 @!p0 $0x1BF5;
	p2 =	por !p2, p0  }
0x20: {  	[sflag:s8] =	ssyncset.s32 @!p0 $0xFFFFF086;
	s6 =	sadd.s32 @!p0 s3, s7;
	s7 =	simm.s32 @!p0 $0x108  }
0x21: {  	s3 =	sadd.s32 s3, s9;
	s6 =	sadd.s32 @!p0 $0x88, s6;
	s7 =	simm.s32 @p2 $0x1082  }
0x22: {  	[simem:s7], [sflag:s8] =	dma.local @!p0 [hbm:s6], $0xF7A  }
0x23: {  	s9 =	sor.u32 $0xD0000000, s2;
	s6 =	simm.s32 $0x108;
	_ =	swait.ge @!p0 [sflag:s8], $0x0  }
0x24: {  	s3 =	sadd.s32 $0x88, s3;
	s6 =	simm.s32 @!p1 $0x1082;
	[sflag:s4] =	ssyncset.s32 $0xFFFFF086  }
0x25: {  	[simem:s6], [sflag:s4] =	dma.local [hbm:s3], $0xF7A  }
0x26: {  	[smem:$0x3F8F] =	sst s1;
	(tag) =	ssettag s2;
	_ =	strace s9  }
0x27: {  	s1 =	sld [smem:$0x3F9F]  }
0x28: {  	s2 =	sld [smem:$0x3FA0]  }
0x29: {  	s4 =	sld [smem:$0x3FA2]  }
0x2a: {  	p0 =	seq.s32 s5, $0x0;
	s5 =	sld [smem:$0x3FA3]  }
0x2b: {  	s6 =	sld [smem:$0x3FA4]  }
0x2c: {  	s7 =	sld [smem:$0x3FA5]  }
0x2d: {  	s3 =	simm.s32 $0x108;
	s8 =	sld [smem:$0x3FA6]  }
0x2e: {  	s3 =	simm.s32 @!p0 $0x1082;
	s9 =	sld [smem:$0x3FA7]  }
0x2f: {  	lr =	sadd.s32 s0, s3;
	s0 =	sld [smem:$0x3F9E]  }
0x30: {  	s3 =	sld [smem:$0x3FA1]  }
0x31: {  	[smem:$0x3FAA] =	sst s10  }
0x32: {  	s10 =	sld [smem:$0x3FA8];
	_ =	sdelay $0x3  }
0x33: {  	p0 =	seq.s32 s10, $0x1;
	s10 =	sld [smem:$0x3FAA];
	_ =	sdelay $0x3  }
0x34: {  	[smem:$0x3FAA] =	sst s10  }
0x35: {  	s10 =	sld [smem:$0x3FA9];
	_ =	sdelay $0x3  }
0x36: {  	p1 =	seq.s32 s10, $0x1;
	s10 =	sld [smem:$0x3FAA];
	_ =	sdelay $0x3  }
0x37: {  	[smem:$0x3FAA] =	sst s10  }
0x38: {  	s10 =	sld [smem:$0x3FAB]  }
0x39: {  	_ = 	snop;
	(pc) =	sbr.ind lr, $3  }
0x3a: {  	_ = 	snop  }
0x3b: {  	_ = 	snop  }
0x3c: {  	p2 =	seq.s32 s10, $0x1;
	s10 =	sld [smem:$0x3FAA]  }
0x3d: {  	_ =	shalt  }
0x3e: {  	_ =	shalt  }
0x3f: {  	_ =	shalt  }
0x40: {  	_ =	shalt  }
0x41: {  	_ =	shalt  }
0x42: {  	_ =	shalt  }
0x43: {  	_ =	shalt  }
0x44: {  	_ =	shalt  }
0x45: {  	_ =	shalt  }
0x46: {  	_ =	shalt  }
0x47: {  	_ =	shalt  }
0x48: {  	_ =	shalt  }
0x49: {  	_ =	shalt  }
0x4a: {  	_ =	shalt  }
0x4b: {  	_ =	shalt  }
0x4c: {  	_ =	shalt  }
0x4d: {  	_ =	shalt  }
0x4e: {  	_ =	shalt  }
0x4f: {  	_ =	shalt  }
0x50: {  	_ =	shalt  }
0x51: {  	_ =	shalt  }
0x52: {  	_ =	shalt  }
0x53: {  	_ =	shalt  }
0x54: {  	_ =	shalt  }
0x55: {  	_ =	shalt  }
0x56: {  	_ =	shalt  }
0x57: {  	_ =	shalt  }
0x58: {  	_ =	shalt  }
0x59: {  	_ =	shalt  }
0x5a: {  	_ =	shalt  }
0x5b: {  	_ =	shalt  }
0x5c: {  	_ =	shalt  }
0x5d: {  	_ =	shalt  }
0x5e: {  	_ =	shalt  }
0x5f: {  	_ =	shalt  }
0x60: {  	_ =	shalt  }
0x61: {  	_ =	shalt  }
0x62: {  	_ =	shalt  }
0x63: {  	_ =	shalt  }
0x64: {  	_ =	shalt  }
0x65: {  	_ =	shalt  }
0x66: {  	_ =	shalt  }
0x67: {  	_ =	shalt  }
0x68: {  	_ =	shalt  }
0x69: {  	_ =	shalt  }
0x6a: {  	_ =	shalt  }
0x6b: {  	_ =	shalt  }
0x6c: {  	_ =	shalt  }
0x6d: {  	_ =	shalt  }
0x6e: {  	_ =	shalt  }
0x6f: {  	_ =	shalt  }
0x70: {  	_ =	shalt  }
0x71: {  	_ =	shalt  }
0x72: {  	_ =	shalt  }
0x73: {  	_ =	shalt  }
0x74: {  	_ =	shalt  }
0x75: {  	_ =	shalt  }
0x76: {  	_ =	shalt  }
0x77: {  	_ =	shalt  }
0x78: {  	_ =	shalt  }
0x79: {  	_ =	shalt  }
0x7a: {  	_ =	shalt  }
0x7b: {  	_ =	shalt  }
0x7c: {  	_ =	shalt  }
0x7d: {  	_ =	shalt  }
0x7e: {  	_ =	shalt  }
0x7f: {  	_ =	shalt  }
0x80: {  	_ =	shalt  }
0x81: {  	_ =	shalt  }
0x82: {  	_ =	shalt  }
0x83: {  	_ =	shalt  }
0x84: {  	_ =	shalt  }
0x85: {  	_ =	shalt  }
0x86: {  	_ =	shalt  }
0x87: {  	_ =	shalt  }
.Lfunc_end0:
.L_simem_size_0:
called_computation.1_lowered:
.L_overlay_start_0:
0x88: {  	s2 =	sld [smem:$0x3FD9]  }
0x89: {  	s3 =	sld [smem:$0x3FFE];
	_ =	sdelay $0x1  }
0x8a: {  	s1 =	srdreg.scid  }
0x8b: {  	s0 =	sand.u32 $0x1, s1  }
0x8c: {  	s17 =	sshll.u32 s0, $0xA;
	s2 =	sadd.s32 s3, s2  }
0x8d: {  	s2 =	sadd.s32 s2, s17  }
0x8e: {  	[smem:$0x3FB6] =	sst s2  }
0x8f: {  	_ = 	snop  }
0x90: {  	(tm) =	ssettm $0x1  }
0x91: {  	s18 =	sld [smem:$0x3FFB];
	_ =	sdelay $0x3  }
0x92: {  	_ =	strace s18  }
0x93: {  	s2 =	sld [smem:$0x3FFC];
	_ =	sdelay $0x3  }
0x94: {  	_ =	strace s2  }
0x95: {  	s2 =	sld [smem:$0x3FFD];
	_ =	sdelay $0x3  }
0x96: {  	_ =	strace s2  }
0x97: {  	_ =	strace $0x8FFFFFFF  }
0x98: {  	s19 =	sld [smem:$0x3FDB];
	_ =	sdelay $0x1  }
0x99: {  	s20 =	simm.s32 $_scs_section_size  }
0x9a: {  	s4 =	simm.s32 $_size__tile_overlayer_lowered;
	s5 =	simm.s32 $_tile_overlayer_lowered  }
0x9b: {  	s6 =	simm.s32 $0x1BFF;
	s21 =	sshll.u32 s5, $0x1;
	s3 =	sadd.s32 s20, s19  }
0x9c: {  	s22 =	simm.s32 $0x0;
	s4 =	sshll.u32 s4, $0x1;
	s5 =	sadd.s32 s21, s3  }
0x9d: {  	[timem:s22], [sflag:s6] =	dma.local [hbm:s5], s4  }
0x9e: {  	_ =	swait.ge [sflag:s6], s4  }
0x9f: {  	s4 =	ssub.s32 $0x0, s4;
	[sflag:s6] =	ssyncset.done $0x0  }
0xa0: {  	[sflag:s6] =	ssyncadd.s32 s4;
	_ =	sdelay $0x1  }
0xa1: {  	s23 =	simm.s32 $0x1B8B  }
0xa2: {  	_ =	swait.ge [sflag:s23], $0x1  }
0xa3: {  	[sflag:s23] =	ssyncset.done $0x0  }
0xa4: {  	[sflag:s23] =	ssyncadd.s32 $0xFFFFFFFF  }
0xa5: {  	s4 =	sld [smem:$0x0]  }
0xa6: {  	s5 =	sand.u32 $0xFFFFFFFE, s1  }
0xa7: {  	p0 =	sne.s32 s1, s5  }
0xa8: {  	s5 =	sshll.u32 @p0 s5, $0xE  }
0xa9: {  	s5 =	sadd.s32 @p0 $0x11B8D, s5;
	s6 =	sshll.u32 @p0 s4, $0x11  }
0xaa: {  	s5 =	sor.u32 @p0 s6, s5  }
0xab: {  	[sflag:s5] =	ssyncadd.remote.s32 @p0 $0x1;
	_ =	sdelay $0x1  }
0xac: {  	s5 =	simm.s32 @p0 $0x1B8D  }
0xad: {  	_ =	swait.eq @p0 [sflag:s5], $0x1  }
0xae: {  	[sflag:s5] =	ssyncadd.s32 @p0 $0xFFFFFFFF  }
0xaf: {  	s6 =	sshll.u32 @!p0 s1, $0xE  }
0xb0: {  	s6 =	sor.u32 @!p0 $0x4000, s6;
	s5 =	simm.s32 @!p0 $0x1B8D  }
0xb1: {  	s4 =	sshll.u32 @!p0 s4, $0x11;
	s6 =	sadd.s32 @!p0 $0x11B8D, s6;
	_ =	swait.eq @!p0 [sflag:s5], $0x1  }
0xb2: {  	s4 =	sor.u32 @!p0 s4, s6;
	[sflag:s5] =	ssyncadd.s32 @!p0 $0xFFFFFFFF  }
0xb3: {  	s25 =	simm.s32 $0x1B8E;
	s24 =	sld [smem:$0x3FFE];
	[sflag:s4] =	ssyncadd.remote.s32 @!p0 $0x1  }
0xb4: {  	s26 =	simm.s32 $execute0_lowered;
	[smem:$0x3FD2] =	sst s25  }
0xb5: {  	s5 =	sshll.u32 s26, $0x1;
	_ =	strace $0x80000058;
	[dreg:$0x1] =	wrdreg $0xFFFFFFFF  }
0xb6: {  	s28 =	simm.s32 $_size_execute0_lowered;
	s3 =	sadd.s32 s3, s5;
	[dreg:$0x0] =	wrdreg $0x0  }
0xb7: {  	s5 =	sshll.u32 s28, $0x1;
	[dreg:$0x2] =	wrdreg s3  }
0xb8: {  	[dreg:$0x3] =	wrdreg s5  }
0xb9: {  	[dreg:$0x4] =	wrdreg $0xC0  }
0xba: {  	_ =	task [dreg:s22], $0x5FFFF  }
0xbb: {  	[dreg:$0x1] =	wrdreg $0xFFFFFFFF  }
0xbc: {  	[dreg:$0x0] =	wrdreg $0x60  }
0xbd: {  	[dreg:$0x2] =	wrdreg s24  }
0xbe: {  	[dreg:$0x3] =	wrdreg $0xA  }
0xbf: {  	_ =	task.clear_ibuf [dreg:s22], $0x4FFFF;
	_ =	strace $0x90000058  }
0xc0: {  	s29 =	simm.s32 $0xA;
	_ =	strace $0x8000005A  }
0xc1: {  	_ =	swait.ge [sflag:s29], $0x1  }
0xc2: {  	[sflag:s29] =	ssyncadd.s32 $0xFFFFFFFF  }
0xc3: {  	_ =	strace $0x9000005A  }
0xc4: {  	_ =	sfence  }
0xc5: {  	s30 =	sld [smem:$0x0];
	_ =	sdelay $0x2  }
0xc6: {  	s31 =	sshll.u32 s1, $0xD;
	s1 =	sshrl.u32 s1, $0x2  }
0xc7: {  	s4 =	sand.u32 $0x4000, s31;
	s1 =	sadd.s32 s1, s30  }
0xc8: {  	s0 =	sor.u32 s4, s0;
	s1 =	sshll.u32 s1, $0x11  }
0xc9: {  	s0 =	sor.u32 s1, s0  }
0xca: {  	s0 =	sadd.s32 $0x8F2B, s0  }
0xcb: {  	[sflag:s0] =	ssyncadd.remote.s32 $0x1  }
0xcc: {  	_ =	sfence.sel $0xFFFF  }
0xcd: {  	[dreg:$0x0] =	wrdreg $0xFFFFFFFF;
	(pc) =	sbr.abs _section_cstart, $3  }
0xce: {  	[dreg:$0x1] =	wrdreg $0xFFFFFFFF  }
0xcf: {  	_ =	task.clear_ibuf [dreg:s22], $0x2FFFF;
	_ =	strace $0x9FFFFFFF  }
0xd0: {  	(tm) =	ssettm $0x7FFFFFFF  }
0xd1: {  	_ =	shalt  }
tec
execute0_lowered:
.L_overlay_start_1:
0x0: {  	(tag) =	ssettag $0x1  }
0x1: {  	s7 =	rddreg [dreg:$0x0]  }
0x2: {  	s1 =	srdreg.scid;
	s0 =	rddreg [dreg:$0x1]  }
0x3: {  	_ =	strace $0x80000059;
	s3 =	simm.s32 $0x1;
	s5 =	simm.s32 $0x2  }
0x4: {  	s9 =	simm.s32 $0x3;
	s12 =	simm.s32 $0x0;
	s2 =	sshll.u32 s1, $0x4  }
.Ltmp0:
0x5: {  	s1 =	stileid.u32;
	s4 =	sand.u32 $0x10, s2;
	(pc) =	sbr.rel .LBB2_1-.Ltmp0, $4  }
0x6: {  	s10 =	simm.s32 $0x0;
	[sflag:s3] =	ssyncpa.u1 $0x0;
	s4 =	sor.u32 s1, s4  }
0x7: {  	s6 =	sadd.s32 $0xC1A00, s7;
	[sflag:s5] =	ssyncpa.u1 $0x0;
	s4 =	smul.u32 $0x30, s4  }
0x8: {  	s2 =	sadd.s32 $0x62C00, s7;
	s7 =	sadd.s32 $0x89E00, s7;
	[sflag:s9] =	ssyncpa.u1 $0x0  }
0x9: {  	vm0 =	vmmov $0xff;
	vm1 =	vcmask $0x3F20;
	s9 =	simm.s32 $0x30;
	s8 =	sadd.s32 $0x30, s4;
	s11 =	smov.u32 s4  }
.LBB2_10:
0xa: {  	s12 =	sshrl.u32 s11, $0x3  }
0xb: {  	s13 =	sand.u32 $0x7, s11;
	s12 =	sadd.s32 s6, s12  }
0xc: {  	[tilespmem:s9], [sflag:$0x2] =	stream.linear.gather [hbm4b:s12+s13], $0x30, $0x38;
	[tilespmem:$0x3060] =	vst v63  }
.LBB2_8:
0xd: {  	s12 =	sadd.s32 $0x30, s11  }
0xe: {  	s13 =	smov.u32 s4;
	p0 =	slt.s32 s12, s8  }
0xf: {  	s13 =	smov.u32 @p0 s12  }
0x10: {  	s10 =	sadd.s32 $0x1, s10;
	s12 =	smov.u32 s11;
	s11 =	smov.u32 s13  }
.LBB2_1:
0x11: {  	p0 =	seq.s32 s10, $0x0  }
.Ltmp1:
0x12: {  	_ = 	snop;
	(pc) =	sbr.rel @p0 .LBB2_10-.Ltmp1, $1  }
0x13: {  	_ =	sdelay $0x3  }
0x14: {  	p0 =	seq.s32 s10, $0x1  }
.Ltmp2:
0x15: {  	_ = 	snop;
	(pc) =	sbr.rel @!p0 .LBB2_9-.Ltmp2, $1  }
0x16: {  	_ =	sdelay $0x3  }
0x17: {  	_ =	swait.ge [sflag:s5], $0x30  }
0x18: {  	[sflag:s5] =	ssyncset.done $0x0  }
0x19: {  	s13 =	simm.s32 $0x0;
	[sflag:s5] =	ssyncadd.s32 $0xFFFFFFD0  }
0x1a: {  	v0 =	vld.msk [tilespmem:s13+$0x30 ss:$0x1], $0xffff;
	_ =	sdelay $0x4  }
0x1b: {  	vm2 =	vgt.s32 v0, $0x0  }
0x1c: {  	v0 =	vnsel vm2, $0x0, v0  }
0x1d: {  	v0 =	vmin.u32 v0, $0x270F  }
0x1e: {  	v0 =	vshll.u32 v0, $0x4;
	_ =	sdelay $0x2  }
0x1f: {  	s31 =	simm.s32 $0x1860  }
0x20: {  	s15 =	simm.s32 $0x1C60;
	s14 =	simm.s32 $0x2060;
	s13 =	simm.s32 $0x40  }
0x21: {  	[tilespmem:s31], [sflag:$0x1] =	stream.indirect_vreg.gather [hbm:s2], $0x80, v0, vm0, $0x38;
	[tilespmem:$0x3060] =	vst v63  }
.LBB2_4:
0x22: {  	[tilespmem:s15], [sflag:$0x1] =	stream.indirect_vreg.gather [hbm:s2], $0x80, v0, vm1, $0x38;
	[tilespmem:$0x3060] =	vst v63  }
0x23: {  	s15 =	sshra.s32 s13, $0x2;
	p0 =	sne.s32 s13, $0x80;
	s13 =	sadd.s32 $0x40, s13  }
0x24: {  	v0 =	vld.msk [tilespmem:s15+$0x30 ss:$0x1], $0xffff;
	_ =	sdelay $0x5  }
0x25: {  	vm2 =	vgt.s32 v0, $0x0  }
0x26: {  	v0 =	vnsel vm2, $0x0, v0  }
0x27: {  	v0 =	vmin.u32 v0, $0x270F  }
0x28: {  	v0 =	vshll.u32 v0, $0x4;
	_ =	sdelay $0x1  }
.Ltmp3:
0x29: {  	(pc) =	sbr.rel @p0 .LBB2_4-.Ltmp3, $3  }
0x2a: {  	_ =	sdelay $0x1  }
0x2b: {  	[tilespmem:s14], [sflag:$0x1] =	stream.indirect_vreg.gather [hbm:s2], $0x80, v0, vm0, $0x38;
	[tilespmem:$0x3060] =	vst v63  }
0x2c: {  	s15 =	sadd.s32 $0x400, s14;
	s14 =	sadd.s32 $0x800, s14  }
0x2d: {  	_ =	sdelay $0x3  }
0x2e: {  	[tilespmem:s15], [sflag:$0x1] =	stream.indirect_vreg.gather [hbm:s2], $0x80, v0, vm1, $0x38;
	[tilespmem:$0x3060] =	vst v63  }
0x2f: {  	s12 =	sshll.u32 s12, $0x4;
	s13 =	simm.s32 $0x1860;
	_ =	swait.ge [sflag:s3], $0x1800  }
0x30: {  	s14 =	simm.s32 $0x80;
	s12 =	sadd.s32 s12, s7;
	[sflag:s3] =	ssyncset.done $0x0  }
0x31: {  	s15 =	simm.s32 $0x1C60;
	s16 =	sadd.s32 $0x0, s12;
	[sflag:s3] =	ssyncadd.s32 $0xFFFFE800  }
.LBB2_6:
0x32: {  	[hbm:s16] =	stream.linear.scatter [tilespmem:s13], [sflag:$0x3], $0x400, $0x38;
	[tilespmem:$0x3060] =	vst v63  }
0x33: {  	s16 =	smov.u32 s14;
	s13 =	smov.u32 s15;
	p0 =	seq.s32 s14, $0x280  }
.Ltmp4:
0x34: {  	s14 =	sadd.s32 $0x80, s14;
	(pc) =	sbr.rel @!p0 .LBB2_6-.Ltmp4, $2  }
0x35: {  	_ =	sdelay $0x2  }
0x36: {  	s15 =	sadd.s32 $0x400, s15;
	s16 =	sadd.s32 s16, s12  }
.Ltmp5:
0x37: {  	(pc) =	sbr.rel .LBB2_8-.Ltmp5, $2  }
0x38: {  	_ =	sdelay $0x2  }
0x39: {  	[hbm:s16] =	stream.linear.scatter [tilespmem:s13], [sflag:$0x3], $0x400, $0x38;
	[tilespmem:$0x3060] =	vst v63  }
.LBB2_9:
0x3a: {  	s2 =	simm.s32 $0x3  }
0x3b: {  	_ =	swait.ge [sflag:s2], $0x1800  }
0x3c: {  	[sflag:s2] =	ssyncset.done $0x0  }
0x3d: {  	[sflag:s2] =	ssyncadd.s32 $0xFFFFE800  }
0x3e: {  	_ =	sfence.sel $0x180000  }
0x3f: {  	s3 =	simm.s32 $0x2;
	[bflag:$0x0] =	sbarrier.arrive $0xFFFF  }
0x40: {  	[sflag:s3] =	ssyncpa.u1 $0x1  }
0x41: {  	s31 =	simm.s32 $0x1;
	[sflag:s2] =	ssyncpa.u1 $0x1  }
0x42: {  	[sflag:s31] =	ssyncpa.u1 $0x1  }
0x43: {  	p0 =	sne.s32 s1, $0x0;
	_ =	strace $0x90000059  }
0x44: {  	s0 =	sadd.s32 @!p0 $0x100000, s0;
	[bflag:$0x2] =	sbarrier.arrive $0xFFFF  }
0x45: {  	[sflag:s0] =	ssyncadd.tile.s32 @!p0 $0x1;
	_ =	shalt  }
.Lfunc_end2:
_tile_overlayer_lowered:
.L_overlay_start_2:
0x46: {  	(tag) =	ssettag $0x2  }
0x47: {  	s0 =	rddreg [dreg:$0x0];
	s2 =	stileid.u32  }
0x48: {  	s1 =	rddreg [dreg:$0x1];
	p0 =	sne.s32 s2, $0x0  }
0x49: {  	s3 =	rddreg [dreg:$0x2];
	[bflag:$0x3] =	sbarrier.arrive $0xFFFF;
	s2 =	simm.s32 @!p0 $0x1C01  }
0x4a: {  	[timem:s3], [sflag:s2] =	dma.local @!p0 [hbm:s0], s1  }
0x4b: {  	s0 =	simm.s32 @!p0 $0x1  }
0x4c: {  	_ =	swait.ge @!p0 [sflag:s0], s1  }
0x4d: {  	s1 =	ssub.s32 @!p0 $0x0, s1;
	[sflag:s0] =	ssyncset.done @!p0 $0x0  }
0x4e: {  	[sflag:s0] =	ssyncadd.s32 @!p0 s1  }
0x4f: {  	[bflag:$0x3] =	sbarrier.arrive $0xFFFF  }
0x50: {  	_ =	shalt  }

// kernel: kernel.12.cloned.1.call-start
scs
__scs_entry_jumppad:
0x0: {  	(pc) =	sbr.rel $0x88, $3  }
0x1: {  	(tag) =	ssettag $0x0;
	lr =	simm.s32 $0x1  }
0x2: {  	[smem:$0x3F8F] =	sst lr;
	_ =	strace $0xD0000000  }
0x3: {  	_ = 	snop  }
0x4: {  	_ = 	snop  }
0x5: {  	_ = 	snop  }
0x6: {  	_ = 	snop  }
0x7: {  	_ = 	snop  }
__scs_overlays_trampoline_lowered:
0x8: {  	[smem:$0x3F9E] =	sst s0  }
0x9: {  	[smem:$0x3F9F] =	sst s1  }
0xa: {  	[smem:$0x3FA0] =	sst s2  }
0xb: {  	[smem:$0x3FA1] =	sst s3  }
0xc: {  	[smem:$0x3FA2] =	sst s4  }
0xd: {  	[smem:$0x3FA3] =	sst s5  }
0xe: {  	[smem:$0x3FA4] =	sst s6  }
0xf: {  	[smem:$0x3FA5] =	sst s7  }
0x10: {  	[smem:$0x3FA6] =	sst s8  }
0x11: {  	[smem:$0x3FA7] =	sst s9;
	s0 =	simm.s32 @!p0 $0x0  }
0x12: {  	s1 =	sld [smem:$0x3F8D];
	s0 =	simm.s32 @p0 $0x1  }
0x13: {  	[smem:$0x3FA8] =	sst s0;
	s0 =	simm.s32 @!p1 $0x0  }
0x14: {  	s2 =	sld [smem:$0x3F8C];
	s0 =	simm.s32 @p1 $0x1  }
0x15: {  	[smem:$0x3FA9] =	sst s0;
	s0 =	simm.s32 @!p2 $0x0  }
0x16: {  	s3 =	sld [smem:$0x3FDB];
	s0 =	simm.s32 @p2 $0x1  }
0x17: {  	s4 =	simm.s32 $0x1BF5;
	[smem:$0x3FAB] =	sst s0  }
0x18: {  	s0 =	sld [smem:$0x3F8E];
	_ =	swait.ge [sflag:s4], $0x0  }
0x19: {  	s7 =	sld [smem:$0x3F8F]  }
0x1a: {  	s8 =	sadd.s32 $0xFFFFE003, lr  }
0x1b: {  	s9 =	sadd.s32 $0xFFFFFEF7, lr;
	s5 =	simm.s32 $0xFFFFFFFF;
	p2 =	slt.u32 s8, $0xFFFFF086  }
0x1c: {  	p1 =	slt.u32 s9, $0xF7A;
	s5 =	simm.s32 @!p2 $0x0  }
0x1d: {  	s5 =	simm.s32 @p1 $0x1;
	p0 =	seq.s32 s7, s2  }
0x1e: {  	s7 =	smul.u32 @!p0 $0xF7A, s2;
	p2 =	seq.s32 @!p0 s5, $0x0  }
0x1f: {  	s9 =	smul.u32 $0xF7A, s1;
	s8 =	simm.s32 @!p0 $0x1BF5;
	p2 =	por !p2, p0  }
0x20: {  	[sflag:s8] =	ssyncset.s32 @!p0 $0xFFFFF086;
	s6 =	sadd.s32 @!p0 s3, s7;
	s7 =	simm.s32 @!p0 $0x108  }
0x21: {  	s3 =	sadd.s32 s3, s9;
	s6 =	sadd.s32 @!p0 $0x88, s6;
	s7 =	simm.s32 @p2 $0x1082  }
0x22: {  	[simem:s7], [sflag:s8] =	dma.local @!p0 [hbm:s6], $0xF7A  }
0x23: {  	s9 =	sor.u32 $0xD0000000, s2;
	s6 =	simm.s32 $0x108;
	_ =	swait.ge @!p0 [sflag:s8], $0x0  }
0x24: {  	s3 =	sadd.s32 $0x88, s3;
	s6 =	simm.s32 @!p1 $0x1082;
	[sflag:s4] =	ssyncset.s32 $0xFFFFF086  }
0x25: {  	[simem:s6], [sflag:s4] =	dma.local [hbm:s3], $0xF7A  }
0x26: {  	[smem:$0x3F8F] =	sst s1;
	(tag) =	ssettag s2;
	_ =	strace s9  }
0x27: {  	s1 =	sld [smem:$0x3F9F]  }
0x28: {  	s2 =	sld [smem:$0x3FA0]  }
0x29: {  	s4 =	sld [smem:$0x3FA2]  }
0x2a: {  	p0 =	seq.s32 s5, $0x0;
	s5 =	sld [smem:$0x3FA3]  }
0x2b: {  	s6 =	sld [smem:$0x3FA4]  }
0x2c: {  	s7 =	sld [smem:$0x3FA5]  }
0x2d: {  	s3 =	simm.s32 $0x108;
	s8 =	sld [smem:$0x3FA6]  }
0x2e: {  	s3 =	simm.s32 @!p0 $0x1082;
	s9 =	sld [smem:$0x3FA7]  }
0x2f: {  	lr =	sadd.s32 s0, s3;
	s0 =	sld [smem:$0x3F9E]  }
0x30: {  	s3 =	sld [smem:$0x3FA1]  }
0x31: {  	[smem:$0x3FAA] =	sst s10  }
0x32: {  	s10 =	sld [smem:$0x3FA8];
	_ =	sdelay $0x3  }
0x33: {  	p0 =	seq.s32 s10, $0x1;
	s10 =	sld [smem:$0x3FAA];
	_ =	sdelay $0x3  }
0x34: {  	[smem:$0x3FAA] =	sst s10  }
0x35: {  	s10 =	sld [smem:$0x3FA9];
	_ =	sdelay $0x3  }
0x36: {  	p1 =	seq.s32 s10, $0x1;
	s10 =	sld [smem:$0x3FAA];
	_ =	sdelay $0x3  }
0x37: {  	[smem:$0x3FAA] =	sst s10  }
0x38: {  	s10 =	sld [smem:$0x3FAB]  }
0x39: {  	_ = 	snop;
	(pc) =	sbr.ind lr, $3  }
0x3a: {  	_ = 	snop  }
0x3b: {  	_ = 	snop  }
0x3c: {  	p2 =	seq.s32 s10, $0x1;
	s10 =	sld [smem:$0x3FAA]  }
0x3d: {  	_ =	shalt  }
0x3e: {  	_ =	shalt  }
0x3f: {  	_ =	shalt  }
0x40: {  	_ =	shalt  }
0x41: {  	_ =	shalt  }
0x42: {  	_ =	shalt  }
0x43: {  	_ =	shalt  }
0x44: {  	_ =	shalt  }
0x45: {  	_ =	shalt  }
0x46: {  	_ =	shalt  }
0x47: {  	_ =	shalt  }
0x48: {  	_ =	shalt  }
0x49: {  	_ =	shalt  }
0x4a: {  	_ =	shalt  }
0x4b: {  	_ =	shalt  }
0x4c: {  	_ =	shalt  }
0x4d: {  	_ =	shalt  }
0x4e: {  	_ =	shalt  }
0x4f: {  	_ =	shalt  }
0x50: {  	_ =	shalt  }
0x51: {  	_ =	shalt  }
0x52: {  	_ =	shalt  }
0x53: {  	_ =	shalt  }
0x54: {  	_ =	shalt  }
0x55: {  	_ =	shalt  }
0x56: {  	_ =	shalt  }
0x57: {  	_ =	shalt  }
0x58: {  	_ =	shalt  }
0x59: {  	_ =	shalt  }
0x5a: {  	_ =	shalt  }
0x5b: {  	_ =	shalt  }
0x5c: {  	_ =	shalt  }
0x5d: {  	_ =	shalt  }
0x5e: {  	_ =	shalt  }
0x5f: {  	_ =	shalt  }
0x60: {  	_ =	shalt  }
0x61: {  	_ =	shalt  }
0x62: {  	_ =	shalt  }
0x63: {  	_ =	shalt  }
0x64: {  	_ =	shalt  }
0x65: {  	_ =	shalt  }
0x66: {  	_ =	shalt  }
0x67: {  	_ =	shalt  }
0x68: {  	_ =	shalt  }
0x69: {  	_ =	shalt  }
0x6a: {  	_ =	shalt  }
0x6b: {  	_ =	shalt  }
0x6c: {  	_ =	shalt  }
0x6d: {  	_ =	shalt  }
0x6e: {  	_ =	shalt  }
0x6f: {  	_ =	shalt  }
0x70: {  	_ =	shalt  }
0x71: {  	_ =	shalt  }
0x72: {  	_ =	shalt  }
0x73: {  	_ =	shalt  }
0x74: {  	_ =	shalt  }
0x75: {  	_ =	shalt  }
0x76: {  	_ =	shalt  }
0x77: {  	_ =	shalt  }
0x78: {  	_ =	shalt  }
0x79: {  	_ =	shalt  }
0x7a: {  	_ =	shalt  }
0x7b: {  	_ =	shalt  }
0x7c: {  	_ =	shalt  }
0x7d: {  	_ =	shalt  }
0x7e: {  	_ =	shalt  }
0x7f: {  	_ =	shalt  }
0x80: {  	_ =	shalt  }
0x81: {  	_ =	shalt  }
0x82: {  	_ =	shalt  }
0x83: {  	_ =	shalt  }
0x84: {  	_ =	shalt  }
0x85: {  	_ =	shalt  }
0x86: {  	_ =	shalt  }
0x87: {  	_ =	shalt  }
.Lfunc_end0:
.L_simem_size_0:
called_computation.7_lowered:
.L_overlay_start_0:
0x88: {  	s2 =	sld [smem:$0x3FD9]  }
0x89: {  	s3 =	sld [smem:$0x3FFE];
	_ =	sdelay $0x1  }
0x8a: {  	s1 =	srdreg.scid  }
0x8b: {  	s0 =	sand.u32 $0x1, s1  }
0x8c: {  	s17 =	sshll.u32 s0, $0xA;
	s2 =	sadd.s32 s3, s2  }
0x8d: {  	s2 =	sadd.s32 s2, s17  }
0x8e: {  	[smem:$0x3FB6] =	sst s2  }
0x8f: {  	_ = 	snop  }
0x90: {  	(tm) =	ssettm $0x1  }
0x91: {  	s18 =	sld [smem:$0x3FFB];
	_ =	sdelay $0x3  }
0x92: {  	_ =	strace s18  }
0x93: {  	s2 =	sld [smem:$0x3FFC];
	_ =	sdelay $0x3  }
0x94: {  	_ =	strace s2  }
0x95: {  	s2 =	sld [smem:$0x3FFD];
	_ =	sdelay $0x3  }
0x96: {  	_ =	strace s2  }
0x97: {  	_ =	strace $0x8FFFFFFF  }
0x98: {  	s19 =	sld [smem:$0x3FDB];
	_ =	sdelay $0x1  }
0x99: {  	s20 =	simm.s32 $_scs_section_size  }
0x9a: {  	s4 =	simm.s32 $_size__tile_overlayer_lowered;
	s5 =	simm.s32 $_tile_overlayer_lowered  }
0x9b: {  	s6 =	simm.s32 $0x1BFF;
	s21 =	sshll.u32 s5, $0x1;
	s3 =	sadd.s32 s20, s19  }
0x9c: {  	s22 =	simm.s32 $0x0;
	s4 =	sshll.u32 s4, $0x1;
	s5 =	sadd.s32 s21, s3  }
0x9d: {  	[timem:s22], [sflag:s6] =	dma.local [hbm:s5], s4  }
0x9e: {  	_ =	swait.ge [sflag:s6], s4  }
0x9f: {  	s4 =	ssub.s32 $0x0, s4;
	[sflag:s6] =	ssyncset.done $0x0  }
0xa0: {  	[sflag:s6] =	ssyncadd.s32 s4;
	_ =	sdelay $0x1  }
0xa1: {  	s23 =	simm.s32 $0x1B8B  }
0xa2: {  	_ =	swait.ge [sflag:s23], $0x1  }
0xa3: {  	[sflag:s23] =	ssyncset.done $0x0  }
0xa4: {  	[sflag:s23] =	ssyncadd.s32 $0xFFFFFFFF  }
0xa5: {  	s4 =	sld [smem:$0x0]  }
0xa6: {  	s5 =	sand.u32 $0xFFFFFFFE, s1  }
0xa7: {  	p0 =	sne.s32 s1, s5  }
0xa8: {  	s5 =	sshll.u32 @p0 s5, $0xE  }
0xa9: {  	s5 =	sadd.s32 @p0 $0x11B8D, s5;
	s6 =	sshll.u32 @p0 s4, $0x11  }
0xaa: {  	s5 =	sor.u32 @p0 s6, s5  }
0xab: {  	[sflag:s5] =	ssyncadd.remote.s32 @p0 $0x1;
	_ =	sdelay $0x1  }
0xac: {  	s5 =	simm.s32 @p0 $0x1B8D  }
0xad: {  	_ =	swait.eq @p0 [sflag:s5], $0x1  }
0xae: {  	[sflag:s5] =	ssyncadd.s32 @p0 $0xFFFFFFFF  }
0xaf: {  	s6 =	sshll.u32 @!p0 s1, $0xE  }
0xb0: {  	s6 =	sor.u32 @!p0 $0x4000, s6;
	s5 =	simm.s32 @!p0 $0x1B8D  }
0xb1: {  	s4 =	sshll.u32 @!p0 s4, $0x11;
	s6 =	sadd.s32 @!p0 $0x11B8D, s6;
	_ =	swait.eq @!p0 [sflag:s5], $0x1  }
0xb2: {  	s4 =	sor.u32 @!p0 s4, s6;
	[sflag:s5] =	ssyncadd.s32 @!p0 $0xFFFFFFFF  }
0xb3: {  	s25 =	simm.s32 $0x1B8E;
	s24 =	sld [smem:$0x3FFE];
	[sflag:s4] =	ssyncadd.remote.s32 @!p0 $0x1  }
0xb4: {  	s26 =	simm.s32 $execute0_lowered;
	[smem:$0x3FD2] =	sst s25  }
0xb5: {  	s5 =	sshll.u32 s26, $0x1;
	_ =	strace $0x8000005B;
	[dreg:$0x1] =	wrdreg $0xFFFFFFFF  }
0xb6: {  	s28 =	simm.s32 $_size_execute0_lowered;
	s3 =	sadd.s32 s3, s5;
	[dreg:$0x0] =	wrdreg $0x0  }
0xb7: {  	s5 =	sshll.u32 s28, $0x1;
	[dreg:$0x2] =	wrdreg s3  }
0xb8: {  	[dreg:$0x3] =	wrdreg s5  }
0xb9: {  	[dreg:$0x4] =	wrdreg $0xC0  }
0xba: {  	_ =	task [dreg:s22], $0x5FFFF  }
0xbb: {  	[dreg:$0x1] =	wrdreg $0xFFFFFFFF  }
0xbc: {  	[dreg:$0x0] =	wrdreg $0x60  }
0xbd: {  	[dreg:$0x2] =	wrdreg s24  }
0xbe: {  	[dreg:$0x3] =	wrdreg $0xC  }
0xbf: {  	_ =	task.clear_ibuf [dreg:s22], $0x4FFFF;
	_ =	strace $0x9000005B  }
0xc0: {  	s29 =	simm.s32 $0xC;
	_ =	strace $0x8000005D  }
0xc1: {  	_ =	swait.ge [sflag:s29], $0x1  }
0xc2: {  	[sflag:s29] =	ssyncadd.s32 $0xFFFFFFFF  }
0xc3: {  	_ =	strace $0x9000005D  }
0xc4: {  	_ =	sfence  }
0xc5: {  	s30 =	sld [smem:$0x0];
	_ =	sdelay $0x2  }
0xc6: {  	s31 =	sshll.u32 s1, $0xD;
	s1 =	sshrl.u32 s1, $0x2  }
0xc7: {  	s4 =	sand.u32 $0x4000, s31;
	s1 =	sadd.s32 s1, s30  }
0xc8: {  	s0 =	sor.u32 s4, s0;
	s1 =	sshll.u32 s1, $0x11  }
0xc9: {  	s0 =	sor.u32 s1, s0  }
0xca: {  	s0 =	sadd.s32 $0x8F2B, s0  }
0xcb: {  	[sflag:s0] =	ssyncadd.remote.s32 $0x1  }
0xcc: {  	_ =	sfence.sel $0xFFFF  }
0xcd: {  	[dreg:$0x0] =	wrdreg $0xFFFFFFFF;
	(pc) =	sbr.abs _section_cstart, $3  }
0xce: {  	[dreg:$0x1] =	wrdreg $0xFFFFFFFF  }
0xcf: {  	_ =	task.clear_ibuf [dreg:s22], $0x2FFFF;
	_ =	strace $0x9FFFFFFF  }
0xd0: {  	(tm) =	ssettm $0x7FFFFFFF  }
0xd1: {  	_ =	shalt  }
tec
execute0_lowered:
.L_overlay_start_1:
0x0: {  	(tag) =	ssettag $0x1  }
0x1: {  	s4 =	rddreg [dreg:$0x0]  }
0x2: {  	s0 =	rddreg [dreg:$0x1]  }
0x3: {  	s1 =	simm.s32 $0x0;
	s2 =	srdreg.scid;
	s11 =	simm.s32 $0x80  }
0x4: {  	s12 =	simm.s32 $0x200;
	s13 =	simm.s32 $0x8200;
	s14 =	simm.s32 $0x4200  }
0x5: {  	s15 =	simm.s32 $0x180;
	s16 =	simm.s32 $0xC200;
	s3 =	sand.u32 $0x1, s2  }
0x6: {  	s17 =	simm.s32 $0x1;
	[smem:$0x7FF] =	sst s1;
	s5 =	smul.u32 $0xC00, s3  }
0x7: {  	s18 =	simm.s32 $0x0;
	s2 =	stileid.u32;
	s6 =	smul.u32 $0x60000, s3  }
0x8: {  	_ =	strace $0x8000005C;
	s7 =	ssub.s32 $0x2, s3;
	s9 =	smul.u32 $0x6000, s2  }
0x9: {  	s3 =	sadd.s32 $0x14A00, s4;
	s31 =	smul.u32 $0xC0, s2;
	s8 =	sshrl.u32 s7, $0x1  }
0xa: {  	s6 =	sadd.s32 s6, s4;
	s7 =	ssub.s32 s7, s8;
	s10 =	sadd.s32 s5, s4  }
0xb: {  	s4 =	smax.u32 s7, $0x1;
	s6 =	sadd.s32 s9, s6;
	s8 =	sadd.s32 s31, s10  }
0xc: {  	s9 =	simm.s32 $0x2;
	s10 =	simm.s32 $0x100;
	s5 =	sadd.s32 $0x183400, s6  }
0xd: {  	s6 =	sadd.s32 $0xC3400, s6;
	s7 =	sadd.s32 $0xC1C00, s8;
	s8 =	sadd.s32 $0x8FE00, s8  }
.LBB2_1:
0xe: {  	s19 =	sadd.s32 $0x0, s7  }
0xf: {  	[tilespmem:s1], [sflag:$0x2] =	stream.linear.gather [hbm4b:s19+s1], $0x100, $0x38;
	[tilespmem:$0x10200] =	vst v63  }
0x10: {  	_ =	swait.ge [sflag:s9], $0x100  }
0x11: {  	[sflag:s9] =	ssyncset.done $0x0  }
0x12: {  	s31 =	sadd.s32 $0x0, s8;
	[sflag:s9] =	ssyncadd.s32 $0xFFFFFF00  }
0x13: {  	[tilespmem:s10], [sflag:$0x2] =	stream.linear.gather [hbm4b:s31+s1], $0x100, $0x38;
	[tilespmem:$0x10200] =	vst v63  }
0x14: {  	_ =	swait.ge [sflag:s9], $0x100  }
0x15: {  	[sflag:s9] =	ssyncset.done $0x0  }
0x16: {  	[sflag:s9] =	ssyncadd.s32 $0xFFFFFF00  }
0x17: {  	[tilespmem:s12], [sflag:$0x1] =	stream.indirect.gather [hbm4b:s3+s11], $0x80, s1, s11, $0xb8;
	[tilespmem:$0x10200] =	vst v63  }
0x18: {  	_ = 	snop  }
0x19: {  	[tilespmem:s13], [sflag:$0x1] =	stream.indirect.gather [hbm4b:s3+s11], $0x80, s10, s11, $0xb8;
	[tilespmem:$0x10200] =	vst v63  }
0x1a: {  	_ = 	snop  }
0x1b: {  	[tilespmem:s14], [sflag:$0x1] =	stream.indirect.gather [hbm4b:s3+s11], $0x80, s11, s11, $0xb8;
	[tilespmem:$0x10200] =	vst v63  }
0x1c: {  	_ = 	snop  }
0x1d: {  	[tilespmem:s16], [sflag:$0x1] =	stream.indirect.gather [hbm4b:s3+s11], $0x80, s15, s11, $0xb8;
	[tilespmem:$0x10200] =	vst v63  }
0x1e: {  	_ =	swait.ge [sflag:s17], $0x4000  }
0x1f: {  	[sflag:s17] =	ssyncset.done $0x0  }
0x20: {  	[sflag:s17] =	ssyncadd.s32 $0xFFFFC000  }
0x21: {  	_ =	swait.ge [sflag:s17], $0x4000  }
0x22: {  	[sflag:s17] =	ssyncset.done $0x0  }
0x23: {  	[sflag:s17] =	ssyncadd.s32 $0xFFFFC000  }
0x24: {  	_ =	swait.ge [sflag:s17], $0x4000  }
0x25: {  	[sflag:s17] =	ssyncset.done $0x0  }
0x26: {  	[sflag:s17] =	ssyncadd.s32 $0xFFFFC000  }
0x27: {  	_ =	swait.ge [sflag:s17], $0x4000  }
0x28: {  	[sflag:s17] =	ssyncset.done $0x0  }
0x29: {  	[sflag:s17] =	ssyncadd.s32 $0xFFFFC000  }
0x2a: {  	[hbm4b:s6+s1] =	stream.linear.scatter [tilespmem:s12], [sflag:$0x2], $0x8000, $0x38;
	[tilespmem:$0x10200] =	vst v63  }
0x2b: {  	_ =	swait.ge [sflag:s9], $0x8000  }
0x2c: {  	[sflag:s9] =	ssyncset.done $0x0  }
0x2d: {  	[sflag:s9] =	ssyncadd.s32 $0xFFFF8000  }
0x2e: {  	[hbm4b:s5+s1] =	stream.linear.scatter [tilespmem:s13], [sflag:$0x2], $0x8000, $0x38;
	[tilespmem:$0x10200] =	vst v63  }
0x2f: {  	s21 =	simm.s32 $0x20;
	s23 =	simm.s32 $0x40;
	_ =	swait.ge [sflag:s9], $0x8000  }
0x30: {  	s20 =	sadd.s32 $0x1000, s6;
	s19 =	sadd.s32 $0x1000, s5;
	[sflag:s9] =	ssyncset.done $0x0  }
.LBB2_2:
0x31: {  	s24 =	sadd.s32 s21, s7  }
0x32: {  	[sflag:s9] =	ssyncadd.s32 $0xFFFF8000;
	s25 =	smov.u32 s23;
	s22 =	sadd.s32 $0x20, s23  }
0x33: {  	[tilespmem:s1], [sflag:$0x2] =	stream.linear.gather [hbm4b:s24+s1], $0x100, $0x38;
	[tilespmem:$0x10200] =	vst v63  }
0x34: {  	p0 =	sne.s32 s23, $0xA0;
	_ =	swait.ge [sflag:s9], $0x100  }
0x35: {  	[sflag:s9] =	ssyncset.done $0x0  }
0x36: {  	s23 =	sadd.s32 s21, s8;
	s21 =	smov.u32 s25;
	[sflag:s9] =	ssyncadd.s32 $0xFFFFFF00  }
0x37: {  	[tilespmem:s10], [sflag:$0x2] =	stream.linear.gather [hbm4b:s23+s1], $0x100, $0x38;
	[tilespmem:$0x10200] =	vst v63  }
0x38: {  	_ =	swait.ge [sflag:s9], $0x100  }
0x39: {  	[sflag:s9] =	ssyncset.done $0x0  }
0x3a: {  	[sflag:s9] =	ssyncadd.s32 $0xFFFFFF00  }
0x3b: {  	[tilespmem:s12], [sflag:$0x1] =	stream.indirect.gather [hbm4b:s3+s11], $0x80, s1, s11, $0xb8;
	[tilespmem:$0x10200] =	vst v63  }
0x3c: {  	_ = 	snop  }
0x3d: {  	[tilespmem:s13], [sflag:$0x1] =	stream.indirect.gather [hbm4b:s3+s11], $0x80, s10, s11, $0xb8;
	[tilespmem:$0x10200] =	vst v63  }
0x3e: {  	_ = 	snop  }
0x3f: {  	[tilespmem:s14], [sflag:$0x1] =	stream.indirect.gather [hbm4b:s3+s11], $0x80, s11, s11, $0xb8;
	[tilespmem:$0x10200] =	vst v63  }
0x40: {  	_ = 	snop  }
0x41: {  	[tilespmem:s16], [sflag:$0x1] =	stream.indirect.gather [hbm4b:s3+s11], $0x80, s15, s11, $0xb8;
	[tilespmem:$0x10200] =	vst v63  }
0x42: {  	_ =	swait.ge [sflag:s17], $0x4000  }
0x43: {  	[sflag:s17] =	ssyncset.done $0x0  }
0x44: {  	[sflag:s17] =	ssyncadd.s32 $0xFFFFC000  }
0x45: {  	_ =	swait.ge [sflag:s17], $0x4000  }
0x46: {  	[sflag:s17] =	ssyncset.done $0x0  }
0x47: {  	[sflag:s17] =	ssyncadd.s32 $0xFFFFC000  }
0x48: {  	_ =	swait.ge [sflag:s17], $0x4000  }
0x49: {  	[sflag:s17] =	ssyncset.done $0x0  }
0x4a: {  	[sflag:s17] =	ssyncadd.s32 $0xFFFFC000  }
0x4b: {  	_ =	swait.ge [sflag:s17], $0x4000  }
0x4c: {  	[sflag:s17] =	ssyncset.done $0x0  }
0x4d: {  	[sflag:s17] =	ssyncadd.s32 $0xFFFFC000  }
0x4e: {  	[hbm4b:s20+s1] =	stream.linear.scatter [tilespmem:s12], [sflag:$0x2], $0x8000, $0x38;
	[tilespmem:$0x10200] =	vst v63  }
0x4f: {  	_ =	swait.ge [sflag:s9], $0x8000  }
.Ltmp0:
0x50: {  	[sflag:s9] =	ssyncset.done $0x0;
	(pc) =	sbr.rel @p0 .LBB2_2-.Ltmp0, $4  }
0x51: {  	[sflag:s9] =	ssyncadd.s32 $0xFFFF8000  }
0x52: {  	[hbm4b:s19+s1] =	stream.linear.scatter [tilespmem:s13], [sflag:$0x2], $0x8000, $0x38;
	[tilespmem:$0x10200] =	vst v63  }
0x53: {  	s23 =	smov.u32 s22;
	_ =	swait.ge [sflag:s9], $0x8000  }
0x54: {  	s20 =	sadd.s32 $0x1000, s20;
	s19 =	sadd.s32 $0x1000, s19;
	[sflag:s9] =	ssyncset.done $0x0  }
0x55: {  	s22 =	sadd.s32 s21, s7;
	[sflag:s9] =	ssyncadd.s32 $0xFFFF8000  }
0x56: {  	[tilespmem:s1], [sflag:$0x2] =	stream.linear.gather [hbm4b:s22+s1], $0x100, $0x38;
	[tilespmem:$0x10200] =	vst v63  }
0x57: {  	_ =	swait.ge [sflag:s9], $0x100  }
0x58: {  	[sflag:s9] =	ssyncset.done $0x0  }
0x59: {  	s31 =	sadd.s32 s21, s8;
	[sflag:s9] =	ssyncadd.s32 $0xFFFFFF00  }
0x5a: {  	[tilespmem:s10], [sflag:$0x2] =	stream.linear.gather [hbm4b:s31+s1], $0x100, $0x38;
	[tilespmem:$0x10200] =	vst v63  }
0x5b: {  	_ =	swait.ge [sflag:s9], $0x100  }
0x5c: {  	[sflag:s9] =	ssyncset.done $0x0  }
0x5d: {  	[sflag:s9] =	ssyncadd.s32 $0xFFFFFF00  }
0x5e: {  	[tilespmem:s12], [sflag:$0x1] =	stream.indirect.gather [hbm4b:s3+s11], $0x80, s1, s11, $0xb8;
	[tilespmem:$0x10200] =	vst v63  }
0x5f: {  	_ = 	snop  }
0x60: {  	[tilespmem:s13], [sflag:$0x1] =	stream.indirect.gather [hbm4b:s3+s11], $0x80, s10, s11, $0xb8;
	[tilespmem:$0x10200] =	vst v63  }
0x61: {  	_ = 	snop  }
0x62: {  	[tilespmem:s14], [sflag:$0x1] =	stream.indirect.gather [hbm4b:s3+s11], $0x80, s11, s11, $0xb8;
	[tilespmem:$0x10200] =	vst v63  }
0x63: {  	_ = 	snop  }
0x64: {  	[tilespmem:s16], [sflag:$0x1] =	stream.indirect.gather [hbm4b:s3+s11], $0x80, s15, s11, $0xb8;
	[tilespmem:$0x10200] =	vst v63  }
0x65: {  	_ =	swait.ge [sflag:s17], $0x4000  }
0x66: {  	[sflag:s17] =	ssyncset.done $0x0  }
0x67: {  	[sflag:s17] =	ssyncadd.s32 $0xFFFFC000  }
0x68: {  	_ =	swait.ge [sflag:s17], $0x4000  }
0x69: {  	[sflag:s17] =	ssyncset.done $0x0  }
0x6a: {  	[sflag:s17] =	ssyncadd.s32 $0xFFFFC000  }
0x6b: {  	_ =	swait.ge [sflag:s17], $0x4000  }
0x6c: {  	[sflag:s17] =	ssyncset.done $0x0  }
0x6d: {  	[sflag:s17] =	ssyncadd.s32 $0xFFFFC000  }
0x6e: {  	_ =	swait.ge [sflag:s17], $0x4000  }
0x6f: {  	[sflag:s17] =	ssyncset.done $0x0  }
0x70: {  	[sflag:s17] =	ssyncadd.s32 $0xFFFFC000  }
0x71: {  	[hbm4b:s20+s1] =	stream.linear.scatter [tilespmem:s12], [sflag:$0x2], $0x8000, $0x38;
	[tilespmem:$0x10200] =	vst v63  }
0x72: {  	s18 =	sadd.s32 $0x1, s18;
	_ =	swait.ge [sflag:s9], $0x8000  }
0x73: {  	p0 =	sne.s32 s18, s4;
	[sflag:s9] =	ssyncset.done $0x0  }
.Ltmp1:
0x74: {  	[sflag:s9] =	ssyncadd.s32 $0xFFFF8000;
	(pc) =	sbr.rel @p0 .LBB2_1-.Ltmp1, $4  }
0x75: {  	[hbm4b:s19+s1] =	stream.linear.scatter [tilespmem:s13], [sflag:$0x2], $0x8000, $0x38;
	[tilespmem:$0x10200] =	vst v63  }
0x76: {  	_ =	swait.ge [sflag:s9], $0x8000  }
0x77: {  	[sflag:s9] =	ssyncset.done $0x0  }
0x78: {  	[sflag:s9] =	ssyncadd.s32 $0xFFFF8000  }
0x79: {  	_ =	sfence.sel $0x180000  }
0x7a: {  	[bflag:$0x0] =	sbarrier.arrive $0xFFFF  }
0x7b: {  	p0 =	sne.s32 s2, $0x0;
	_ =	strace $0x9000005C  }
0x7c: {  	s0 =	sadd.s32 @!p0 $0x100000, s0;
	[bflag:$0x2] =	sbarrier.arrive $0xFFFF  }
0x7d: {  	[sflag:s0] =	ssyncadd.tile.s32 @!p0 $0x1;
	_ =	shalt  }
.Lfunc_end2:
_tile_overlayer_lowered:
.L_overlay_start_2:
0x7e: {  	(tag) =	ssettag $0x2  }
0x7f: {  	s0 =	rddreg [dreg:$0x0];
	s2 =	stileid.u32  }
0x80: {  	s1 =	rddreg [dreg:$0x1];
	p0 =	sne.s32 s2, $0x0  }
0x81: {  	s3 =	rddreg [dreg:$0x2];
	[bflag:$0x3] =	sbarrier.arrive $0xFFFF;
	s2 =	simm.s32 @!p0 $0x1C02  }
0x82: {  	[timem:s3], [sflag:s2] =	dma.local @!p0 [hbm:s0], s1  }
0x83: {  	s0 =	simm.s32 @!p0 $0x2  }
0x84: {  	_ =	swait.ge @!p0 [sflag:s0], s1  }
0x85: {  	s1 =	ssub.s32 @!p0 $0x0, s1;
	[sflag:s0] =	ssyncset.done @!p0 $0x0  }
0x86: {  	[sflag:s0] =	ssyncadd.s32 @!p0 s1  }
0x87: {  	[bflag:$0x3] =	sbarrier.arrive $0xFFFF  }
0x88: {  	_ =	shalt  }

// kernel: kernel.9.cloned.1.call-start
scs
__scs_entry_jumppad:
0x0: {  	(pc) =	sbr.rel $0x88, $3  }
0x1: {  	(tag) =	ssettag $0x0;
	lr =	simm.s32 $0x1  }
0x2: {  	[smem:$0x3F8F] =	sst lr;
	_ =	strace $0xD0000000  }
0x3: {  	_ = 	snop  }
0x4: {  	_ = 	snop  }
0x5: {  	_ = 	snop  }
0x6: {  	_ = 	snop  }
0x7: {  	_ = 	snop  }
__scs_overlays_trampoline_lowered:
0x8: {  	[smem:$0x3F9E] =	sst s0  }
0x9: {  	[smem:$0x3F9F] =	sst s1  }
0xa: {  	[smem:$0x3FA0] =	sst s2  }
0xb: {  	[smem:$0x3FA1] =	sst s3  }
0xc: {  	[smem:$0x3FA2] =	sst s4  }
0xd: {  	[smem:$0x3FA3] =	sst s5  }
0xe: {  	[smem:$0x3FA4] =	sst s6  }
0xf: {  	[smem:$0x3FA5] =	sst s7  }
0x10: {  	[smem:$0x3FA6] =	sst s8  }
0x11: {  	[smem:$0x3FA7] =	sst s9;
	s0 =	simm.s32 @!p0 $0x0  }
0x12: {  	s1 =	sld [smem:$0x3F8D];
	s0 =	simm.s32 @p0 $0x1  }
0x13: {  	[smem:$0x3FA8] =	sst s0;
	s0 =	simm.s32 @!p1 $0x0  }
0x14: {  	s2 =	sld [smem:$0x3F8C];
	s0 =	simm.s32 @p1 $0x1  }
0x15: {  	[smem:$0x3FA9] =	sst s0;
	s0 =	simm.s32 @!p2 $0x0  }
0x16: {  	s3 =	sld [smem:$0x3FDB];
	s0 =	simm.s32 @p2 $0x1  }
0x17: {  	s4 =	simm.s32 $0x1BF5;
	[smem:$0x3FAB] =	sst s0  }
0x18: {  	s0 =	sld [smem:$0x3F8E];
	_ =	swait.ge [sflag:s4], $0x0  }
0x19: {  	s7 =	sld [smem:$0x3F8F]  }
0x1a: {  	s8 =	sadd.s32 $0xFFFFE003, lr  }
0x1b: {  	s9 =	sadd.s32 $0xFFFFFEF7, lr;
	s5 =	simm.s32 $0xFFFFFFFF;
	p2 =	slt.u32 s8, $0xFFFFF086  }
0x1c: {  	p1 =	slt.u32 s9, $0xF7A;
	s5 =	simm.s32 @!p2 $0x0  }
0x1d: {  	s5 =	simm.s32 @p1 $0x1;
	p0 =	seq.s32 s7, s2  }
0x1e: {  	s7 =	smul.u32 @!p0 $0xF7A, s2;
	p2 =	seq.s32 @!p0 s5, $0x0  }
0x1f: {  	s9 =	smul.u32 $0xF7A, s1;
	s8 =	simm.s32 @!p0 $0x1BF5;
	p2 =	por !p2, p0  }
0x20: {  	[sflag:s8] =	ssyncset.s32 @!p0 $0xFFFFF086;
	s6 =	sadd.s32 @!p0 s3, s7;
	s7 =	simm.s32 @!p0 $0x108  }
0x21: {  	s3 =	sadd.s32 s3, s9;
	s6 =	sadd.s32 @!p0 $0x88, s6;
	s7 =	simm.s32 @p2 $0x1082  }
0x22: {  	[simem:s7], [sflag:s8] =	dma.local @!p0 [hbm:s6], $0xF7A  }
0x23: {  	s9 =	sor.u32 $0xD0000000, s2;
	s6 =	simm.s32 $0x108;
	_ =	swait.ge @!p0 [sflag:s8], $0x0  }
0x24: {  	s3 =	sadd.s32 $0x88, s3;
	s6 =	simm.s32 @!p1 $0x1082;
	[sflag:s4] =	ssyncset.s32 $0xFFFFF086  }
0x25: {  	[simem:s6], [sflag:s4] =	dma.local [hbm:s3], $0xF7A  }
0x26: {  	[smem:$0x3F8F] =	sst s1;
	(tag) =	ssettag s2;
	_ =	strace s9  }
0x27: {  	s1 =	sld [smem:$0x3F9F]  }
0x28: {  	s2 =	sld [smem:$0x3FA0]  }
0x29: {  	s4 =	sld [smem:$0x3FA2]  }
0x2a: {  	p0 =	seq.s32 s5, $0x0;
	s5 =	sld [smem:$0x3FA3]  }
0x2b: {  	s6 =	sld [smem:$0x3FA4]  }
0x2c: {  	s7 =	sld [smem:$0x3FA5]  }
0x2d: {  	s3 =	simm.s32 $0x108;
	s8 =	sld [smem:$0x3FA6]  }
0x2e: {  	s3 =	simm.s32 @!p0 $0x1082;
	s9 =	sld [smem:$0x3FA7]  }
0x2f: {  	lr =	sadd.s32 s0, s3;
	s0 =	sld [smem:$0x3F9E]  }
0x30: {  	s3 =	sld [smem:$0x3FA1]  }
0x31: {  	[smem:$0x3FAA] =	sst s10  }
0x32: {  	s10 =	sld [smem:$0x3FA8];
	_ =	sdelay $0x3  }
0x33: {  	p0 =	seq.s32 s10, $0x1;
	s10 =	sld [smem:$0x3FAA];
	_ =	sdelay $0x3  }
0x34: {  	[smem:$0x3FAA] =	sst s10  }
0x35: {  	s10 =	sld [smem:$0x3FA9];
	_ =	sdelay $0x3  }
0x36: {  	p1 =	seq.s32 s10, $0x1;
	s10 =	sld [smem:$0x3FAA];
	_ =	sdelay $0x3  }
0x37: {  	[smem:$0x3FAA] =	sst s10  }
0x38: {  	s10 =	sld [smem:$0x3FAB]  }
0x39: {  	_ = 	snop;
	(pc) =	sbr.ind lr, $3  }
0x3a: {  	_ = 	snop  }
0x3b: {  	_ = 	snop  }
0x3c: {  	p2 =	seq.s32 s10, $0x1;
	s10 =	sld [smem:$0x3FAA]  }
0x3d: {  	_ =	shalt  }
0x3e: {  	_ =	shalt  }
0x3f: {  	_ =	shalt  }
0x40: {  	_ =	shalt  }
0x41: {  	_ =	shalt  }
0x42: {  	_ =	shalt  }
0x43: {  	_ =	shalt  }
0x44: {  	_ =	shalt  }
0x45: {  	_ =	shalt  }
0x46: {  	_ =	shalt  }
0x47: {  	_ =	shalt  }
0x48: {  	_ =	shalt  }
0x49: {  	_ =	shalt  }
0x4a: {  	_ =	shalt  }
0x4b: {  	_ =	shalt  }
0x4c: {  	_ =	shalt  }
0x4d: {  	_ =	shalt  }
0x4e: {  	_ =	shalt  }
0x4f: {  	_ =	shalt  }
0x50: {  	_ =	shalt  }
0x51: {  	_ =	shalt  }
0x52: {  	_ =	shalt  }
0x53: {  	_ =	shalt  }
0x54: {  	_ =	shalt  }
0x55: {  	_ =	shalt  }
0x56: {  	_ =	shalt  }
0x57: {  	_ =	shalt  }
0x58: {  	_ =	shalt  }
0x59: {  	_ =	shalt  }
0x5a: {  	_ =	shalt  }
0x5b: {  	_ =	shalt  }
0x5c: {  	_ =	shalt  }
0x5d: {  	_ =	shalt  }
0x5e: {  	_ =	shalt  }
0x5f: {  	_ =	shalt  }
0x60: {  	_ =	shalt  }
0x61: {  	_ =	shalt  }
0x62: {  	_ =	shalt  }
0x63: {  	_ =	shalt  }
0x64: {  	_ =	shalt  }
0x65: {  	_ =	shalt  }
0x66: {  	_ =	shalt  }
0x67: {  	_ =	shalt  }
0x68: {  	_ =	shalt  }
0x69: {  	_ =	shalt  }
0x6a: {  	_ =	shalt  }
0x6b: {  	_ =	shalt  }
0x6c: {  	_ =	shalt  }
0x6d: {  	_ =	shalt  }
0x6e: {  	_ =	shalt  }
0x6f: {  	_ =	shalt  }
0x70: {  	_ =	shalt  }
0x71: {  	_ =	shalt  }
0x72: {  	_ =	shalt  }
0x73: {  	_ =	shalt  }
0x74: {  	_ =	shalt  }
0x75: {  	_ =	shalt  }
0x76: {  	_ =	shalt  }
0x77: {  	_ =	shalt  }
0x78: {  	_ =	shalt  }
0x79: {  	_ =	shalt  }
0x7a: {  	_ =	shalt  }
0x7b: {  	_ =	shalt  }
0x7c: {  	_ =	shalt  }
0x7d: {  	_ =	shalt  }
0x7e: {  	_ =	shalt  }
0x7f: {  	_ =	shalt  }
0x80: {  	_ =	shalt  }
0x81: {  	_ =	shalt  }
0x82: {  	_ =	shalt  }
0x83: {  	_ =	shalt  }
0x84: {  	_ =	shalt  }
0x85: {  	_ =	shalt  }
0x86: {  	_ =	shalt  }
0x87: {  	_ =	shalt  }
.Lfunc_end0:
.L_simem_size_0:
called_computation.6_lowered:
.L_overlay_start_0:
0x88: {  	s2 =	sld [smem:$0x3FD9]  }
0x89: {  	s3 =	sld [smem:$0x3FFE];
	_ =	sdelay $0x1  }
0x8a: {  	s1 =	srdreg.scid  }
0x8b: {  	s0 =	sand.u32 $0x1, s1  }
0x8c: {  	s17 =	sshll.u32 s0, $0xA;
	s2 =	sadd.s32 s3, s2  }
0x8d: {  	s2 =	sadd.s32 s2, s17  }
0x8e: {  	[smem:$0x3FB6] =	sst s2  }
0x8f: {  	_ = 	snop  }
0x90: {  	(tm) =	ssettm $0x1  }
0x91: {  	s18 =	sld [smem:$0x3FFB];
	_ =	sdelay $0x3  }
0x92: {  	_ =	strace s18  }
0x93: {  	s2 =	sld [smem:$0x3FFC];
	_ =	sdelay $0x3  }
0x94: {  	_ =	strace s2  }
0x95: {  	s2 =	sld [smem:$0x3FFD];
	_ =	sdelay $0x3  }
0x96: {  	_ =	strace s2  }
0x97: {  	_ =	strace $0x8FFFFFFF  }
0x98: {  	s19 =	sld [smem:$0x3FDB];
	_ =	sdelay $0x1  }
0x99: {  	s20 =	simm.s32 $_scs_section_size  }
0x9a: {  	s4 =	simm.s32 $_size__tile_overlayer_lowered;
	s5 =	simm.s32 $_tile_overlayer_lowered  }
0x9b: {  	s6 =	simm.s32 $0x1BFF;
	s21 =	sshll.u32 s5, $0x1;
	s3 =	sadd.s32 s20, s19  }
0x9c: {  	s22 =	simm.s32 $0x0;
	s4 =	sshll.u32 s4, $0x1;
	s5 =	sadd.s32 s21, s3  }
0x9d: {  	[timem:s22], [sflag:s6] =	dma.local [hbm:s5], s4  }
0x9e: {  	_ =	swait.ge [sflag:s6], s4  }
0x9f: {  	s4 =	ssub.s32 $0x0, s4;
	[sflag:s6] =	ssyncset.done $0x0  }
0xa0: {  	[sflag:s6] =	ssyncadd.s32 s4;
	_ =	sdelay $0x1  }
0xa1: {  	s23 =	simm.s32 $0x1B8B  }
0xa2: {  	_ =	swait.ge [sflag:s23], $0x1  }
0xa3: {  	[sflag:s23] =	ssyncset.done $0x0  }
0xa4: {  	[sflag:s23] =	ssyncadd.s32 $0xFFFFFFFF  }
0xa5: {  	s4 =	sld [smem:$0x0]  }
0xa6: {  	s5 =	sand.u32 $0xFFFFFFFE, s1  }
0xa7: {  	p0 =	sne.s32 s1, s5  }
0xa8: {  	s5 =	sshll.u32 @p0 s5, $0xE  }
0xa9: {  	s5 =	sadd.s32 @p0 $0x11B8D, s5;
	s6 =	sshll.u32 @p0 s4, $0x11  }
0xaa: {  	s5 =	sor.u32 @p0 s6, s5  }
0xab: {  	[sflag:s5] =	ssyncadd.remote.s32 @p0 $0x1;
	_ =	sdelay $0x1  }
0xac: {  	s5 =	simm.s32 @p0 $0x1B8D  }
0xad: {  	_ =	swait.eq @p0 [sflag:s5], $0x1  }
0xae: {  	[sflag:s5] =	ssyncadd.s32 @p0 $0xFFFFFFFF  }
0xaf: {  	s6 =	sshll.u32 @!p0 s1, $0xE  }
0xb0: {  	s6 =	sor.u32 @!p0 $0x4000, s6;
	s5 =	simm.s32 @!p0 $0x1B8D  }
0xb1: {  	s4 =	sshll.u32 @!p0 s4, $0x11;
	s6 =	sadd.s32 @!p0 $0x11B8D, s6;
	_ =	swait.eq @!p0 [sflag:s5], $0x1  }
0xb2: {  	s4 =	sor.u32 @!p0 s4, s6;
	[sflag:s5] =	ssyncadd.s32 @!p0 $0xFFFFFFFF  }
0xb3: {  	s25 =	simm.s32 $0x1B8E;
	s24 =	sld [smem:$0x3FFE];
	[sflag:s4] =	ssyncadd.remote.s32 @!p0 $0x1  }
0xb4: {  	s26 =	simm.s32 $execute0_lowered;
	[smem:$0x3FD2] =	sst s25  }
0xb5: {  	s5 =	sshll.u32 s26, $0x1;
	_ =	strace $0x8000004F;
	[dreg:$0x1] =	wrdreg $0xFFFFFFFF  }
0xb6: {  	s28 =	simm.s32 $_size_execute0_lowered;
	s3 =	sadd.s32 s3, s5;
	[dreg:$0x0] =	wrdreg $0x0  }
0xb7: {  	s5 =	sshll.u32 s28, $0x1;
	[dreg:$0x2] =	wrdreg s3  }
0xb8: {  	[dreg:$0x3] =	wrdreg s5  }
0xb9: {  	[dreg:$0x4] =	wrdreg $0xC0  }
0xba: {  	_ =	task [dreg:s22], $0x5FFFF  }
0xbb: {  	[dreg:$0x1] =	wrdreg $0xFFFFFFFF  }
0xbc: {  	[dreg:$0x0] =	wrdreg $0x60  }
0xbd: {  	[dreg:$0x2] =	wrdreg s24  }
0xbe: {  	[dreg:$0x3] =	wrdreg $0x41000  }
0xbf: {  	[dreg:$0x4] =	wrdreg $0xB  }
0xc0: {  	_ =	task.clear_ibuf [dreg:s22], $0x5FFFF;
	_ =	strace $0x9000004F  }
0xc1: {  	s29 =	simm.s32 $0xB;
	_ =	strace $0x80000051  }
0xc2: {  	_ =	swait.ge [sflag:s29], $0x1  }
0xc3: {  	[sflag:s29] =	ssyncadd.s32 $0xFFFFFFFF  }
0xc4: {  	_ =	strace $0x90000051  }
0xc5: {  	_ =	sfence  }
0xc6: {  	s30 =	sld [smem:$0x0];
	_ =	sdelay $0x2  }
0xc7: {  	s31 =	sshll.u32 s1, $0xD;
	s1 =	sshrl.u32 s1, $0x2  }
0xc8: {  	s4 =	sand.u32 $0x4000, s31;
	s1 =	sadd.s32 s1, s30  }
0xc9: {  	s0 =	sor.u32 s4, s0;
	s1 =	sshll.u32 s1, $0x11  }
0xca: {  	s0 =	sor.u32 s1, s0  }
0xcb: {  	s0 =	sadd.s32 $0x8F2B, s0  }
0xcc: {  	[sflag:s0] =	ssyncadd.remote.s32 $0x1  }
0xcd: {  	_ =	sfence.sel $0xFFFF  }
0xce: {  	[dreg:$0x0] =	wrdreg $0xFFFFFFFF;
	(pc) =	sbr.abs _section_cstart, $3  }
0xcf: {  	[dreg:$0x1] =	wrdreg $0xFFFFFFFF  }
0xd0: {  	_ =	task.clear_ibuf [dreg:s22], $0x2FFFF;
	_ =	strace $0x9FFFFFFF  }
0xd1: {  	(tm) =	ssettm $0x7FFFFFFF  }
tec
execute0_lowered:
.L_overlay_start_1:
0x0: {  	(tag) =	ssettag $0x1  }
0x1: {  	s7 =	rddreg [dreg:$0x0]  }
0x2: {  	s1 =	rddreg [dreg:$0x1];
	s2 =	srdreg.scid  }
0x3: {  	s0 =	rddreg [dreg:$0x2];
	s16 =	stileid.u32;
	s12 =	simm.s32 $0x2  }
0x4: {  	s13 =	simm.s32 $0x80;
	s14 =	simm.s32 $0x100;
	s15 =	simm.s32 $0x1  }
0x5: {  	s18 =	simm.s32 $0x0;
	s8 =	sand.u32 $0x1, s2;
	s9 =	smul.u32 $0x1F400, s16  }
0x6: {  	s2 =	simm.s32 $0x0;
	s3 =	sadd.s32 $0x24A00, s7;
	s11 =	smul.u32 $0x7D000, s16  }
0x7: {  	s4 =	sadd.s32 $0x72C00, s7;
	s5 =	sadd.s32 $0xCEA00, s7;
	s6 =	smul.u32 $0x138800, s8  }
0x8: {  	p0 =	sne.s32 s16, $0x0;
	p1 =	sgt.u32 s16, $0x9;
	[smem:$0x7FF] =	sst s2  }
0x9: {  	s10 =	ssub.s32 $0x2, s8;
	_ =	strace $0x80000050;
	s6 =	sadd.s32 s9, s6  }
0xa: {  	s31 =	sshrl.u32 s10, $0x1;
	s11 =	sshrl.u32 s11, $0x2;
	s9 =	sshrl.u32 s6, $0x3  }
0xb: {  	s10 =	ssub.s32 s10, s31;
	s17 =	sadd.s32 s11, s1;
	s9 =	sadd.s32 s9, s7  }
0xc: {  	s6 =	sadd.s32 $0x86C00, s7;
	s7 =	smul.u32 $0x50000, s8;
	s8 =	sadd.s32 $0xD8A00, s9  }
0xd: {  	s9 =	smax.u32 s10, $0x1;
	s10 =	smul.u32 $0x5000, s16;
	s16 =	sshll.u32 @!p1 s16, $0x6  }
0xe: {  	s11 =	sshrl.u32 @!p0 s1, $0x3;
	s17 =	sshrl.u32 @!p1 s17, $0x3;
	s16 =	sor.u32 @!p1 $0x1C02, s16  }
.LBB2_1:
0xf: {  	s19 =	simm.s32 @!p0 $0x1C02;
	s26 =	sadd.s32 $0x0, s10  }
0x10: {  	[spmem:s11], [sflag:s19] =	dma.local @!p0 [hbm:s6], $0x27200  }
0x11: {  	s20 =	simm.s32 @!p0 $0x2;
	s19 =	sand.u32 $0xFFC00, s26  }
0x12: {  	s21 =	sand.u32 $0x380, s2;
	_ =	swait.ge @!p0 [sflag:s20], $0x27200;
	s22 =	sadd.s32 s7, s19  }
0x13: {  	[sflag:s20] =	ssyncset.done @!p0 $0x0;
	s22 =	sor.u32 s21, s22  }
0x14: {  	[sflag:s20] =	ssyncadd.s32 @!p0 $0xFFFD8E00;
	s28 =	sshrl.u32 s22, $0x3  }
0x15: {  	[bflag:$0x0] =	sbarrier.arrive $0xFFFF;
	s20 =	sadd.s32 s4, s28  }
0x16: {  	[tilespmem:s2], [sflag:$0x2] =	stream.linear.gather [hbm4b:s20+s2], $0x80, $0x38;
	[tilespmem:$0x17A00] =	vst v63  }
0x17: {  	s19 =	sor.u32 s21, s19;
	_ =	swait.ge [sflag:s12], $0x80  }
0x18: {  	s19 =	sshrl.u32 s19, $0x3;
	[sflag:s12] =	ssyncset.done $0x0  }
0x19: {  	s19 =	sadd.s32 s5, s19;
	[sflag:s12] =	ssyncadd.s32 $0xFFFFFF80  }
0x1a: {  	[tilespmem:s13], [sflag:$0x2] =	stream.linear.gather [hbm4b:s19+s2], $0x80, $0x38;
	[tilespmem:$0x17A00] =	vst v63  }
0x1b: {  	_ =	swait.ge [sflag:s12], $0x80  }
0x1c: {  	s30 =	sadd.s32 $0x80, s10;
	[sflag:s12] =	ssyncset.done $0x0  }
0x1d: {  	s29 =	simm.s32 $0x80;
	s21 =	sand.u32 $0xFFC00, s30;
	[sflag:s12] =	ssyncadd.s32 $0xFFFFFF80  }
0x1e: {  	[tilespmem:s14], [sflag:$0x1] =	stream.indirect.gather [hbm4b:s3+s13], $0x80, s2, s13, $0xb8;
	[tilespmem:$0x17A00] =	vst v63  }
0x1f: {  	s31 =	sadd.s32 s7, s21;
	s20 =	sand.u32 $0x380, s29;
	_ =	swait.ge [sflag:s15], $0x4000  }
0x20: {  	s23 =	sor.u32 s20, s21;
	s21 =	sor.u32 s20, s31;
	[sflag:s15] =	ssyncset.done $0x0  }
0x21: {  	s20 =	sshrl.u32 s23, $0x3;
	s19 =	simm.s32 $0x100;
	[sflag:s15] =	ssyncadd.s32 $0xFFFFC000  }
.LBB2_2:
0x22: {  	p2 =	sne.s32 s19, $0x4F80  }
0x23: {  	s21 =	sshrl.u32 s21, $0x3;
	s22 =	smov.u32 s19;
	s19 =	sadd.s32 $0x80, s19  }
0x24: {  	[spmem:s1] =	stream.indirect.scatter.add.f32 [tilespmem:s14], [sflag:$0x2], $0x80, s13, s13, $0xb8;
	[tilespmem:$0x17A00] =	vst v63  }
0x25: {  	_ =	swait.ge [sflag:s12], $0x4000  }
0x26: {  	[sflag:s12] =	ssyncset.done $0x0  }
0x27: {  	s21 =	sadd.s32 s4, s21;
	[sflag:s12] =	ssyncadd.s32 $0xFFFFC000  }
0x28: {  	[tilespmem:s2], [sflag:$0x2] =	stream.linear.gather [hbm4b:s21+s2], $0x80, $0x38;
	[tilespmem:$0x17A00] =	vst v63  }
0x29: {  	_ =	swait.ge [sflag:s12], $0x80  }
0x2a: {  	[sflag:s12] =	ssyncset.done $0x0  }
0x2b: {  	s20 =	sadd.s32 s5, s20;
	[sflag:s12] =	ssyncadd.s32 $0xFFFFFF80  }
0x2c: {  	[tilespmem:s13], [sflag:$0x2] =	stream.linear.gather [hbm4b:s20+s2], $0x80, $0x38;
	[tilespmem:$0x17A00] =	vst v63  }
0x2d: {  	_ =	swait.ge [sflag:s12], $0x80  }
0x2e: {  	[sflag:s12] =	ssyncset.done $0x0  }
.Ltmp0:
0x2f: {  	s20 =	sadd.s32 s22, s10;
	[sflag:s12] =	ssyncadd.s32 $0xFFFFFF80;
	(pc) =	sbr.rel @p2 .LBB2_2-.Ltmp0, $4  }
0x30: {  	[tilespmem:s14], [sflag:$0x1] =	stream.indirect.gather [hbm4b:s3+s13], $0x80, s2, s13, $0xb8;
	[tilespmem:$0x17A00] =	vst v63  }
0x31: {  	s21 =	sand.u32 $0x380, s22;
	s20 =	sand.u32 $0xFFC00, s20;
	_ =	swait.ge [sflag:s15], $0x4000  }
0x32: {  	s22 =	sadd.s32 s7, s20;
	s20 =	sor.u32 s21, s20;
	[sflag:s15] =	ssyncset.done $0x0  }
0x33: {  	s21 =	sor.u32 s21, s22;
	s20 =	sshrl.u32 s20, $0x3;
	[sflag:s15] =	ssyncadd.s32 $0xFFFFC000  }
0x34: {  	[spmem:s1] =	stream.indirect.scatter.add.f32 [tilespmem:s14], [sflag:$0x2], $0x80, s13, s13, $0xb8;
	[tilespmem:$0x17A00] =	vst v63  }
0x35: {  	_ =	swait.ge [sflag:s12], $0x4000  }
0x36: {  	s19 =	sshrl.u32 s21, $0x3;
	[sflag:s12] =	ssyncset.done $0x0  }
0x37: {  	s19 =	sadd.s32 s4, s19;
	[sflag:s12] =	ssyncadd.s32 $0xFFFFC000  }
0x38: {  	[tilespmem:s2], [sflag:$0x2] =	stream.linear.gather [hbm4b:s19+s2], $0x80, $0x38;
	[tilespmem:$0x17A00] =	vst v63  }
0x39: {  	_ =	swait.ge [sflag:s12], $0x80  }
0x3a: {  	[sflag:s12] =	ssyncset.done $0x0  }
0x3b: {  	s31 =	sadd.s32 s5, s20;
	[sflag:s12] =	ssyncadd.s32 $0xFFFFFF80  }
0x3c: {  	[tilespmem:s13], [sflag:$0x2] =	stream.linear.gather [hbm4b:s31+s2], $0x80, $0x38;
	[tilespmem:$0x17A00] =	vst v63  }
0x3d: {  	_ =	swait.ge [sflag:s12], $0x80  }
0x3e: {  	[sflag:s12] =	ssyncset.done $0x0  }
0x3f: {  	[sflag:s12] =	ssyncadd.s32 $0xFFFFFF80  }
0x40: {  	[tilespmem:s14], [sflag:$0x1] =	stream.indirect.gather [hbm4b:s3+s13], $0x80, s2, s13, $0xb8;
	[tilespmem:$0x17A00] =	vst v63  }
0x41: {  	_ =	swait.ge [sflag:s15], $0x4000  }
0x42: {  	[sflag:s15] =	ssyncset.done $0x0  }
0x43: {  	[sflag:s15] =	ssyncadd.s32 $0xFFFFC000  }
0x44: {  	[spmem:s1] =	stream.indirect.scatter.add.f32 [tilespmem:s14], [sflag:$0x2], $0x80, s13, s13, $0xb8;
	[tilespmem:$0x17A00] =	vst v63  }
0x45: {  	_ =	swait.ge [sflag:s12], $0x4000  }
0x46: {  	s18 =	sadd.s32 $0x1, s18;
	[sflag:s12] =	ssyncset.done $0x0  }
0x47: {  	p2 =	sne.s32 s18, s9;
	[sflag:s12] =	ssyncadd.s32 $0xFFFFC000  }
.Ltmp1:
0x48: {  	s19 =	simm.s32 @!p1 $0x2;
	[bflag:$0x0] =	sbarrier.arrive $0xFFFF;
	(pc) =	sbr.rel @p2 .LBB2_1-.Ltmp1, $4  }
0x49: {  	[hbm:s8], [sflag:s16] =	dma.local @!p1 [spmem:s17], $0x3E80  }
0x4a: {  	_ =	swait.ge @!p1 [sflag:s19], $0x3E80  }
0x4b: {  	[sflag:s19] =	ssyncset.done @!p1 $0x0  }
0x4c: {  	[sflag:s19] =	ssyncadd.s32 @!p1 $0xFFFFC180  }
0x4d: {  	_ =	sfence.sel $0x180000  }
0x4e: {  	[bflag:$0x0] =	sbarrier.arrive $0xFFFF  }
0x4f: {  	_ =	strace $0x90000050  }
0x50: {  	s0 =	sadd.s32 @!p0 $0x100000, s0;
	[bflag:$0x2] =	sbarrier.arrive $0xFFFF  }
0x51: {  	[sflag:s0] =	ssyncadd.tile.s32 @!p0 $0x1;
	_ =	shalt  }
.Lfunc_end2:
_tile_overlayer_lowered:
.L_overlay_start_2:
0x52: {  	(tag) =	ssettag $0x2  }
0x53: {  	s0 =	rddreg [dreg:$0x0];
	s2 =	stileid.u32  }
0x54: {  	s1 =	rddreg [dreg:$0x1];
	p0 =	sne.s32 s2, $0x0  }
0x55: {  	s3 =	rddreg [dreg:$0x2];
	[bflag:$0x3] =	sbarrier.arrive $0xFFFF;
	s2 =	simm.s32 @!p0 $0x1C02  }
0x56: {  	[timem:s3], [sflag:s2] =	dma.local @!p0 [hbm:s0], s1  }
0x57: {  	s0 =	simm.s32 @!p0 $0x2  }
0x58: {  	_ =	swait.ge @!p0 [sflag:s0], s1  }
0x59: {  	s1 =	ssub.s32 @!p0 $0x0, s1;
	[sflag:s0] =	ssyncset.done @!p0 $0x0  }
0x5a: {  	[sflag:s0] =	ssyncadd.s32 @!p0 s1  }
0x5b: {  	[bflag:$0x3] =	sbarrier.arrive $0xFFFF  }
0x5c: {  	_ =	shalt  }

// kernel: sparse-core-data-format-call.cloned.1.call-start
scs
called_computation_lowered:
.L_overlay_start_0:
0x0: {  	s2 =	sld [smem:$0x3FD9]  }
0x1: {  	s3 =	sld [smem:$0x3FFE];
	_ =	sdelay $0x1  }
0x2: {  	s1 =	srdreg.scid  }
0x3: {  	s0 =	sand.u32 $0x1, s1  }
0x4: {  	s18 =	sshll.u32 s0, $0xA;
	s2 =	sadd.s32 s3, s2  }
0x5: {  	s2 =	sadd.s32 s2, s18  }
0x6: {  	[smem:$0x3FB6] =	sst s2  }
0x7: {  	_ = 	snop  }
0x8: {  	(tm) =	ssettm $0x1  }
0x9: {  	s19 =	sld [smem:$0x3FFB];
	_ =	sdelay $0x3  }
0xa: {  	_ =	strace s19  }
0xb: {  	s2 =	sld [smem:$0x3FFC];
	_ =	sdelay $0x3  }
0xc: {  	_ =	strace s2  }
0xd: {  	s2 =	sld [smem:$0x3FFD];
	_ =	sdelay $0x3  }
0xe: {  	_ =	strace s2  }
0xf: {  	_ =	strace $0x8FFFFFFF  }
0x10: {  	s20 =	sld [smem:$0x3FDB];
	_ =	sdelay $0x1  }
0x11: {  	s21 =	simm.s32 $_scs_section_size  }
0x12: {  	s4 =	simm.s32 $_size__tile_overlayer_lowered;
	s5 =	simm.s32 $_tile_overlayer_lowered  }
0x13: {  	s6 =	simm.s32 $0x1BFF;
	s22 =	sshll.u32 s5, $0x1;
	s3 =	sadd.s32 s21, s20  }
0x14: {  	s23 =	simm.s32 $0x0;
	s4 =	sshll.u32 s4, $0x1;
	s5 =	sadd.s32 s22, s3  }
0x15: {  	[timem:s23], [sflag:s6] =	dma.local [hbm:s5], s4  }
0x16: {  	_ =	swait.ge [sflag:s6], s4  }
0x17: {  	s4 =	ssub.s32 $0x0, s4;
	[sflag:s6] =	ssyncset.done $0x0  }
0x18: {  	[sflag:s6] =	ssyncadd.s32 s4;
	_ =	sdelay $0x1  }
0x19: {  	s24 =	simm.s32 $0x1B8B  }
0x1a: {  	_ =	swait.ge [sflag:s24], $0x1  }
0x1b: {  	[sflag:s24] =	ssyncset.done $0x0  }
0x1c: {  	[sflag:s24] =	ssyncadd.s32 $0xFFFFFFFF  }
0x1d: {  	s4 =	sld [smem:$0x0]  }
0x1e: {  	s5 =	sand.u32 $0xFFFFFFFE, s1  }
0x1f: {  	p0 =	sne.s32 s1, s5  }
0x20: {  	s5 =	sshll.u32 @p0 s5, $0xE  }
0x21: {  	s5 =	sadd.s32 @p0 $0x11B8D, s5;
	s6 =	sshll.u32 @p0 s4, $0x11  }
0x22: {  	s5 =	sor.u32 @p0 s6, s5  }
0x23: {  	[sflag:s5] =	ssyncadd.remote.s32 @p0 $0x1;
	_ =	sdelay $0x1  }
0x24: {  	s5 =	simm.s32 @p0 $0x1B8D  }
0x25: {  	_ =	swait.eq @p0 [sflag:s5], $0x1  }
0x26: {  	[sflag:s5] =	ssyncadd.s32 @p0 $0xFFFFFFFF  }
0x27: {  	s6 =	sshll.u32 @!p0 s1, $0xE  }
0x28: {  	s6 =	sor.u32 @!p0 $0x4000, s6;
	s5 =	simm.s32 @!p0 $0x1B8D  }
0x29: {  	s4 =	sshll.u32 @!p0 s4, $0x11;
	s6 =	sadd.s32 @!p0 $0x11B8D, s6;
	_ =	swait.eq @!p0 [sflag:s5], $0x1  }
0x2a: {  	s4 =	sor.u32 @!p0 s4, s6;
	[sflag:s5] =	ssyncadd.s32 @!p0 $0xFFFFFFFF  }
0x2b: {  	s26 =	simm.s32 $0x1B8E;
	s25 =	sld [smem:$0x3FFE];
	[sflag:s4] =	ssyncadd.remote.s32 @!p0 $0x1  }
0x2c: {  	s27 =	simm.s32 $execute0_lowered;
	[smem:$0x3FD2] =	sst s26  }
0x2d: {  	s5 =	sshll.u32 s27, $0x1;
	_ =	strace $0x8000004C;
	[dreg:$0x1] =	wrdreg $0xFFFFFFFF  }
0x2e: {  	s28 =	simm.s32 $_size_execute0_lowered;
	s3 =	sadd.s32 s3, s5;
	[dreg:$0x0] =	wrdreg $0x0  }
0x2f: {  	s5 =	sshll.u32 s28, $0x1;
	[dreg:$0x2] =	wrdreg s3  }
0x30: {  	[dreg:$0x3] =	wrdreg s5  }
0x31: {  	[dreg:$0x4] =	wrdreg $0xC0  }
0x32: {  	_ =	task [dreg:s23], $0x5FFFF  }
0x33: {  	[dreg:$0x1] =	wrdreg $0xFFFFFFFF  }
0x34: {  	[dreg:$0x0] =	wrdreg $0x60  }
0x35: {  	[dreg:$0x2] =	wrdreg s25  }
0x36: {  	[dreg:$0x3] =	wrdreg $0xA  }
0x37: {  	_ =	task.clear_ibuf [dreg:s23], $0x4FFFF;
	_ =	strace $0x9000004C  }
0x38: {  	s29 =	simm.s32 $0xA;
	_ =	strace $0x8000004E  }
0x39: {  	_ =	swait.ge [sflag:s29], $0x1  }
0x3a: {  	[sflag:s29] =	ssyncadd.s32 $0xFFFFFFFF  }
0x3b: {  	_ =	strace $0x9000004E  }
0x3c: {  	_ =	sfence  }
0x3d: {  	s30 =	sld [smem:$0x0];
	_ =	sdelay $0x2  }
0x3e: {  	s31 =	sshll.u32 s1, $0xD;
	s1 =	sshrl.u32 s1, $0x2  }
0x3f: {  	s4 =	sand.u32 $0x4000, s31;
	s1 =	sadd.s32 s1, s30  }
0x40: {  	s0 =	sor.u32 s4, s0;
	s1 =	sshll.u32 s1, $0x11  }
0x41: {  	s0 =	sor.u32 s1, s0  }
0x42: {  	s0 =	sadd.s32 $0x8F2B, s0  }
0x43: {  	[sflag:s0] =	ssyncadd.remote.s32 $0x1  }
0x44: {  	_ =	sfence.sel $0xFFFF  }
0x45: {  	[dreg:$0x0] =	wrdreg $0xFFFFFFFF;
	(pc) =	sbr.abs _section_cstart, $3  }
0x46: {  	[dreg:$0x1] =	wrdreg $0xFFFFFFFF  }
0x47: {  	_ =	task.clear_ibuf [dreg:s23], $0x2FFFF;
	_ =	strace $0x9FFFFFFF  }
0x48: {  	(tm) =	ssettm $0x7FFFFFFF  }
0x49: {  	_ =	shalt  }
tec
execute0_lowered:
.L_overlay_start_1:
0x0: {  	(tag) =	ssettag $0x1  }
0x1: {  	s0 =	stileid.u32;
	s1 =	srdreg.scid  }
0x2: {  	s7 =	rddreg [dreg:$0x0];
	s31 =	simm.s32 $0x2;
	s15 =	simm.s32 $0x0  }
0x3: {  	s9 =	simm.s32 $0x20;
	s2 =	sshll.u32 s0, $0x8;
	s1 =	sshll.u32 s1, $0xC  }
0x4: {  	s10 =	simm.s32 $0x100;
	s1 =	sor.u32 s2, s1;
	s2 =	sand.u32 $0x1, s0  }
0x5: {  	s11 =	simm.s32 $0x0;
	s1 =	sand.u32 $0x1E00, s1;
	s4 =	ssub.s32 $0x2, s2  }
0x6: {  	s16 =	simm.s32 $0x0;
	s3 =	ssub.s32 $0x50000, s1;
	s6 =	sshrl.u32 s4, $0x1  }
0x7: {  	s4 =	sand.u32 $0x1, s4;
	s5 =	sand.u32 $0x1E00, s3;
	s8 =	sshrl.u32 s3, $0xD  }
0x8: {  	s3 =	rddreg [dreg:$0x1];
	p0 =	sne.s32 s5, $0x0;
	s5 =	simm.s32 $0x1  }
.Ltmp0:
0x9: {  	s6 =	sadd.s32 s4, s6;
	s5 =	simm.s32 @!p0 $0x0;
	(pc) =	sbr.rel .LBB1_1-.Ltmp0, $4  }
0xa: {  	_ =	strace $0x8000004D;
	s4 =	simm.s32 $0x1;
	s5 =	sadd.s32 s5, s8  }
0xb: {  	s14 =	simm.s32 $0x0;
	[sflag:s4] =	ssyncpa.u1 $0x0;
	s5 =	smul.u32 s6, s5  }
0xc: {  	s13 =	smov.u32 s2;
	s12 =	smov.u32 s1;
	[sflag:s31] =	ssyncpa.u1 $0x0  }
0xd: {  	s6 =	sadd.s32 $0x2B8A00, s7;
	s7 =	sadd.s32 $0xCB8A00, s7;
	s8 =	sadd.s32 $0x1, s5  }
.LBB1_4:
0xe: {  	_ =	sdelay $0x1  }
0xf: {  	s16 =	sshll.u32 s16, $0x4  }
0x10: {  	s16 =	sand.u32 $0x10, s16  }
0x11: {  	[tilespmem:v1+s17+$0x0 ss:$0x1] =	vst.idx.msk $0xffff, v2;
	s15 =	sshll.u32 s15, $0x5;
	s16 =	sadd.s32 s7, s16  }
0x12: {  	[tilespmem:v1+s17+$0xFFFFFFF0 ss:$0x1] =	vst.idx.msk $0xffff, v3;
	s15 =	sadd.s32 s15, s16  }
0x13: {  	[hbm4b:s15+s9] =	stream.strided.scatter [tilespmem:s18], [sflag:$0x2], $0x4000, s10, s9, $0x38;
	[tilespmem:$0x10000] =	vst v63  }
.LBB1_5:
0x14: {  	s17 =	sadd.s32 $0x2000, s12  }
0x15: {  	s15 =	sadd.s32 $0x2, s13;
	s19 =	smov.u32 s13;
	p1 =	sgt.s32 s17, $0x4FFFF  }
0x16: {  	s19 =	smov.u32 @p1 s15  }
0x17: {  	s17 =	smov.u32 @p1 s1;
	p1 =	sgt.s32 s19, $0x1  }
0x18: {  	s19 =	smov.u32 @p1 s2;
	p1 =	sne.s32 s14, s8  }
.Ltmp1:
0x19: {  	p0 =	slt.u32 s14, $0x2;
	(pc) =	sbr.rel @!p1 .LBB1_6-.Ltmp1, $4  }
0x1a: {  	s18 =	simm.s32 @!p0 $0x2  }
0x1b: {  	s16 =	smov.u32 s13;
	s11 =	sadd.s32 $0x4000, s11;
	_ =	swait.ge @!p0 [sflag:s18], $0x4000  }
0x1c: {  	s15 =	smov.u32 s12;
	[sflag:s18] =	ssyncset.done @!p0 $0x0;
	s12 =	smov.u32 s17  }
0x1d: {  	s14 =	sadd.s32 $0x1, s14;
	[sflag:s18] =	ssyncadd.s32 @!p0 $0xFFFFC000;
	s13 =	smov.u32 s19  }
.LBB1_1:
0x1e: {  	p0 =	sge.u32 s14, s5  }
0x1f: {  	s17 =	sand.u32 @!p0 $0x1FFFFFF, s12  }
0x20: {  	s18 =	smulhi.u32 @!p0 $0xCCCCCD, s17;
	_ =	sdelay $0x1  }
0x21: {  	s18 =	sshrl.u32 @!p0 s18, $0xA  }
0x22: {  	s18 =	smul.u32 @!p0 $0x50000, s18  }
0x23: {  	s19 =	sxor.u32 @!p0 $0xFFFFFFFF, s14;
	s20 =	smul.u32 @!p0 $0x500000, s13  }
0x24: {  	s31 =	sadd.s32 $0xFFFFFFFF, s14;
	s19 =	sshll.u32 @!p0 s19, $0xE;
	s17 =	ssub.s32 @!p0 s17, s18  }
0x25: {  	s18 =	sand.u32 @!p0 $0x4000, s19;
	s19 =	sadd.s32 @!p0 s6, s20;
	s17 =	sshll.u32 @!p0 s17, $0x4  }
0x26: {  	s20 =	simm.s32 @!p0 $0x80;
	s17 =	sadd.s32 @!p0 s17, s19;
	s19 =	simm.s32 @!p0 $0x20  }
0x27: {  	[tilespmem:s18], [sflag:$0x1] =	stream.strided.gather @!p0 [hbm4b:s17+s19], $0x4000, s20, s19, $0x38;
	[tilespmem:$0x10000] =	vst v63  }
0x28: {  	p0 =	sge.u32 s31, s5  }
.Ltmp2:
0x29: {  	_ = 	snop;
	(pc) =	sbr.rel @p0 .LBB1_5-.Ltmp2, $1  }
0x2a: {  	_ =	sdelay $0x3  }
0x2b: {  	s18 =	sand.u32 $0x4000, s11  }
0x2c: {  	s17 =	sor.u32 $0x10, s18  }
0x2d: {  	v0 =	vmov s17;
	_ =	sdelay $0x1  }
0x2e: {  	_ =	swait.ge [sflag:s4], $0x4000  }
0x2f: {  	[sflag:s4] =	ssyncset.done $0x0  }
0x30: {  	s19 =	sshll.u32 s14, $0xE;
	[sflag:s4] =	ssyncadd.s32 $0xFFFFC000;
	s17 =	simm.s32 $0x0  }
0x31: {  	s20 =	sor.u32 $0x8010, s18;
	s31 =	sand.u32 $0x4000, s19;
	v2 =	vld.idx.msk [tilespmem:v0+s17+$0x0 ss:$0x1], $0xffff  }
0x32: {  	s19 =	simm.s32 $0x80;
	s18 =	sor.u32 $0x8000, s31;
	v1 =	vmov s20;
	v3 =	vld.idx.msk [tilespmem:v0+s17+$0xFFFFFFF0 ss:$0x1], $0xffff  }
.LBB1_3:
0x33: {  	p0 =	sne.s32 s19, $0xFF80  }
.Ltmp3:
0x34: {  	_ = 	snop;
	(pc) =	sbr.rel @p0 .LBB1_3-.Ltmp3, $4  }
0x35: {  	_ = 	snop  }
0x36: {  	s20 =	sshra.s32 s19, $0x2;
	s19 =	sadd.s32 $0x80, s19  }
0x37: {  	[tilespmem:v1+s17+$0x0 ss:$0x1] =	vst.idx.msk $0xffff, v2;
	v2 =	vld.idx.msk [tilespmem:v0+s20+$0x0 ss:$0x1], $0xffff  }
0x38: {  	[tilespmem:v1+s17+$0xFFFFFFF0 ss:$0x1] =	vst.idx.msk $0xffff, v3;
	v3 =	vld.idx.msk [tilespmem:v0+s20+$0xFFFFFFF0 ss:$0x1], $0xffff;
	s17 =	smov.u32 s20  }
.Ltmp4:
0x39: {  	_ = 	snop;
	(pc) =	sbr.rel .LBB1_4-.Ltmp4, $1  }
0x3a: {  	_ =	sdelay $0x3  }
.LBB1_6:
0x3b: {  	_ =	sfence.sel $0x180000  }
0x3c: {  	s1 =	simm.s32 $0x1;
	[bflag:$0x0] =	sbarrier.arrive $0xFFFF  }
0x3d: {  	s31 =	simm.s32 $0x2;
	[sflag:s1] =	ssyncpa.u1 $0x1  }
0x3e: {  	[sflag:s31] =	ssyncpa.u1 $0x1  }
0x3f: {  	p0 =	sne.s32 s0, $0x0;
	_ =	strace $0x9000004D  }
0x40: {  	s0 =	sadd.s32 @!p0 $0x100000, s3;
	[bflag:$0x2] =	sbarrier.arrive $0xFFFF  }
0x41: {  	[sflag:s0] =	ssyncadd.tile.s32 @!p0 $0x1;
	_ =	shalt  }
.Lfunc_end1:
_tile_overlayer_lowered:
.L_overlay_start_2:
0x42: {  	(tag) =	ssettag $0x2  }
0x43: {  	s0 =	rddreg [dreg:$0x0];
	s2 =	stileid.u32  }
0x44: {  	s1 =	rddreg [dreg:$0x1];
	p0 =	sne.s32 s2, $0x0  }
0x45: {  	s3 =	rddreg [dreg:$0x2];
	[bflag:$0x3] =	sbarrier.arrive $0xFFFF;
	s2 =	simm.s32 @!p0 $0x1C01  }
0x46: {  	[timem:s3], [sflag:s2] =	dma.local @!p0 [hbm:s0], s1  }
0x47: {  	s0 =	simm.s32 @!p0 $0x1  }
0x48: {  	_ =	swait.ge @!p0 [sflag:s0], s1  }
0x49: {  	s1 =	ssub.s32 @!p0 $0x0, s1;
	[sflag:s0] =	ssyncset.done @!p0 $0x0  }
0x4a: {  	[sflag:s0] =	ssyncadd.s32 @!p0 s1  }
0x4b: {  	[bflag:$0x3] =	sbarrier.arrive $0xFFFF  }
0x4c: {  	_ =	shalt  }

</sc_bundles>
